<compile_context>
chip_gen: v7x
topology: tpu7x:2x2x1
jax: 0.10.2.dev20260603
libtpu: 0.0.44.dev20260713+nightly
codegen_flags: <defaults>
</compile_context>

<pallas_src>
import jax
import jax.numpy as jnp
from jax import lax
from jax.experimental import pallas as pl
from jax.experimental.pallas import tpu as pltpu
from jax.experimental.pallas import tpu_sc as plsc

N = 10000
E = 160000
D_IN = 256
D_HID = 128
D_OUT = 64

NC = 2
NS = 16
NW = NC * NS
CHUNK = 128
NCH = (E + NW * CHUNK - 1) // (NW * CHUNK)
EPAD = NW * NCH * CHUNK
NP = 10240
RPT = NP // NS



def _sc_body(with_deg, d, table, edges, zrows, zdeg, ones_in,
             out_acc, out_deg, src_v, dst_v, rows, ones_v, acc_sh,
             deg_sh, gsems, ssems, esems):
    c = lax.axis_index("c")
    s = lax.axis_index("s")
    wid = s * NC + c
    tail = (E - (NW - 1) * NCH * CHUNK) // CHUNK
    trip2 = jnp.where(wid == NW - 1, tail // 2, NCH // 2)

    pltpu.sync_copy(zrows, rows[0])
    pltpu.sync_copy(edges.at[0, wid], src_v)
    pltpu.sync_copy(edges.at[1, wid], dst_v)
    for z in range(RPT // CHUNK):
        pltpu.sync_copy(rows[0], acc_sh.at[pl.ds(s * RPT + z * CHUNK, CHUNK)])
    if with_deg:
        pltpu.sync_copy(zdeg, deg_sh.at[pl.ds(s * RPT, RPT)])
        pltpu.sync_copy(ones_in, ones_v)
    plsc.subcore_barrier()


    def block(j, width, carry):
        gh = []
        for k in range(width):
            @pl.when(j >= 2)
            def _():
                pltpu.make_async_copy(table.at[src_v.at[j + k]], rows[k],
                                      ssems[k]).wait()
                if with_deg:
                    pltpu.make_async_copy(ones_in, ones_v, esems[k]).wait()
            gh.append(pltpu.async_copy(table.at[src_v.at[j + k]], rows[k],
                                       gsems[k]))
        for k in range(width):
            gh[k].wait()
            pltpu.async_copy(rows[k], acc_sh.at[dst_v.at[j + k]],
                             ssems[k], add=True)
            if with_deg:
                pltpu.async_copy(ones_v, deg_sh.at[dst_v.at[j + k]],
                                 esems[k], add=True)
        return carry

    lax.fori_loop(0, trip2, lambda j2, cy: block(2 * j2, 2, cy), 0)
    for k in range(2):
        pltpu.make_async_copy(table.at[src_v.at[0]], rows[k],
                              ssems[k]).wait()
        if with_deg:
            pltpu.make_async_copy(ones_in, ones_v, esems[k]).wait()
    plsc.subcore_barrier()

    pltpu.sync_copy(acc_sh.at[pl.ds(s * RPT, RPT)],
                    out_acc.at[c, pl.ds(s * RPT, RPT)])
    if with_deg:
        pltpu.sync_copy(deg_sh.at[pl.ds(s * RPT, RPT)],
                        out_deg.at[c, pl.ds(s * RPT, RPT)])


def _make_sc_scatter(d, with_deg):
    mesh = plsc.VectorSubcoreMesh(core_axis_name="c", subcore_axis_name="s",
                                  num_cores=NC, num_subcores=NS)
    out_type = [jax.ShapeDtypeStruct((NC, NP, d), jnp.float32)]
    if with_deg:
        out_type.append(jax.ShapeDtypeStruct((NC, NP), jnp.float32))
    scratch = [
        pltpu.VMEM((NCH, CHUNK), jnp.int32),
        pltpu.VMEM((NCH, CHUNK), jnp.int32),
        pltpu.VMEM((CHUNK, d), jnp.float32),
        pltpu.VMEM((CHUNK, d), jnp.float32),
        pltpu.VMEM((CHUNK,), jnp.float32),
        pltpu.VMEM_SHARED((NP, d), jnp.float32),
        pltpu.VMEM_SHARED((NP,), jnp.float32),
    ] + [pltpu.SemaphoreType.DMA] * 6

    if with_deg:
        def body(table, edges, zrows, zdeg, ones_in, out_acc, out_deg,
                 src_v, dst_v, r0, r1, ones_v, acc_sh, deg_sh, *sems):
            _sc_body(True, d, table, edges, zrows, zdeg, ones_in,
                     out_acc, out_deg, src_v, dst_v, (r0, r1), ones_v,
                     acc_sh, deg_sh, sems[0:2], sems[2:4], sems[4:6])
    else:
        def body(table, edges, zrows, out_acc,
                 src_v, dst_v, r0, r1, ones_v, acc_sh, deg_sh, *sems):
            _sc_body(False, d, table, edges, zrows, None, None,
                     out_acc, None, src_v, dst_v, (r0, r1), ones_v,
                     acc_sh, deg_sh, sems[0:2], sems[2:4], sems[4:6])

    return pl.kernel(body, out_type=out_type, mesh=mesh,
                     scratch_types=scratch)



BM = 2000


def _dotT(x, w):
    return lax.dot_general(x, w, (((1,), (1,)), ((), ())),
                           preferred_element_type=jnp.float32)


def _mm_body(x_ref, w_ref, o_ref):
    o_ref[...] = _dotT(x_ref[...], w_ref[...])


def _mmb_body(x_ref, w_ref, b_ref, o_ref):
    o_ref[...] = _dotT(x_ref[...], w_ref[...]) + b_ref[...]


def _h_body(sa_ref, sb_ref, da_ref, db_ref, r_ref, h_ref):
    invd = 1.0 / jnp.maximum(da_ref[...] + db_ref[...], 1.0)
    h_ref[...] = jnp.maximum((sa_ref[0] + sb_ref[0]) * invd + r_ref[...], 0.0)


def _ha_body(sa_ref, sb_ref, da_ref, db_ref, r_ref, w_ref, h_ref, a_ref):
    invd = 1.0 / jnp.maximum(da_ref[...] + db_ref[...], 1.0)
    h = jnp.maximum((sa_ref[0] + sb_ref[0]) * invd + r_ref[...], 0.0)
    h_ref[...] = h
    a_ref[...] = _dotT(h, w_ref[...])


def _fin_body(sa_ref, sb_ref, da_ref, db_ref, r_ref, w_ref, o_ref):
    invd = 1.0 / jnp.maximum(da_ref[...] + db_ref[...], 1.0)
    mean = (sa_ref[0] + sb_ref[0]) * invd
    o_ref[...] = _dotT(mean, w_ref[...]) + r_ref[...]


def _row_spec(dcol):
    return pl.BlockSpec((BM, dcol), lambda i: (i, 0))


def _part_spec(dcol, core):
    return pl.BlockSpec((1, BM, dcol), lambda i, c=core: (c, i, 0))


def _full_spec(r, c):
    return pl.BlockSpec((r, c), lambda i: (0, 0))


def _shape(dcol):
    return jax.ShapeDtypeStruct((N, dcol), jnp.float32)


def _tc_mm(x, w):
    dout, din = w.shape
    return pl.pallas_call(
        _mm_body, grid=(N // BM,),
        in_specs=[_row_spec(din), _full_spec(dout, din)],
        out_specs=_row_spec(dout), out_shape=_shape(dout))(x, w)


def _tc_mmb(x, w, b):
    dout, din = w.shape
    return pl.pallas_call(
        _mmb_body, grid=(N // BM,),
        in_specs=[_row_spec(din), _full_spec(dout, din), _full_spec(1, dout)],
        out_specs=_row_spec(dout), out_shape=_shape(dout))(x, w, b[None, :])


def _tc_h(s2c, da, db, r):
    din = s2c.shape[2]
    return pl.pallas_call(
        _h_body, grid=(N // BM,),
        in_specs=[_part_spec(din, 0), _part_spec(din, 1), _row_spec(1),
                  _row_spec(1), _row_spec(din)],
        out_specs=_row_spec(din), out_shape=_shape(din))(s2c, s2c, da, db, r)


def _tc_ha(s2c, da, db, r, w):
    din = s2c.shape[2]
    dout = w.shape[0]
    return pl.pallas_call(
        _ha_body, grid=(N // BM,),
        in_specs=[_part_spec(din, 0), _part_spec(din, 1), _row_spec(1),
                  _row_spec(1), _row_spec(din), _full_spec(dout, din)],
        out_specs=[_row_spec(din), _row_spec(dout)],
        out_shape=[_shape(din), _shape(dout)])(s2c, s2c, da, db, r, w)


def _tc_fin(s2c, da, db, r, w):
    din = s2c.shape[2]
    dout = w.shape[0]
    return pl.pallas_call(
        _fin_body, grid=(N // BM,),
        in_specs=[_part_spec(din, 0), _part_spec(din, 1), _row_spec(1),
                  _row_spec(1), _row_spec(dout), _full_spec(dout, din)],
        out_specs=_row_spec(dout), out_shape=_shape(dout))(
            s2c, s2c, da, db, r, w)



@jax.jit
def kernel(x, edge_index, Wl0, bl0, Wr0, Wl1, bl1, Wr1, Wl2, bl2, Wr2):
    edges = jnp.pad(edge_index, ((0, 0), (0, EPAD - E)))
    edges = edges.reshape(2, NW, NCH, CHUNK)

    zrows128 = jnp.zeros((CHUNK, D_HID), jnp.float32)
    zdeg = jnp.zeros((RPT,), jnp.float32)
    ones_in = jnp.ones((CHUNK,), jnp.float32)

    sc0 = _make_sc_scatter(D_HID, True)
    sc1 = _make_sc_scatter(D_HID, False)

    a0 = _tc_mm(x, Wl0)
    s0, deg = sc0(a0, edges, zrows128, zdeg, ones_in)
    r0 = _tc_mmb(x, Wr0, bl0)
    da = deg[0, :N, None]
    db = deg[1, :N, None]

    h1, a1 = _tc_ha(s0, da, db, r0, Wl1)
    (s1,) = sc1(a1, edges, zrows128)
    r1 = _tc_mmb(h1, Wr1, bl1)

    h2 = _tc_h(s1, da, db, r1)
    (s2,) = sc1(h2, edges, zrows128)
    r2 = _tc_mmb(h2, Wr2, bl2)

    return _tc_fin(s2, da, db, r2, Wl2)

# --- scband reference (transcript-rebuilt; emitter-appended) ---
"""Pipeline reference for scband-graph-sage-16492674416823 (READ-ONLY COPY).

The authoritative reference and input builder live on the scoring server;
editing this copy changes nothing except your own understanding.
"""

import jax, jax.numpy as jnp
import numpy as np

N = 10000
E = 160000
D_IN = 256
D_HID = 128
D_OUT = 64


def _glorot(k, shape):
    fan_out, fan_in = shape
    limit = float(np.sqrt(6.0 / (fan_in + fan_out)))
    return jax.random.uniform(k, shape, minval=-limit, maxval=limit, dtype=jnp.float32)


def setup_inputs(seed: int = 0) -> dict:
    key = jax.random.key(seed)
    ks = jax.random.split(key, 10)
    x = jax.random.normal(ks[0], (N, D_IN), dtype=jnp.float32)
    edge_index = jax.random.randint(ks[1], (2, E), 0, N, dtype=jnp.int32)
    Wl0 = _glorot(ks[2], (D_HID, D_IN)); bl0 = jnp.zeros((D_HID,), dtype=jnp.float32); Wr0 = _glorot(ks[3], (D_HID, D_IN))
    Wl1 = _glorot(ks[4], (D_HID, D_HID)); bl1 = jnp.zeros((D_HID,), dtype=jnp.float32); Wr1 = _glorot(ks[5], (D_HID, D_HID))
    Wl2 = _glorot(ks[6], (D_OUT, D_HID)); bl2 = jnp.zeros((D_OUT,), dtype=jnp.float32); Wr2 = _glorot(ks[7], (D_OUT, D_HID))
    return {"x": x, "edge_index": edge_index,
            "Wl0": Wl0, "bl0": bl0, "Wr0": Wr0,
            "Wl1": Wl1, "bl1": bl1, "Wr1": Wr1,
            "Wl2": Wl2, "bl2": bl2, "Wr2": Wr2}


def _sage_conv(x, edge_index, Wl, bl, Wr):
    # PyG SAGEConv (aggr='mean'): out = lin_l(mean_{j in N(i)} x_j) + lin_r(x_i)
    src = edge_index[0]
    dst = edge_index[1]
    msgs = jnp.take(x, src, axis=0)
    summed = jax.ops.segment_sum(msgs, dst, num_segments=N)
    deg = jax.ops.segment_sum(jnp.ones((E,), dtype=x.dtype), dst, num_segments=N)
    mean = summed / jnp.clip(deg, 1.0, None)[:, None]
    return mean @ Wl.T + bl + x @ Wr.T


def reference(x, edge_index, Wl0, bl0, Wr0, Wl1, bl1, Wr1, Wl2, bl2, Wr2):
    # eval mode: dropout is identity
    h = jax.nn.relu(_sage_conv(x, edge_index, Wl0, bl0, Wr0))
    h = jax.nn.relu(_sage_conv(h, edge_index, Wl1, bl1, Wr1))
    out = _sage_conv(h, edge_index, Wl2, bl2, Wr2)
    return out

if __name__ == "__main__":
    import jax
    _d = setup_inputs()
    print(jax.jit(kernel)(*tuple(_d.values())))

</pallas_src>

<mosaic_0001>
#map = affine_map<(d0, d1) -> (0, 0)>
#map1 = affine_map<(d0, d1) -> (0, 0, 0, 0)>
#map2 = affine_map<(d0, d1) -> (0)>
#map3 = affine_map<(d0, d1) -> (0, 0, 0)>
module attributes {stable_mosaic.version = 14 : i64} {
  func.func @body(%arg0: i32, %arg1: i32, %arg2: memref<10000x128xf32, #tpu.memory_space<hbm>>, %arg3: memref<2x32x40x128xi32, #tpu.memory_space<hbm>>, %arg4: memref<128x128xf32, #tpu.memory_space<hbm>>, %arg5: memref<640xf32, #tpu.memory_space<hbm>>, %arg6: memref<128xf32, #tpu.memory_space<hbm>>, %arg7: memref<2x10240x128xf32, #tpu.memory_space<hbm>>, %arg8: memref<2x10240xf32, #tpu.memory_space<hbm>>, %arg9: memref<40x128xi32, #tpu.memory_space<vmem>>, %arg10: memref<40x128xi32, #tpu.memory_space<vmem>>, %arg11: memref<128x128xf32, #tpu.memory_space<vmem>>, %arg12: memref<128x128xf32, #tpu.memory_space<vmem>>, %arg13: memref<128xf32, #tpu.memory_space<vmem>>, %arg14: memref<10240x128xf32, #tpu.memory_space<vmem_shared>>, %arg15: memref<10240xf32, #tpu.memory_space<vmem_shared>>, %arg16: memref<!tpu.dma_semaphore, #tpu.memory_space<semaphore_mem>>, %arg17: memref<!tpu.dma_semaphore, #tpu.memory_space<semaphore_mem>>, %arg18: memref<!tpu.dma_semaphore, #tpu.memory_space<semaphore_mem>>, %arg19: memref<!tpu.dma_semaphore, #tpu.memory_space<semaphore_mem>>, %arg20: memref<!tpu.dma_semaphore, #tpu.memory_space<semaphore_mem>>, %arg21: memref<!tpu.dma_semaphore, #tpu.memory_space<semaphore_mem>>) attributes {dimension_semantics = [#tpu.dimension_semantics<core_parallel>, #tpu.dimension_semantics<subcore_parallel>], iteration_bounds = array<i64: 2, 16>, scalar_prefetch = 0 : i64, scratch_operands = 13 : i64, tpu.core_type = #tpu.core_type<sc_vector_subcore>, window_params = [{transform_indices = #map}, {transform_indices = #map1}, {transform_indices = #map}, {transform_indices = #map2}, {transform_indices = #map2}, {transform_indices = #map3}, {transform_indices = #map}]} {
    %mul3A = arith.constant 2 : i32
    %mul3A_0 = arith.muli %arg1, %mul3A : i32
    %add3A = arith.addi %mul3A_0, %arg0 : i32
    %eq3A = arith.constant 31 : i32
    %eq3A_1 = arith.cmpi eq, %add3A, %eq3A : i32
    %jit3A = arith.constant 5 : i32
    %jit3A_2 = arith.constant 20 : i32
    %select_n3A = arith.select %eq3A_1, %jit3A, %jit3A_2 : i32
    "tpu.region"() ({
      %run_scoped3A_57 = tpu.sem_alloc : memref<!tpu.dma_semaphore, #tpu.memory_space<semaphore_mem>>
      tpu.enqueue_dma source(%arg4 : memref<128x128xf32, #tpu.memory_space<hbm>>) target(%arg11 : memref<128x128xf32, #tpu.memory_space<vmem>>) target_semaphore(%run_scoped3A_57 : memref<!tpu.dma_semaphore, #tpu.memory_space<semaphore_mem>>)
      tpu.wait_dma2 semaphore(%run_scoped3A_57 : memref<!tpu.dma_semaphore, #tpu.memory_space<semaphore_mem>>) src(%arg4 : memref<128x128xf32, #tpu.memory_space<hbm>>) dst(%arg11 : memref<128x128xf32, #tpu.memory_space<vmem>>)
      tpu.yield
    }) : () -> ()
    %run_scoped3A = arith.constant 0 : i32
    "tpu.region"() ({
      %run_scoped3A_57 = tpu.sem_alloc : memref<!tpu.dma_semaphore, #tpu.memory_space<semaphore_mem>>
      %dma_start3A = arith.constant 0 : i32
      %dma_start3A_58 = arith.constant 0 : i32
      %dma_start3A_59 = tpu.memref_slice %arg3[%run_scoped3A, %add3A, %dma_start3A, %dma_start3A_58] : memref<2x32x40x128xi32, #tpu.memory_space<hbm>> -> memref<1x1x40x128xi32, #tpu.memory_space<hbm>>
      %dma_start3A_60 = tpu.memref_squeeze %dma_start3A_59 : memref<1x1x40x128xi32, #tpu.memory_space<hbm>> -> memref<40x128xi32, #tpu.memory_space<hbm>>
      %dma_start3A_61 = arith.constant 0 : i32
      %dma_start3A_62 = arith.constant 0 : i32
      %dma_start3A_63 = tpu.memref_slice %arg3[%run_scoped3A, %add3A, %dma_start3A_61, %dma_start3A_62] : memref<2x32x40x128xi32, #tpu.memory_space<hbm>> -> memref<1x1x40x128xi32, #tpu.memory_space<hbm>>
      %dma_start3A_64 = tpu.memref_squeeze %dma_start3A_63 : memref<1x1x40x128xi32, #tpu.memory_space<hbm>> -> memref<40x128xi32, #tpu.memory_space<hbm>>
      tpu.enqueue_dma source(%dma_start3A_64 : memref<40x128xi32, #tpu.memory_space<hbm>>) target(%arg9 : memref<40x128xi32, #tpu.memory_space<vmem>>) target_semaphore(%run_scoped3A_57 : memref<!tpu.dma_semaphore, #tpu.memory_space<semaphore_mem>>)
      %dma_wait3A_65 = arith.constant 0 : i32
      %dma_wait3A_66 = arith.constant 0 : i32
      %dma_wait3A_67 = tpu.memref_slice %arg3[%run_scoped3A, %add3A, %dma_wait3A_65, %dma_wait3A_66] : memref<2x32x40x128xi32, #tpu.memory_space<hbm>> -> memref<1x1x40x128xi32, #tpu.memory_space<hbm>>
      %dma_wait3A_68 = tpu.memref_squeeze %dma_wait3A_67 : memref<1x1x40x128xi32, #tpu.memory_space<hbm>> -> memref<40x128xi32, #tpu.memory_space<hbm>>
      %dma_wait3A_69 = arith.constant 0 : i32
      %dma_wait3A_70 = arith.constant 0 : i32
      %dma_wait3A_71 = tpu.memref_slice %arg3[%run_scoped3A, %add3A, %dma_wait3A_69, %dma_wait3A_70] : memref<2x32x40x128xi32, #tpu.memory_space<hbm>> -> memref<1x1x40x128xi32, #tpu.memory_space<hbm>>
      %dma_wait3A_72 = tpu.memref_squeeze %dma_wait3A_71 : memref<1x1x40x128xi32, #tpu.memory_space<hbm>> -> memref<40x128xi32, #tpu.memory_space<hbm>>
      tpu.wait_dma2 semaphore(%run_scoped3A_57 : memref<!tpu.dma_semaphore, #tpu.memory_space<semaphore_mem>>) src(%dma_wait3A_72 : memref<40x128xi32, #tpu.memory_space<hbm>>) dst(%arg9 : memref<40x128xi32, #tpu.memory_space<vmem>>)
      tpu.yield
    }) : () -> ()
    %run_scoped3A_3 = arith.constant 1 : i32
    "tpu.region"() ({
      %run_scoped3A_57 = tpu.sem_alloc : memref<!tpu.dma_semaphore, #tpu.memory_space<semaphore_mem>>
      %dma_start3A = arith.constant 0 : i32
      %dma_start3A_58 = arith.constant 0 : i32
      %dma_start3A_59 = tpu.memref_slice %arg3[%run_scoped3A_3, %add3A, %dma_start3A, %dma_start3A_58] : memref<2x32x40x128xi32, #tpu.memory_space<hbm>> -> memref<1x1x40x128xi32, #tpu.memory_space<hbm>>
      %dma_start3A_60 = tpu.memref_squeeze %dma_start3A_59 : memref<1x1x40x128xi32, #tpu.memory_space<hbm>> -> memref<40x128xi32, #tpu.memory_space<hbm>>
      %dma_start3A_61 = arith.constant 0 : i32
      %dma_start3A_62 = arith.constant 0 : i32
      %dma_start3A_63 = tpu.memref_slice %arg3[%run_scoped3A_3, %add3A, %dma_start3A_61, %dma_start3A_62] : memref<2x32x40x128xi32, #tpu.memory_space<hbm>> -> memref<1x1x40x128xi32, #tpu.memory_space<hbm>>
      %dma_start3A_64 = tpu.memref_squeeze %dma_start3A_63 : memref<1x1x40x128xi32, #tpu.memory_space<hbm>> -> memref<40x128xi32, #tpu.memory_space<hbm>>
      tpu.enqueue_dma source(%dma_start3A_64 : memref<40x128xi32, #tpu.memory_space<hbm>>) target(%arg10 : memref<40x128xi32, #tpu.memory_space<vmem>>) target_semaphore(%run_scoped3A_57 : memref<!tpu.dma_semaphore, #tpu.memory_space<semaphore_mem>>)
      %dma_wait3A_65 = arith.constant 0 : i32
      %dma_wait3A_66 = arith.constant 0 : i32
      %dma_wait3A_67 = tpu.memref_slice %arg3[%run_scoped3A_3, %add3A, %dma_wait3A_65, %dma_wait3A_66] : memref<2x32x40x128xi32, #tpu.memory_space<hbm>> -> memref<1x1x40x128xi32, #tpu.memory_space<hbm>>
      %dma_wait3A_68 = tpu.memref_squeeze %dma_wait3A_67 : memref<1x1x40x128xi32, #tpu.memory_space<hbm>> -> memref<40x128xi32, #tpu.memory_space<hbm>>
      %dma_wait3A_69 = arith.constant 0 : i32
      %dma_wait3A_70 = arith.constant 0 : i32
      %dma_wait3A_71 = tpu.memref_slice %arg3[%run_scoped3A_3, %add3A, %dma_wait3A_69, %dma_wait3A_70] : memref<2x32x40x128xi32, #tpu.memory_space<hbm>> -> memref<1x1x40x128xi32, #tpu.memory_space<hbm>>
      %dma_wait3A_72 = tpu.memref_squeeze %dma_wait3A_71 : memref<1x1x40x128xi32, #tpu.memory_space<hbm>> -> memref<40x128xi32, #tpu.memory_space<hbm>>
      tpu.wait_dma2 semaphore(%run_scoped3A_57 : memref<!tpu.dma_semaphore, #tpu.memory_space<semaphore_mem>>) src(%dma_wait3A_72 : memref<40x128xi32, #tpu.memory_space<hbm>>) dst(%arg10 : memref<40x128xi32, #tpu.memory_space<vmem>>)
      tpu.yield
    }) : () -> ()
    %mul3A_4 = arith.constant 640 : i32
    %mul3A_5 = arith.muli %arg1, %mul3A_4 : i32
    %add3A_6 = arith.constant 0 : i32
    %add3A_7 = arith.addi %mul3A_5, %add3A_6 : i32
    "tpu.region"() ({
      %run_scoped3A_57 = tpu.sem_alloc : memref<!tpu.dma_semaphore, #tpu.memory_space<semaphore_mem>>
      %dma_start3A = arith.constant 0 : i32
      %dma_start3A_58 = tpu.memref_slice %arg14[%add3A_7, %dma_start3A] : memref<10240x128xf32, #tpu.memory_space<vmem_shared>> -> memref<128x128xf32, #tpu.memory_space<vmem_shared>>
      %dma_start3A_59 = arith.constant 0 : i32
      %dma_start3A_60 = tpu.memref_slice %arg14[%add3A_7, %dma_start3A_59] : memref<10240x128xf32, #tpu.memory_space<vmem_shared>> -> memref<128x128xf32, #tpu.memory_space<vmem_shared>>
      tpu.enqueue_dma source(%arg11 : memref<128x128xf32, #tpu.memory_space<vmem>>) target(%dma_start3A_60 : memref<128x128xf32, #tpu.memory_space<vmem_shared>>) target_semaphore(%run_scoped3A_57 : memref<!tpu.dma_semaphore, #tpu.memory_space<semaphore_mem>>)
      %dma_wait3A_61 = arith.constant 0 : i32
      %dma_wait3A_62 = tpu.memref_slice %arg14[%add3A_7, %dma_wait3A_61] : memref<10240x128xf32, #tpu.memory_space<vmem_shared>> -> memref<128x128xf32, #tpu.memory_space<vmem_shared>>
      %dma_wait3A_63 = arith.constant 0 : i32
      %dma_wait3A_64 = tpu.memref_slice %arg14[%add3A_7, %dma_wait3A_63] : memref<10240x128xf32, #tpu.memory_space<vmem_shared>> -> memref<128x128xf32, #tpu.memory_space<vmem_shared>>
      tpu.wait_dma2 semaphore(%run_scoped3A_57 : memref<!tpu.dma_semaphore, #tpu.memory_space<semaphore_mem>>) src(%arg11 : memref<128x128xf32, #tpu.memory_space<vmem>>) dst(%dma_wait3A_64 : memref<128x128xf32, #tpu.memory_space<vmem_shared>>)
      tpu.yield
    }) : () -> ()
    %mul3A_8 = arith.constant 640 : i32
    %mul3A_9 = arith.muli %arg1, %mul3A_8 : i32
    %add3A_10 = arith.constant 128 : i32
    %add3A_11 = arith.addi %mul3A_9, %add3A_10 : i32
    "tpu.region"() ({
      %run_scoped3A_57 = tpu.sem_alloc : memref<!tpu.dma_semaphore, #tpu.memory_space<semaphore_mem>>
      %dma_start3A = arith.constant 0 : i32
      %dma_start3A_58 = tpu.memref_slice %arg14[%add3A_11, %dma_start3A] : memref<10240x128xf32, #tpu.memory_space<vmem_shared>> -> memref<128x128xf32, #tpu.memory_space<vmem_shared>>
      %dma_start3A_59 = arith.constant 0 : i32
      %dma_start3A_60 = tpu.memref_slice %arg14[%add3A_11, %dma_start3A_59] : memref<10240x128xf32, #tpu.memory_space<vmem_shared>> -> memref<128x128xf32, #tpu.memory_space<vmem_shared>>
      tpu.enqueue_dma source(%arg11 : memref<128x128xf32, #tpu.memory_space<vmem>>) target(%dma_start3A_60 : memref<128x128xf32, #tpu.memory_space<vmem_shared>>) target_semaphore(%run_scoped3A_57 : memref<!tpu.dma_semaphore, #tpu.memory_space<semaphore_mem>>)
      %dma_wait3A_61 = arith.constant 0 : i32
      %dma_wait3A_62 = tpu.memref_slice %arg14[%add3A_11, %dma_wait3A_61] : memref<10240x128xf32, #tpu.memory_space<vmem_shared>> -> memref<128x128xf32, #tpu.memory_space<vmem_shared>>
      %dma_wait3A_63 = arith.constant 0 : i32
      %dma_wait3A_64 = tpu.memref_slice %arg14[%add3A_11, %dma_wait3A_63] : memref<10240x128xf32, #tpu.memory_space<vmem_shared>> -> memref<128x128xf32, #tpu.memory_space<vmem_shared>>
      tpu.wait_dma2 semaphore(%run_scoped3A_57 : memref<!tpu.dma_semaphore, #tpu.memory_space<semaphore_mem>>) src(%arg11 : memref<128x128xf32, #tpu.memory_space<vmem>>) dst(%dma_wait3A_64 : memref<128x128xf32, #tpu.memory_space<vmem_shared>>)
      tpu.yield
    }) : () -> ()
    %mul3A_12 = arith.constant 640 : i32
    %mul3A_13 = arith.muli %arg1, %mul3A_12 : i32
    %add3A_14 = arith.constant 256 : i32
    %add3A_15 = arith.addi %mul3A_13, %add3A_14 : i32
    "tpu.region"() ({
      %run_scoped3A_57 = tpu.sem_alloc : memref<!tpu.dma_semaphore, #tpu.memory_space<semaphore_mem>>
      %dma_start3A = arith.constant 0 : i32
      %dma_start3A_58 = tpu.memref_slice %arg14[%add3A_15, %dma_start3A] : memref<10240x128xf32, #tpu.memory_space<vmem_shared>> -> memref<128x128xf32, #tpu.memory_space<vmem_shared>>
      %dma_start3A_59 = arith.constant 0 : i32
      %dma_start3A_60 = tpu.memref_slice %arg14[%add3A_15, %dma_start3A_59] : memref<10240x128xf32, #tpu.memory_space<vmem_shared>> -> memref<128x128xf32, #tpu.memory_space<vmem_shared>>
      tpu.enqueue_dma source(%arg11 : memref<128x128xf32, #tpu.memory_space<vmem>>) target(%dma_start3A_60 : memref<128x128xf32, #tpu.memory_space<vmem_shared>>) target_semaphore(%run_scoped3A_57 : memref<!tpu.dma_semaphore, #tpu.memory_space<semaphore_mem>>)
      %dma_wait3A_61 = arith.constant 0 : i32
      %dma_wait3A_62 = tpu.memref_slice %arg14[%add3A_15, %dma_wait3A_61] : memref<10240x128xf32, #tpu.memory_space<vmem_shared>> -> memref<128x128xf32, #tpu.memory_space<vmem_shared>>
      %dma_wait3A_63 = arith.constant 0 : i32
      %dma_wait3A_64 = tpu.memref_slice %arg14[%add3A_15, %dma_wait3A_63] : memref<10240x128xf32, #tpu.memory_space<vmem_shared>> -> memref<128x128xf32, #tpu.memory_space<vmem_shared>>
      tpu.wait_dma2 semaphore(%run_scoped3A_57 : memref<!tpu.dma_semaphore, #tpu.memory_space<semaphore_mem>>) src(%arg11 : memref<128x128xf32, #tpu.memory_space<vmem>>) dst(%dma_wait3A_64 : memref<128x128xf32, #tpu.memory_space<vmem_shared>>)
      tpu.yield
    }) : () -> ()
    %mul3A_16 = arith.constant 640 : i32
    %mul3A_17 = arith.muli %arg1, %mul3A_16 : i32
    %add3A_18 = arith.constant 384 : i32
    %add3A_19 = arith.addi %mul3A_17, %add3A_18 : i32
    "tpu.region"() ({
      %run_scoped3A_57 = tpu.sem_alloc : memref<!tpu.dma_semaphore, #tpu.memory_space<semaphore_mem>>
      %dma_start3A = arith.constant 0 : i32
      %dma_start3A_58 = tpu.memref_slice %arg14[%add3A_19, %dma_start3A] : memref<10240x128xf32, #tpu.memory_space<vmem_shared>> -> memref<128x128xf32, #tpu.memory_space<vmem_shared>>
      %dma_start3A_59 = arith.constant 0 : i32
      %dma_start3A_60 = tpu.memref_slice %arg14[%add3A_19, %dma_start3A_59] : memref<10240x128xf32, #tpu.memory_space<vmem_shared>> -> memref<128x128xf32, #tpu.memory_space<vmem_shared>>
      tpu.enqueue_dma source(%arg11 : memref<128x128xf32, #tpu.memory_space<vmem>>) target(%dma_start3A_60 : memref<128x128xf32, #tpu.memory_space<vmem_shared>>) target_semaphore(%run_scoped3A_57 : memref<!tpu.dma_semaphore, #tpu.memory_space<semaphore_mem>>)
      %dma_wait3A_61 = arith.constant 0 : i32
      %dma_wait3A_62 = tpu.memref_slice %arg14[%add3A_19, %dma_wait3A_61] : memref<10240x128xf32, #tpu.memory_space<vmem_shared>> -> memref<128x128xf32, #tpu.memory_space<vmem_shared>>
      %dma_wait3A_63 = arith.constant 0 : i32
      %dma_wait3A_64 = tpu.memref_slice %arg14[%add3A_19, %dma_wait3A_63] : memref<10240x128xf32, #tpu.memory_space<vmem_shared>> -> memref<128x128xf32, #tpu.memory_space<vmem_shared>>
      tpu.wait_dma2 semaphore(%run_scoped3A_57 : memref<!tpu.dma_semaphore, #tpu.memory_space<semaphore_mem>>) src(%arg11 : memref<128x128xf32, #tpu.memory_space<vmem>>) dst(%dma_wait3A_64 : memref<128x128xf32, #tpu.memory_space<vmem_shared>>)
      tpu.yield
    }) : () -> ()
    %mul3A_20 = arith.constant 640 : i32
    %mul3A_21 = arith.muli %arg1, %mul3A_20 : i32
    %add3A_22 = arith.constant 512 : i32
    %add3A_23 = arith.addi %mul3A_21, %add3A_22 : i32
    "tpu.region"() ({
      %run_scoped3A_57 = tpu.sem_alloc : memref<!tpu.dma_semaphore, #tpu.memory_space<semaphore_mem>>
      %dma_start3A = arith.constant 0 : i32
      %dma_start3A_58 = tpu.memref_slice %arg14[%add3A_23, %dma_start3A] : memref<10240x128xf32, #tpu.memory_space<vmem_shared>> -> memref<128x128xf32, #tpu.memory_space<vmem_shared>>
      %dma_start3A_59 = arith.constant 0 : i32
      %dma_start3A_60 = tpu.memref_slice %arg14[%add3A_23, %dma_start3A_59] : memref<10240x128xf32, #tpu.memory_space<vmem_shared>> -> memref<128x128xf32, #tpu.memory_space<vmem_shared>>
      tpu.enqueue_dma source(%arg11 : memref<128x128xf32, #tpu.memory_space<vmem>>) target(%dma_start3A_60 : memref<128x128xf32, #tpu.memory_space<vmem_shared>>) target_semaphore(%run_scoped3A_57 : memref<!tpu.dma_semaphore, #tpu.memory_space<semaphore_mem>>)
      %dma_wait3A_61 = arith.constant 0 : i32
      %dma_wait3A_62 = tpu.memref_slice %arg14[%add3A_23, %dma_wait3A_61] : memref<10240x128xf32, #tpu.memory_space<vmem_shared>> -> memref<128x128xf32, #tpu.memory_space<vmem_shared>>
      %dma_wait3A_63 = arith.constant 0 : i32
      %dma_wait3A_64 = tpu.memref_slice %arg14[%add3A_23, %dma_wait3A_63] : memref<10240x128xf32, #tpu.memory_space<vmem_shared>> -> memref<128x128xf32, #tpu.memory_space<vmem_shared>>
      tpu.wait_dma2 semaphore(%run_scoped3A_57 : memref<!tpu.dma_semaphore, #tpu.memory_space<semaphore_mem>>) src(%arg11 : memref<128x128xf32, #tpu.memory_space<vmem>>) dst(%dma_wait3A_64 : memref<128x128xf32, #tpu.memory_space<vmem_shared>>)
      tpu.yield
    }) : () -> ()
    %mul3A_24 = arith.constant 640 : i32
    %mul3A_25 = arith.muli %arg1, %mul3A_24 : i32
    "tpu.region"() ({
      %run_scoped3A_57 = tpu.sem_alloc : memref<!tpu.dma_semaphore, #tpu.memory_space<semaphore_mem>>
      %dma_start3A = tpu.memref_slice %arg15[%mul3A_25] : memref<10240xf32, #tpu.memory_space<vmem_shared>> -> memref<640xf32, #tpu.memory_space<vmem_shared>>
      tpu.enqueue_dma source(%arg5 : memref<640xf32, #tpu.memory_space<hbm>>) target(%dma_start3A : memref<640xf32, #tpu.memory_space<vmem_shared>>) target_semaphore(%run_scoped3A_57 : memref<!tpu.dma_semaphore, #tpu.memory_space<semaphore_mem>>)
      %dma_wait3A_58 = tpu.memref_slice %arg15[%mul3A_25] : memref<10240xf32, #tpu.memory_space<vmem_shared>> -> memref<640xf32, #tpu.memory_space<vmem_shared>>
      tpu.wait_dma2 semaphore(%run_scoped3A_57 : memref<!tpu.dma_semaphore, #tpu.memory_space<semaphore_mem>>) src(%arg5 : memref<640xf32, #tpu.memory_space<hbm>>) dst(%dma_wait3A_58 : memref<640xf32, #tpu.memory_space<vmem_shared>>)
      tpu.yield
    }) : () -> ()
    "tpu.region"() ({
      %run_scoped3A_57 = tpu.sem_alloc : memref<!tpu.dma_semaphore, #tpu.memory_space<semaphore_mem>>
      tpu.enqueue_dma source(%arg6 : memref<128xf32, #tpu.memory_space<hbm>>) target(%arg13 : memref<128xf32, #tpu.memory_space<vmem>>) target_semaphore(%run_scoped3A_57 : memref<!tpu.dma_semaphore, #tpu.memory_space<semaphore_mem>>)
      tpu.wait_dma2 semaphore(%run_scoped3A_57 : memref<!tpu.dma_semaphore, #tpu.memory_space<semaphore_mem>>) src(%arg6 : memref<128xf32, #tpu.memory_space<hbm>>) dst(%arg13 : memref<128xf32, #tpu.memory_space<vmem>>)
      tpu.yield
    }) : () -> ()
    %barrier3A = arith.constant 0 : index
    tpu.barrier barrier_id(%barrier3A)
    %while3A = arith.constant 0 : i32
    %while3A_26 = arith.constant 0 : i32
    %while3A_27 = arith.subi %select_n3A, %while3A_26 : i32
    %while3A_28 = arith.addi %while3A_26, %while3A_27 : i32
    %while3A_29 = arith.constant 1 : i32
    %while3A_30 = arith.divsi %while3A_27, %while3A_29 : i32
    %while3A_31 = arith.muli %while3A_30, %while3A_29 : i32
    %while3A_32 = arith.addi %while3A_26, %while3A_31 : i32
    %while3A_33 = arith.constant 1 : i32
    scf.for %while3A_57 = %while3A_26 to %while3A_32 step %while3A_33  : i32 {
      %mul3A_58 = arith.constant 2 : i32
      %mul3A_59 = arith.muli %mul3A_58, %while3A_57 : i32
      %ge3A = arith.constant 2 : i32
      %ge3A_60 = arith.cmpi sge, %mul3A_59, %ge3A : i32
      %convert_element_type3A = arith.extui %ge3A_60 : i1 to i32
      %cond3A = arith.constant 0 : i32
      %cond3A_61 = arith.cmpi ne, %convert_element_type3A, %cond3A : i32
      scf.if %cond3A_61 {
        %add3A_124 = arith.constant 0 : i32
        %add3A_125 = arith.addi %mul3A_59, %add3A_124 : i32
        %dma_wait3A_126 = arith.constant 0 : i32
        %dma_wait3A_127 = tpu.memref_slice %arg9[%add3A_125, %dma_wait3A_126] : memref<40x128xi32, #tpu.memory_space<vmem>> -> memref<1x128xi32, #tpu.memory_space<vmem>>
        %dma_wait3A_128 = tpu.memref_squeeze %dma_wait3A_127 : memref<1x128xi32, #tpu.memory_space<vmem>> -> memref<128xi32, #tpu.memory_space<vmem>>
        %dma_wait3A_129 = arith.constant 0 : i32
        %dma_wait3A_130 = arith.constant 0 : i32
        %dma_wait3A_131 = tpu.memref_slice %arg2[%dma_wait3A_129, %dma_wait3A_130] : memref<10000x128xf32, #tpu.memory_space<hbm>> -> memref<10000x128xf32, #tpu.memory_space<hbm>>
        tpu.wait_indirect_dma semaphore(%arg18 : memref<!tpu.dma_semaphore, #tpu.memory_space<semaphore_mem>>) src(%dma_wait3A_131 : memref<10000x128xf32, #tpu.memory_space<hbm>>) dst(%arg11 : memref<128x128xf32, #tpu.memory_space<vmem>>)
        tpu.wait_dma2 semaphore(%arg20 : memref<!tpu.dma_semaphore, #tpu.memory_space<semaphore_mem>>) src(%arg6 : memref<128xf32, #tpu.memory_space<hbm>>) dst(%arg13 : memref<128xf32, #tpu.memory_space<vmem>>)
      } else {
      }
      %add3A_62 = arith.constant 0 : i32
      %add3A_63 = arith.addi %mul3A_59, %add3A_62 : i32
      %dma_start3A = arith.constant 0 : i32
      %dma_start3A_64 = tpu.memref_slice %arg9[%add3A_63, %dma_start3A] : memref<40x128xi32, #tpu.memory_space<vmem>> -> memref<1x128xi32, #tpu.memory_space<vmem>>
      %dma_start3A_65 = tpu.memref_squeeze %dma_start3A_64 : memref<1x128xi32, #tpu.memory_space<vmem>> -> memref<128xi32, #tpu.memory_space<vmem>>
      %dma_start3A_66 = arith.constant 0 : i32
      %dma_start3A_67 = arith.constant 0 : i32
      %dma_start3A_68 = tpu.memref_slice %arg2[%dma_start3A_66, %dma_start3A_67] : memref<10000x128xf32, #tpu.memory_space<hbm>> -> memref<10000x128xf32, #tpu.memory_space<hbm>>
      tpu.enqueue_indirect_dma source(%dma_start3A_68 : memref<10000x128xf32, #tpu.memory_space<hbm>>) target(%arg11 : memref<128x128xf32, #tpu.memory_space<vmem>>) offsets(%dma_start3A_65 : memref<128xi32, #tpu.memory_space<vmem>>) semaphore(%arg16 : memref<!tpu.dma_semaphore, #tpu.memory_space<semaphore_mem>>)
      %ge3A_69 = arith.constant 2 : i32
      %ge3A_70 = arith.cmpi sge, %mul3A_59, %ge3A_69 : i32
      %convert_element_type3A_71 = arith.extui %ge3A_70 : i1 to i32
      %cond3A_72 = arith.constant 0 : i32
      %cond3A_73 = arith.cmpi ne, %convert_element_type3A_71, %cond3A_72 : i32
      scf.if %cond3A_73 {
        %add3A_124 = arith.constant 1 : i32
        %add3A_125 = arith.addi %mul3A_59, %add3A_124 : i32
        %dma_wait3A_126 = arith.constant 0 : i32
        %dma_wait3A_127 = tpu.memref_slice %arg9[%add3A_125, %dma_wait3A_126] : memref<40x128xi32, #tpu.memory_space<vmem>> -> memref<1x128xi32, #tpu.memory_space<vmem>>
        %dma_wait3A_128 = tpu.memref_squeeze %dma_wait3A_127 : memref<1x128xi32, #tpu.memory_space<vmem>> -> memref<128xi32, #tpu.memory_space<vmem>>
        %dma_wait3A_129 = arith.constant 0 : i32
        %dma_wait3A_130 = arith.constant 0 : i32
        %dma_wait3A_131 = tpu.memref_slice %arg2[%dma_wait3A_129, %dma_wait3A_130] : memref<10000x128xf32, #tpu.memory_space<hbm>> -> memref<10000x128xf32, #tpu.memory_space<hbm>>
        tpu.wait_indirect_dma semaphore(%arg19 : memref<!tpu.dma_semaphore, #tpu.memory_space<semaphore_mem>>) src(%dma_wait3A_131 : memref<10000x128xf32, #tpu.memory_space<hbm>>) dst(%arg12 : memref<128x128xf32, #tpu.memory_space<vmem>>)
        tpu.wait_dma2 semaphore(%arg21 : memref<!tpu.dma_semaphore, #tpu.memory_space<semaphore_mem>>) src(%arg6 : memref<128xf32, #tpu.memory_space<hbm>>) dst(%arg13 : memref<128xf32, #tpu.memory_space<vmem>>)
      } else {
      }
      %add3A_74 = arith.constant 1 : i32
      %add3A_75 = arith.addi %mul3A_59, %add3A_74 : i32
      %dma_start3A_76 = arith.constant 0 : i32
      %dma_start3A_77 = tpu.memref_slice %arg9[%add3A_75, %dma_start3A_76] : memref<40x128xi32, #tpu.memory_space<vmem>> -> memref<1x128xi32, #tpu.memory_space<vmem>>
      %dma_start3A_78 = tpu.memref_squeeze %dma_start3A_77 : memref<1x128xi32, #tpu.memory_space<vmem>> -> memref<128xi32, #tpu.memory_space<vmem>>
      %dma_start3A_79 = arith.constant 0 : i32
      %dma_start3A_80 = arith.constant 0 : i32
      %dma_start3A_81 = tpu.memref_slice %arg2[%dma_start3A_79, %dma_start3A_80] : memref<10000x128xf32, #tpu.memory_space<hbm>> -> memref<10000x128xf32, #tpu.memory_space<hbm>>
      tpu.enqueue_indirect_dma source(%dma_start3A_81 : memref<10000x128xf32, #tpu.memory_space<hbm>>) target(%arg12 : memref<128x128xf32, #tpu.memory_space<vmem>>) offsets(%dma_start3A_78 : memref<128xi32, #tpu.memory_space<vmem>>) semaphore(%arg17 : memref<!tpu.dma_semaphore, #tpu.memory_space<semaphore_mem>>)
      %dma_wait3A_82 = arith.constant 0 : i32
      %dma_wait3A_83 = tpu.memref_slice %arg9[%add3A_63, %dma_wait3A_82] : memref<40x128xi32, #tpu.memory_space<vmem>> -> memref<1x128xi32, #tpu.memory_space<vmem>>
      %dma_wait3A_84 = tpu.memref_squeeze %dma_wait3A_83 : memref<1x128xi32, #tpu.memory_space<vmem>> -> memref<128xi32, #tpu.memory_space<vmem>>
      %dma_wait3A_85 = arith.constant 0 : i32
      %dma_wait3A_86 = arith.constant 0 : i32
      %dma_wait3A_87 = tpu.memref_slice %arg2[%dma_wait3A_85, %dma_wait3A_86] : memref<10000x128xf32, #tpu.memory_space<hbm>> -> memref<10000x128xf32, #tpu.memory_space<hbm>>
      tpu.wait_indirect_dma semaphore(%arg16 : memref<!tpu.dma_semaphore, #tpu.memory_space<semaphore_mem>>) src(%dma_wait3A_87 : memref<10000x128xf32, #tpu.memory_space<hbm>>) dst(%arg11 : memref<128x128xf32, #tpu.memory_space<vmem>>)
      %add3A_88 = arith.constant 0 : i32
      %add3A_89 = arith.addi %mul3A_59, %add3A_88 : i32
      %dma_start3A_90 = arith.constant 0 : i32
      %dma_start3A_91 = tpu.memref_slice %arg10[%add3A_89, %dma_start3A_90] : memref<40x128xi32, #tpu.memory_space<vmem>> -> memref<1x128xi32, #tpu.memory_space<vmem>>
      %dma_start3A_92 = tpu.memref_squeeze %dma_start3A_91 : memref<1x128xi32, #tpu.memory_space<vmem>> -> memref<128xi32, #tpu.memory_space<vmem>>
      %dma_start3A_93 = arith.constant 0 : i32
      %dma_start3A_94 = arith.constant 0 : i32
      %dma_start3A_95 = tpu.memref_slice %arg14[%dma_start3A_93, %dma_start3A_94] : memref<10240x128xf32, #tpu.memory_space<vmem_shared>> -> memref<10240x128xf32, #tpu.memory_space<vmem_shared>>
      tpu.enqueue_indirect_dma source(%arg11 : memref<128x128xf32, #tpu.memory_space<vmem>>) target(%dma_start3A_95 : memref<10240x128xf32, #tpu.memory_space<vmem_shared>>) offsets(%dma_start3A_92 : memref<128xi32, #tpu.memory_space<vmem>>) semaphore(%arg18 : memref<!tpu.dma_semaphore, #tpu.memory_space<semaphore_mem>>) {add = true}
      %add3A_96 = arith.constant 0 : i32
      %add3A_97 = arith.addi %mul3A_59, %add3A_96 : i32
      %dma_start3A_98 = arith.constant 0 : i32
      %dma_start3A_99 = tpu.memref_slice %arg10[%add3A_97, %dma_start3A_98] : memref<40x128xi32, #tpu.memory_space<vmem>> -> memref<1x128xi32, #tpu.memory_space<vmem>>
      %dma_start3A_100 = tpu.memref_squeeze %dma_start3A_99 : memref<1x128xi32, #tpu.memory_space<vmem>> -> memref<128xi32, #tpu.memory_space<vmem>>
      %dma_start3A_101 = arith.constant 0 : i32
      %dma_start3A_102 = tpu.memref_slice %arg15[%dma_start3A_101] : memref<10240xf32, #tpu.memory_space<vmem_shared>> -> memref<10240xf32, #tpu.memory_space<vmem_shared>>
      tpu.enqueue_indirect_dma source(%arg13 : memref<128xf32, #tpu.memory_space<vmem>>) target(%dma_start3A_102 : memref<10240xf32, #tpu.memory_space<vmem_shared>>) offsets(%dma_start3A_100 : memref<128xi32, #tpu.memory_space<vmem>>) semaphore(%arg20 : memref<!tpu.dma_semaphore, #tpu.memory_space<semaphore_mem>>) {add = true}
      %dma_wait3A_103 = arith.constant 0 : i32
      %dma_wait3A_104 = tpu.memref_slice %arg9[%add3A_75, %dma_wait3A_103] : memref<40x128xi32, #tpu.memory_space<vmem>> -> memref<1x128xi32, #tpu.memory_space<vmem>>
      %dma_wait3A_105 = tpu.memref_squeeze %dma_wait3A_104 : memref<1x128xi32, #tpu.memory_space<vmem>> -> memref<128xi32, #tpu.memory_space<vmem>>
      %dma_wait3A_106 = arith.constant 0 : i32
      %dma_wait3A_107 = arith.constant 0 : i32
      %dma_wait3A_108 = tpu.memref_slice %arg2[%dma_wait3A_106, %dma_wait3A_107] : memref<10000x128xf32, #tpu.memory_space<hbm>> -> memref<10000x128xf32, #tpu.memory_space<hbm>>
      tpu.wait_indirect_dma semaphore(%arg17 : memref<!tpu.dma_semaphore, #tpu.memory_space<semaphore_mem>>) src(%dma_wait3A_108 : memref<10000x128xf32, #tpu.memory_space<hbm>>) dst(%arg12 : memref<128x128xf32, #tpu.memory_space<vmem>>)
      %add3A_109 = arith.constant 1 : i32
      %add3A_110 = arith.addi %mul3A_59, %add3A_109 : i32
      %dma_start3A_111 = arith.constant 0 : i32
      %dma_start3A_112 = tpu.memref_slice %arg10[%add3A_110, %dma_start3A_111] : memref<40x128xi32, #tpu.memory_space<vmem>> -> memref<1x128xi32, #tpu.memory_space<vmem>>
      %dma_start3A_113 = tpu.memref_squeeze %dma_start3A_112 : memref<1x128xi32, #tpu.memory_space<vmem>> -> memref<128xi32, #tpu.memory_space<vmem>>
      %dma_start3A_114 = arith.constant 0 : i32
      %dma_start3A_115 = arith.constant 0 : i32
      %dma_start3A_116 = tpu.memref_slice %arg14[%dma_start3A_114, %dma_start3A_115] : memref<10240x128xf32, #tpu.memory_space<vmem_shared>> -> memref<10240x128xf32, #tpu.memory_space<vmem_shared>>
      tpu.enqueue_indirect_dma source(%arg12 : memref<128x128xf32, #tpu.memory_space<vmem>>) target(%dma_start3A_116 : memref<10240x128xf32, #tpu.memory_space<vmem_shared>>) offsets(%dma_start3A_113 : memref<128xi32, #tpu.memory_space<vmem>>) semaphore(%arg19 : memref<!tpu.dma_semaphore, #tpu.memory_space<semaphore_mem>>) {add = true}
      %add3A_117 = arith.constant 1 : i32
      %add3A_118 = arith.addi %mul3A_59, %add3A_117 : i32
      %dma_start3A_119 = arith.constant 0 : i32
      %dma_start3A_120 = tpu.memref_slice %arg10[%add3A_118, %dma_start3A_119] : memref<40x128xi32, #tpu.memory_space<vmem>> -> memref<1x128xi32, #tpu.memory_space<vmem>>
      %dma_start3A_121 = tpu.memref_squeeze %dma_start3A_120 : memref<1x128xi32, #tpu.memory_space<vmem>> -> memref<128xi32, #tpu.memory_space<vmem>>
      %dma_start3A_122 = arith.constant 0 : i32
      %dma_start3A_123 = tpu.memref_slice %arg15[%dma_start3A_122] : memref<10240xf32, #tpu.memory_space<vmem_shared>> -> memref<10240xf32, #tpu.memory_space<vmem_shared>>
      tpu.enqueue_indirect_dma source(%arg13 : memref<128xf32, #tpu.memory_space<vmem>>) target(%dma_start3A_123 : memref<10240xf32, #tpu.memory_space<vmem_shared>>) offsets(%dma_start3A_121 : memref<128xi32, #tpu.memory_space<vmem>>) semaphore(%arg21 : memref<!tpu.dma_semaphore, #tpu.memory_space<semaphore_mem>>) {add = true}
    }
    %while3A_34 = arith.constant 1 : i32
    scf.for %while3A_57 = %while3A_32 to %while3A_28 step %while3A_34  : i32 {
      %mul3A_58 = arith.constant 2 : i32
      %mul3A_59 = arith.muli %mul3A_58, %while3A_57 : i32
      %ge3A = arith.constant 2 : i32
      %ge3A_60 = arith.cmpi sge, %mul3A_59, %ge3A : i32
      %convert_element_type3A = arith.extui %ge3A_60 : i1 to i32
      %cond3A = arith.constant 0 : i32
      %cond3A_61 = arith.cmpi ne, %convert_element_type3A, %cond3A : i32
      scf.if %cond3A_61 {
        %add3A_124 = arith.constant 0 : i32
        %add3A_125 = arith.addi %mul3A_59, %add3A_124 : i32
        %dma_wait3A_126 = arith.constant 0 : i32
        %dma_wait3A_127 = tpu.memref_slice %arg9[%add3A_125, %dma_wait3A_126] : memref<40x128xi32, #tpu.memory_space<vmem>> -> memref<1x128xi32, #tpu.memory_space<vmem>>
        %dma_wait3A_128 = tpu.memref_squeeze %dma_wait3A_127 : memref<1x128xi32, #tpu.memory_space<vmem>> -> memref<128xi32, #tpu.memory_space<vmem>>
        %dma_wait3A_129 = arith.constant 0 : i32
        %dma_wait3A_130 = arith.constant 0 : i32
        %dma_wait3A_131 = tpu.memref_slice %arg2[%dma_wait3A_129, %dma_wait3A_130] : memref<10000x128xf32, #tpu.memory_space<hbm>> -> memref<10000x128xf32, #tpu.memory_space<hbm>>
        tpu.wait_indirect_dma semaphore(%arg18 : memref<!tpu.dma_semaphore, #tpu.memory_space<semaphore_mem>>) src(%dma_wait3A_131 : memref<10000x128xf32, #tpu.memory_space<hbm>>) dst(%arg11 : memref<128x128xf32, #tpu.memory_space<vmem>>)
        tpu.wait_dma2 semaphore(%arg20 : memref<!tpu.dma_semaphore, #tpu.memory_space<semaphore_mem>>) src(%arg6 : memref<128xf32, #tpu.memory_space<hbm>>) dst(%arg13 : memref<128xf32, #tpu.memory_space<vmem>>)
      } else {
      }
      %add3A_62 = arith.constant 0 : i32
      %add3A_63 = arith.addi %mul3A_59, %add3A_62 : i32
      %dma_start3A = arith.constant 0 : i32
      %dma_start3A_64 = tpu.memref_slice %arg9[%add3A_63, %dma_start3A] : memref<40x128xi32, #tpu.memory_space<vmem>> -> memref<1x128xi32, #tpu.memory_space<vmem>>
      %dma_start3A_65 = tpu.memref_squeeze %dma_start3A_64 : memref<1x128xi32, #tpu.memory_space<vmem>> -> memref<128xi32, #tpu.memory_space<vmem>>
      %dma_start3A_66 = arith.constant 0 : i32
      %dma_start3A_67 = arith.constant 0 : i32
      %dma_start3A_68 = tpu.memref_slice %arg2[%dma_start3A_66, %dma_start3A_67] : memref<10000x128xf32, #tpu.memory_space<hbm>> -> memref<10000x128xf32, #tpu.memory_space<hbm>>
      tpu.enqueue_indirect_dma source(%dma_start3A_68 : memref<10000x128xf32, #tpu.memory_space<hbm>>) target(%arg11 : memref<128x128xf32, #tpu.memory_space<vmem>>) offsets(%dma_start3A_65 : memref<128xi32, #tpu.memory_space<vmem>>) semaphore(%arg16 : memref<!tpu.dma_semaphore, #tpu.memory_space<semaphore_mem>>)
      %ge3A_69 = arith.constant 2 : i32
      %ge3A_70 = arith.cmpi sge, %mul3A_59, %ge3A_69 : i32
      %convert_element_type3A_71 = arith.extui %ge3A_70 : i1 to i32
      %cond3A_72 = arith.constant 0 : i32
      %cond3A_73 = arith.cmpi ne, %convert_element_type3A_71, %cond3A_72 : i32
      scf.if %cond3A_73 {
        %add3A_124 = arith.constant 1 : i32
        %add3A_125 = arith.addi %mul3A_59, %add3A_124 : i32
        %dma_wait3A_126 = arith.constant 0 : i32
        %dma_wait3A_127 = tpu.memref_slice %arg9[%add3A_125, %dma_wait3A_126] : memref<40x128xi32, #tpu.memory_space<vmem>> -> memref<1x128xi32, #tpu.memory_space<vmem>>
        %dma_wait3A_128 = tpu.memref_squeeze %dma_wait3A_127 : memref<1x128xi32, #tpu.memory_space<vmem>> -> memref<128xi32, #tpu.memory_space<vmem>>
        %dma_wait3A_129 = arith.constant 0 : i32
        %dma_wait3A_130 = arith.constant 0 : i32
        %dma_wait3A_131 = tpu.memref_slice %arg2[%dma_wait3A_129, %dma_wait3A_130] : memref<10000x128xf32, #tpu.memory_space<hbm>> -> memref<10000x128xf32, #tpu.memory_space<hbm>>
        tpu.wait_indirect_dma semaphore(%arg19 : memref<!tpu.dma_semaphore, #tpu.memory_space<semaphore_mem>>) src(%dma_wait3A_131 : memref<10000x128xf32, #tpu.memory_space<hbm>>) dst(%arg12 : memref<128x128xf32, #tpu.memory_space<vmem>>)
        tpu.wait_dma2 semaphore(%arg21 : memref<!tpu.dma_semaphore, #tpu.memory_space<semaphore_mem>>) src(%arg6 : memref<128xf32, #tpu.memory_space<hbm>>) dst(%arg13 : memref<128xf32, #tpu.memory_space<vmem>>)
      } else {
      }
      %add3A_74 = arith.constant 1 : i32
      %add3A_75 = arith.addi %mul3A_59, %add3A_74 : i32
      %dma_start3A_76 = arith.constant 0 : i32
      %dma_start3A_77 = tpu.memref_slice %arg9[%add3A_75, %dma_start3A_76] : memref<40x128xi32, #tpu.memory_space<vmem>> -> memref<1x128xi32, #tpu.memory_space<vmem>>
      %dma_start3A_78 = tpu.memref_squeeze %dma_start3A_77 : memref<1x128xi32, #tpu.memory_space<vmem>> -> memref<128xi32, #tpu.memory_space<vmem>>
      %dma_start3A_79 = arith.constant 0 : i32
      %dma_start3A_80 = arith.constant 0 : i32
      %dma_start3A_81 = tpu.memref_slice %arg2[%dma_start3A_79, %dma_start3A_80] : memref<10000x128xf32, #tpu.memory_space<hbm>> -> memref<10000x128xf32, #tpu.memory_space<hbm>>
      tpu.enqueue_indirect_dma source(%dma_start3A_81 : memref<10000x128xf32, #tpu.memory_space<hbm>>) target(%arg12 : memref<128x128xf32, #tpu.memory_space<vmem>>) offsets(%dma_start3A_78 : memref<128xi32, #tpu.memory_space<vmem>>) semaphore(%arg17 : memref<!tpu.dma_semaphore, #tpu.memory_space<semaphore_mem>>)
      %dma_wait3A_82 = arith.constant 0 : i32
      %dma_wait3A_83 = tpu.memref_slice %arg9[%add3A_63, %dma_wait3A_82] : memref<40x128xi32, #tpu.memory_space<vmem>> -> memref<1x128xi32, #tpu.memory_space<vmem>>
      %dma_wait3A_84 = tpu.memref_squeeze %dma_wait3A_83 : memref<1x128xi32, #tpu.memory_space<vmem>> -> memref<128xi32, #tpu.memory_space<vmem>>
      %dma_wait3A_85 = arith.constant 0 : i32
      %dma_wait3A_86 = arith.constant 0 : i32
      %dma_wait3A_87 = tpu.memref_slice %arg2[%dma_wait3A_85, %dma_wait3A_86] : memref<10000x128xf32, #tpu.memory_space<hbm>> -> memref<10000x128xf32, #tpu.memory_space<hbm>>
      tpu.wait_indirect_dma semaphore(%arg16 : memref<!tpu.dma_semaphore, #tpu.memory_space<semaphore_mem>>) src(%dma_wait3A_87 : memref<10000x128xf32, #tpu.memory_space<hbm>>) dst(%arg11 : memref<128x128xf32, #tpu.memory_space<vmem>>)
      %add3A_88 = arith.constant 0 : i32
      %add3A_89 = arith.addi %mul3A_59, %add3A_88 : i32
      %dma_start3A_90 = arith.constant 0 : i32
      %dma_start3A_91 = tpu.memref_slice %arg10[%add3A_89, %dma_start3A_90] : memref<40x128xi32, #tpu.memory_space<vmem>> -> memref<1x128xi32, #tpu.memory_space<vmem>>
      %dma_start3A_92 = tpu.memref_squeeze %dma_start3A_91 : memref<1x128xi32, #tpu.memory_space<vmem>> -> memref<128xi32, #tpu.memory_space<vmem>>
      %dma_start3A_93 = arith.constant 0 : i32
      %dma_start3A_94 = arith.constant 0 : i32
      %dma_start3A_95 = tpu.memref_slice %arg14[%dma_start3A_93, %dma_start3A_94] : memref<10240x128xf32, #tpu.memory_space<vmem_shared>> -> memref<10240x128xf32, #tpu.memory_space<vmem_shared>>
      tpu.enqueue_indirect_dma source(%arg11 : memref<128x128xf32, #tpu.memory_space<vmem>>) target(%dma_start3A_95 : memref<10240x128xf32, #tpu.memory_space<vmem_shared>>) offsets(%dma_start3A_92 : memref<128xi32, #tpu.memory_space<vmem>>) semaphore(%arg18 : memref<!tpu.dma_semaphore, #tpu.memory_space<semaphore_mem>>) {add = true}
      %add3A_96 = arith.constant 0 : i32
      %add3A_97 = arith.addi %mul3A_59, %add3A_96 : i32
      %dma_start3A_98 = arith.constant 0 : i32
      %dma_start3A_99 = tpu.memref_slice %arg10[%add3A_97, %dma_start3A_98] : memref<40x128xi32, #tpu.memory_space<vmem>> -> memref<1x128xi32, #tpu.memory_space<vmem>>
      %dma_start3A_100 = tpu.memref_squeeze %dma_start3A_99 : memref<1x128xi32, #tpu.memory_space<vmem>> -> memref<128xi32, #tpu.memory_space<vmem>>
      %dma_start3A_101 = arith.constant 0 : i32
      %dma_start3A_102 = tpu.memref_slice %arg15[%dma_start3A_101] : memref<10240xf32, #tpu.memory_space<vmem_shared>> -> memref<10240xf32, #tpu.memory_space<vmem_shared>>
      tpu.enqueue_indirect_dma source(%arg13 : memref<128xf32, #tpu.memory_space<vmem>>) target(%dma_start3A_102 : memref<10240xf32, #tpu.memory_space<vmem_shared>>) offsets(%dma_start3A_100 : memref<128xi32, #tpu.memory_space<vmem>>) semaphore(%arg20 : memref<!tpu.dma_semaphore, #tpu.memory_space<semaphore_mem>>) {add = true}
      %dma_wait3A_103 = arith.constant 0 : i32
      %dma_wait3A_104 = tpu.memref_slice %arg9[%add3A_75, %dma_wait3A_103] : memref<40x128xi32, #tpu.memory_space<vmem>> -> memref<1x128xi32, #tpu.memory_space<vmem>>
      %dma_wait3A_105 = tpu.memref_squeeze %dma_wait3A_104 : memref<1x128xi32, #tpu.memory_space<vmem>> -> memref<128xi32, #tpu.memory_space<vmem>>
      %dma_wait3A_106 = arith.constant 0 : i32
      %dma_wait3A_107 = arith.constant 0 : i32
      %dma_wait3A_108 = tpu.memref_slice %arg2[%dma_wait3A_106, %dma_wait3A_107] : memref<10000x128xf32, #tpu.memory_space<hbm>> -> memref<10000x128xf32, #tpu.memory_space<hbm>>
      tpu.wait_indirect_dma semaphore(%arg17 : memref<!tpu.dma_semaphore, #tpu.memory_space<semaphore_mem>>) src(%dma_wait3A_108 : memref<10000x128xf32, #tpu.memory_space<hbm>>) dst(%arg12 : memref<128x128xf32, #tpu.memory_space<vmem>>)
      %add3A_109 = arith.constant 1 : i32
      %add3A_110 = arith.addi %mul3A_59, %add3A_109 : i32
      %dma_start3A_111 = arith.constant 0 : i32
      %dma_start3A_112 = tpu.memref_slice %arg10[%add3A_110, %dma_start3A_111] : memref<40x128xi32, #tpu.memory_space<vmem>> -> memref<1x128xi32, #tpu.memory_space<vmem>>
      %dma_start3A_113 = tpu.memref_squeeze %dma_start3A_112 : memref<1x128xi32, #tpu.memory_space<vmem>> -> memref<128xi32, #tpu.memory_space<vmem>>
      %dma_start3A_114 = arith.constant 0 : i32
      %dma_start3A_115 = arith.constant 0 : i32
      %dma_start3A_116 = tpu.memref_slice %arg14[%dma_start3A_114, %dma_start3A_115] : memref<10240x128xf32, #tpu.memory_space<vmem_shared>> -> memref<10240x128xf32, #tpu.memory_space<vmem_shared>>
      tpu.enqueue_indirect_dma source(%arg12 : memref<128x128xf32, #tpu.memory_space<vmem>>) target(%dma_start3A_116 : memref<10240x128xf32, #tpu.memory_space<vmem_shared>>) offsets(%dma_start3A_113 : memref<128xi32, #tpu.memory_space<vmem>>) semaphore(%arg19 : memref<!tpu.dma_semaphore, #tpu.memory_space<semaphore_mem>>) {add = true}
      %add3A_117 = arith.constant 1 : i32
      %add3A_118 = arith.addi %mul3A_59, %add3A_117 : i32
      %dma_start3A_119 = arith.constant 0 : i32
      %dma_start3A_120 = tpu.memref_slice %arg10[%add3A_118, %dma_start3A_119] : memref<40x128xi32, #tpu.memory_space<vmem>> -> memref<1x128xi32, #tpu.memory_space<vmem>>
      %dma_start3A_121 = tpu.memref_squeeze %dma_start3A_120 : memref<1x128xi32, #tpu.memory_space<vmem>> -> memref<128xi32, #tpu.memory_space<vmem>>
      %dma_start3A_122 = arith.constant 0 : i32
      %dma_start3A_123 = tpu.memref_slice %arg15[%dma_start3A_122] : memref<10240xf32, #tpu.memory_space<vmem_shared>> -> memref<10240xf32, #tpu.memory_space<vmem_shared>>
      tpu.enqueue_indirect_dma source(%arg13 : memref<128xf32, #tpu.memory_space<vmem>>) target(%dma_start3A_123 : memref<10240xf32, #tpu.memory_space<vmem_shared>>) offsets(%dma_start3A_121 : memref<128xi32, #tpu.memory_space<vmem>>) semaphore(%arg21 : memref<!tpu.dma_semaphore, #tpu.memory_space<semaphore_mem>>) {add = true}
    }
    %dma_wait3A = arith.constant 0 : i32
    %dma_wait3A_35 = arith.constant 0 : i32
    %dma_wait3A_36 = tpu.memref_slice %arg9[%dma_wait3A, %dma_wait3A_35] : memref<40x128xi32, #tpu.memory_space<vmem>> -> memref<1x128xi32, #tpu.memory_space<vmem>>
    %dma_wait3A_37 = tpu.memref_squeeze %dma_wait3A_36 : memref<1x128xi32, #tpu.memory_space<vmem>> -> memref<128xi32, #tpu.memory_space<vmem>>
    %dma_wait3A_38 = arith.constant 0 : i32
    %dma_wait3A_39 = arith.constant 0 : i32
    %dma_wait3A_40 = tpu.memref_slice %arg2[%dma_wait3A_38, %dma_wait3A_39] : memref<10000x128xf32, #tpu.memory_space<hbm>> -> memref<10000x128xf32, #tpu.memory_space<hbm>>
    tpu.wait_indirect_dma semaphore(%arg18 : memref<!tpu.dma_semaphore, #tpu.memory_space<semaphore_mem>>) src(%dma_wait3A_40 : memref<10000x128xf32, #tpu.memory_space<hbm>>) dst(%arg11 : memref<128x128xf32, #tpu.memory_space<vmem>>)
    tpu.wait_dma2 semaphore(%arg20 : memref<!tpu.dma_semaphore, #tpu.memory_space<semaphore_mem>>) src(%arg6 : memref<128xf32, #tpu.memory_space<hbm>>) dst(%arg13 : memref<128xf32, #tpu.memory_space<vmem>>)
    %dma_wait3A_41 = arith.constant 0 : i32
    %dma_wait3A_42 = arith.constant 0 : i32
    %dma_wait3A_43 = tpu.memref_slice %arg9[%dma_wait3A_41, %dma_wait3A_42] : memref<40x128xi32, #tpu.memory_space<vmem>> -> memref<1x128xi32, #tpu.memory_space<vmem>>
    %dma_wait3A_44 = tpu.memref_squeeze %dma_wait3A_43 : memref<1x128xi32, #tpu.memory_space<vmem>> -> memref<128xi32, #tpu.memory_space<vmem>>
    %dma_wait3A_45 = arith.constant 0 : i32
    %dma_wait3A_46 = arith.constant 0 : i32
    %dma_wait3A_47 = tpu.memref_slice %arg2[%dma_wait3A_45, %dma_wait3A_46] : memref<10000x128xf32, #tpu.memory_space<hbm>> -> memref<10000x128xf32, #tpu.memory_space<hbm>>
    tpu.wait_indirect_dma semaphore(%arg19 : memref<!tpu.dma_semaphore, #tpu.memory_space<semaphore_mem>>) src(%dma_wait3A_47 : memref<10000x128xf32, #tpu.memory_space<hbm>>) dst(%arg12 : memref<128x128xf32, #tpu.memory_space<vmem>>)
    tpu.wait_dma2 semaphore(%arg21 : memref<!tpu.dma_semaphore, #tpu.memory_space<semaphore_mem>>) src(%arg6 : memref<128xf32, #tpu.memory_space<hbm>>) dst(%arg13 : memref<128xf32, #tpu.memory_space<vmem>>)
    %barrier3A_48 = arith.constant 0 : index
    tpu.barrier barrier_id(%barrier3A_48)
    %mul3A_49 = arith.constant 640 : i32
    %mul3A_50 = arith.muli %arg1, %mul3A_49 : i32
    %mul3A_51 = arith.constant 640 : i32
    %mul3A_52 = arith.muli %arg1, %mul3A_51 : i32
    "tpu.region"() ({
      %run_scoped3A_57 = tpu.sem_alloc : memref<!tpu.dma_semaphore, #tpu.memory_space<semaphore_mem>>
      %dma_start3A = arith.constant 0 : i32
      %dma_start3A_58 = tpu.memref_slice %arg7[%arg0, %mul3A_52, %dma_start3A] : memref<2x10240x128xf32, #tpu.memory_space<hbm>> -> memref<1x640x128xf32, #tpu.memory_space<hbm>>
      %dma_start3A_59 = tpu.memref_squeeze %dma_start3A_58 : memref<1x640x128xf32, #tpu.memory_space<hbm>> -> memref<640x128xf32, #tpu.memory_space<hbm>>
      %dma_start3A_60 = arith.constant 0 : i32
      %dma_start3A_61 = tpu.memref_slice %arg14[%mul3A_50, %dma_start3A_60] : memref<10240x128xf32, #tpu.memory_space<vmem_shared>> -> memref<640x128xf32, #tpu.memory_space<vmem_shared>>
      tpu.enqueue_dma source(%dma_start3A_61 : memref<640x128xf32, #tpu.memory_space<vmem_shared>>) target(%dma_start3A_59 : memref<640x128xf32, #tpu.memory_space<hbm>>) target_semaphore(%run_scoped3A_57 : memref<!tpu.dma_semaphore, #tpu.memory_space<semaphore_mem>>)
      %dma_wait3A_62 = arith.constant 0 : i32
      %dma_wait3A_63 = tpu.memref_slice %arg7[%arg0, %mul3A_52, %dma_wait3A_62] : memref<2x10240x128xf32, #tpu.memory_space<hbm>> -> memref<1x640x128xf32, #tpu.memory_space<hbm>>
      %dma_wait3A_64 = tpu.memref_squeeze %dma_wait3A_63 : memref<1x640x128xf32, #tpu.memory_space<hbm>> -> memref<640x128xf32, #tpu.memory_space<hbm>>
      %dma_wait3A_65 = arith.constant 0 : i32
      %dma_wait3A_66 = tpu.memref_slice %arg14[%mul3A_50, %dma_wait3A_65] : memref<10240x128xf32, #tpu.memory_space<vmem_shared>> -> memref<640x128xf32, #tpu.memory_space<vmem_shared>>
      tpu.wait_dma2 semaphore(%run_scoped3A_57 : memref<!tpu.dma_semaphore, #tpu.memory_space<semaphore_mem>>) src(%dma_wait3A_66 : memref<640x128xf32, #tpu.memory_space<vmem_shared>>) dst(%dma_wait3A_64 : memref<640x128xf32, #tpu.memory_space<hbm>>)
      tpu.yield
    }) : () -> ()
    %mul3A_53 = arith.constant 640 : i32
    %mul3A_54 = arith.muli %arg1, %mul3A_53 : i32
    %mul3A_55 = arith.constant 640 : i32
    %mul3A_56 = arith.muli %arg1, %mul3A_55 : i32
    "tpu.region"() ({
      %run_scoped3A_57 = tpu.sem_alloc : memref<!tpu.dma_semaphore, #tpu.memory_space<semaphore_mem>>
      %dma_start3A = tpu.memref_slice %arg8[%arg0, %mul3A_56] : memref<2x10240xf32, #tpu.memory_space<hbm>> -> memref<1x640xf32, #tpu.memory_space<hbm>>
      %dma_start3A_58 = tpu.memref_squeeze %dma_start3A : memref<1x640xf32, #tpu.memory_space<hbm>> -> memref<640xf32, #tpu.memory_space<hbm>>
      %dma_start3A_59 = tpu.memref_slice %arg15[%mul3A_54] : memref<10240xf32, #tpu.memory_space<vmem_shared>> -> memref<640xf32, #tpu.memory_space<vmem_shared>>
      tpu.enqueue_dma source(%dma_start3A_59 : memref<640xf32, #tpu.memory_space<vmem_shared>>) target(%dma_start3A_58 : memref<640xf32, #tpu.memory_space<hbm>>) target_semaphore(%run_scoped3A_57 : memref<!tpu.dma_semaphore, #tpu.memory_space<semaphore_mem>>)
      %dma_wait3A_60 = tpu.memref_slice %arg8[%arg0, %mul3A_56] : memref<2x10240xf32, #tpu.memory_space<hbm>> -> memref<1x640xf32, #tpu.memory_space<hbm>>
      %dma_wait3A_61 = tpu.memref_squeeze %dma_wait3A_60 : memref<1x640xf32, #tpu.memory_space<hbm>> -> memref<640xf32, #tpu.memory_space<hbm>>
      %dma_wait3A_62 = tpu.memref_slice %arg15[%mul3A_54] : memref<10240xf32, #tpu.memory_space<vmem_shared>> -> memref<640xf32, #tpu.memory_space<vmem_shared>>
      tpu.wait_dma2 semaphore(%run_scoped3A_57 : memref<!tpu.dma_semaphore, #tpu.memory_space<semaphore_mem>>) src(%dma_wait3A_62 : memref<640xf32, #tpu.memory_space<vmem_shared>>) dst(%dma_wait3A_61 : memref<640xf32, #tpu.memory_space<hbm>>)
      tpu.yield
    }) : () -> ()
    return
  }
}

#map = affine_map<(d0, d1) -> (0, 0)>
#map1 = affine_map<(d0, d1) -> (0, 0, 0, 0)>
#map2 = affine_map<(d0, d1) -> (0, 0, 0)>
module attributes {stable_mosaic.version = 14 : i64} {
  func.func @body(%arg0: i32, %arg1: i32, %arg2: memref<10000x128xf32, #tpu.memory_space<hbm>>, %arg3: memref<2x32x40x128xi32, #tpu.memory_space<hbm>>, %arg4: memref<128x128xf32, #tpu.memory_space<hbm>>, %arg5: memref<2x10240x128xf32, #tpu.memory_space<hbm>>, %arg6: memref<40x128xi32, #tpu.memory_space<vmem>>, %arg7: memref<40x128xi32, #tpu.memory_space<vmem>>, %arg8: memref<128x128xf32, #tpu.memory_space<vmem>>, %arg9: memref<128x128xf32, #tpu.memory_space<vmem>>, %arg10: memref<128xf32, #tpu.memory_space<vmem>>, %arg11: memref<10240x128xf32, #tpu.memory_space<vmem_shared>>, %arg12: memref<10240xf32, #tpu.memory_space<vmem_shared>>, %arg13: memref<!tpu.dma_semaphore, #tpu.memory_space<semaphore_mem>>, %arg14: memref<!tpu.dma_semaphore, #tpu.memory_space<semaphore_mem>>, %arg15: memref<!tpu.dma_semaphore, #tpu.memory_space<semaphore_mem>>, %arg16: memref<!tpu.dma_semaphore, #tpu.memory_space<semaphore_mem>>, %arg17: memref<!tpu.dma_semaphore, #tpu.memory_space<semaphore_mem>>, %arg18: memref<!tpu.dma_semaphore, #tpu.memory_space<semaphore_mem>>) attributes {dimension_semantics = [#tpu.dimension_semantics<core_parallel>, #tpu.dimension_semantics<subcore_parallel>], iteration_bounds = array<i64: 2, 16>, scalar_prefetch = 0 : i64, scratch_operands = 13 : i64, tpu.core_type = #tpu.core_type<sc_vector_subcore>, window_params = [{transform_indices = #map}, {transform_indices = #map1}, {transform_indices = #map}, {transform_indices = #map2}]} {
    %mul3A = arith.constant 2 : i32
    %mul3A_0 = arith.muli %arg1, %mul3A : i32
    %add3A = arith.addi %mul3A_0, %arg0 : i32
    %eq3A = arith.constant 31 : i32
    %eq3A_1 = arith.cmpi eq, %add3A, %eq3A : i32
    %jit3A = arith.constant 5 : i32
    %jit3A_2 = arith.constant 20 : i32
    %select_n3A = arith.select %eq3A_1, %jit3A, %jit3A_2 : i32
    "tpu.region"() ({
      %run_scoped3A_51 = tpu.sem_alloc : memref<!tpu.dma_semaphore, #tpu.memory_space<semaphore_mem>>
      tpu.enqueue_dma source(%arg4 : memref<128x128xf32, #tpu.memory_space<hbm>>) target(%arg8 : memref<128x128xf32, #tpu.memory_space<vmem>>) target_semaphore(%run_scoped3A_51 : memref<!tpu.dma_semaphore, #tpu.memory_space<semaphore_mem>>)
      tpu.wait_dma2 semaphore(%run_scoped3A_51 : memref<!tpu.dma_semaphore, #tpu.memory_space<semaphore_mem>>) src(%arg4 : memref<128x128xf32, #tpu.memory_space<hbm>>) dst(%arg8 : memref<128x128xf32, #tpu.memory_space<vmem>>)
      tpu.yield
    }) : () -> ()
    %run_scoped3A = arith.constant 0 : i32
    "tpu.region"() ({
      %run_scoped3A_51 = tpu.sem_alloc : memref<!tpu.dma_semaphore, #tpu.memory_space<semaphore_mem>>
      %dma_start3A = arith.constant 0 : i32
      %dma_start3A_52 = arith.constant 0 : i32
      %dma_start3A_53 = tpu.memref_slice %arg3[%run_scoped3A, %add3A, %dma_start3A, %dma_start3A_52] : memref<2x32x40x128xi32, #tpu.memory_space<hbm>> -> memref<1x1x40x128xi32, #tpu.memory_space<hbm>>
      %dma_start3A_54 = tpu.memref_squeeze %dma_start3A_53 : memref<1x1x40x128xi32, #tpu.memory_space<hbm>> -> memref<40x128xi32, #tpu.memory_space<hbm>>
      %dma_start3A_55 = arith.constant 0 : i32
      %dma_start3A_56 = arith.constant 0 : i32
      %dma_start3A_57 = tpu.memref_slice %arg3[%run_scoped3A, %add3A, %dma_start3A_55, %dma_start3A_56] : memref<2x32x40x128xi32, #tpu.memory_space<hbm>> -> memref<1x1x40x128xi32, #tpu.memory_space<hbm>>
      %dma_start3A_58 = tpu.memref_squeeze %dma_start3A_57 : memref<1x1x40x128xi32, #tpu.memory_space<hbm>> -> memref<40x128xi32, #tpu.memory_space<hbm>>
      tpu.enqueue_dma source(%dma_start3A_58 : memref<40x128xi32, #tpu.memory_space<hbm>>) target(%arg6 : memref<40x128xi32, #tpu.memory_space<vmem>>) target_semaphore(%run_scoped3A_51 : memref<!tpu.dma_semaphore, #tpu.memory_space<semaphore_mem>>)
      %dma_wait3A_59 = arith.constant 0 : i32
      %dma_wait3A_60 = arith.constant 0 : i32
      %dma_wait3A_61 = tpu.memref_slice %arg3[%run_scoped3A, %add3A, %dma_wait3A_59, %dma_wait3A_60] : memref<2x32x40x128xi32, #tpu.memory_space<hbm>> -> memref<1x1x40x128xi32, #tpu.memory_space<hbm>>
      %dma_wait3A_62 = tpu.memref_squeeze %dma_wait3A_61 : memref<1x1x40x128xi32, #tpu.memory_space<hbm>> -> memref<40x128xi32, #tpu.memory_space<hbm>>
      %dma_wait3A_63 = arith.constant 0 : i32
      %dma_wait3A_64 = arith.constant 0 : i32
      %dma_wait3A_65 = tpu.memref_slice %arg3[%run_scoped3A, %add3A, %dma_wait3A_63, %dma_wait3A_64] : memref<2x32x40x128xi32, #tpu.memory_space<hbm>> -> memref<1x1x40x128xi32, #tpu.memory_space<hbm>>
      %dma_wait3A_66 = tpu.memref_squeeze %dma_wait3A_65 : memref<1x1x40x128xi32, #tpu.memory_space<hbm>> -> memref<40x128xi32, #tpu.memory_space<hbm>>
      tpu.wait_dma2 semaphore(%run_scoped3A_51 : memref<!tpu.dma_semaphore, #tpu.memory_space<semaphore_mem>>) src(%dma_wait3A_66 : memref<40x128xi32, #tpu.memory_space<hbm>>) dst(%arg6 : memref<40x128xi32, #tpu.memory_space<vmem>>)
      tpu.yield
    }) : () -> ()
    %run_scoped3A_3 = arith.constant 1 : i32
    "tpu.region"() ({
      %run_scoped3A_51 = tpu.sem_alloc : memref<!tpu.dma_semaphore, #tpu.memory_space<semaphore_mem>>
      %dma_start3A = arith.constant 0 : i32
      %dma_start3A_52 = arith.constant 0 : i32
      %dma_start3A_53 = tpu.memref_slice %arg3[%run_scoped3A_3, %add3A, %dma_start3A, %dma_start3A_52] : memref<2x32x40x128xi32, #tpu.memory_space<hbm>> -> memref<1x1x40x128xi32, #tpu.memory_space<hbm>>
      %dma_start3A_54 = tpu.memref_squeeze %dma_start3A_53 : memref<1x1x40x128xi32, #tpu.memory_space<hbm>> -> memref<40x128xi32, #tpu.memory_space<hbm>>
      %dma_start3A_55 = arith.constant 0 : i32
      %dma_start3A_56 = arith.constant 0 : i32
      %dma_start3A_57 = tpu.memref_slice %arg3[%run_scoped3A_3, %add3A, %dma_start3A_55, %dma_start3A_56] : memref<2x32x40x128xi32, #tpu.memory_space<hbm>> -> memref<1x1x40x128xi32, #tpu.memory_space<hbm>>
      %dma_start3A_58 = tpu.memref_squeeze %dma_start3A_57 : memref<1x1x40x128xi32, #tpu.memory_space<hbm>> -> memref<40x128xi32, #tpu.memory_space<hbm>>
      tpu.enqueue_dma source(%dma_start3A_58 : memref<40x128xi32, #tpu.memory_space<hbm>>) target(%arg7 : memref<40x128xi32, #tpu.memory_space<vmem>>) target_semaphore(%run_scoped3A_51 : memref<!tpu.dma_semaphore, #tpu.memory_space<semaphore_mem>>)
      %dma_wait3A_59 = arith.constant 0 : i32
      %dma_wait3A_60 = arith.constant 0 : i32
      %dma_wait3A_61 = tpu.memref_slice %arg3[%run_scoped3A_3, %add3A, %dma_wait3A_59, %dma_wait3A_60] : memref<2x32x40x128xi32, #tpu.memory_space<hbm>> -> memref<1x1x40x128xi32, #tpu.memory_space<hbm>>
      %dma_wait3A_62 = tpu.memref_squeeze %dma_wait3A_61 : memref<1x1x40x128xi32, #tpu.memory_space<hbm>> -> memref<40x128xi32, #tpu.memory_space<hbm>>
      %dma_wait3A_63 = arith.constant 0 : i32
      %dma_wait3A_64 = arith.constant 0 : i32
      %dma_wait3A_65 = tpu.memref_slice %arg3[%run_scoped3A_3, %add3A, %dma_wait3A_63, %dma_wait3A_64] : memref<2x32x40x128xi32, #tpu.memory_space<hbm>> -> memref<1x1x40x128xi32, #tpu.memory_space<hbm>>
      %dma_wait3A_66 = tpu.memref_squeeze %dma_wait3A_65 : memref<1x1x40x128xi32, #tpu.memory_space<hbm>> -> memref<40x128xi32, #tpu.memory_space<hbm>>
      tpu.wait_dma2 semaphore(%run_scoped3A_51 : memref<!tpu.dma_semaphore, #tpu.memory_space<semaphore_mem>>) src(%dma_wait3A_66 : memref<40x128xi32, #tpu.memory_space<hbm>>) dst(%arg7 : memref<40x128xi32, #tpu.memory_space<vmem>>)
      tpu.yield
    }) : () -> ()
    %mul3A_4 = arith.constant 640 : i32
    %mul3A_5 = arith.muli %arg1, %mul3A_4 : i32
    %add3A_6 = arith.constant 0 : i32
    %add3A_7 = arith.addi %mul3A_5, %add3A_6 : i32
    "tpu.region"() ({
      %run_scoped3A_51 = tpu.sem_alloc : memref<!tpu.dma_semaphore, #tpu.memory_space<semaphore_mem>>
      %dma_start3A = arith.constant 0 : i32
      %dma_start3A_52 = tpu.memref_slice %arg11[%add3A_7, %dma_start3A] : memref<10240x128xf32, #tpu.memory_space<vmem_shared>> -> memref<128x128xf32, #tpu.memory_space<vmem_shared>>
      %dma_start3A_53 = arith.constant 0 : i32
      %dma_start3A_54 = tpu.memref_slice %arg11[%add3A_7, %dma_start3A_53] : memref<10240x128xf32, #tpu.memory_space<vmem_shared>> -> memref<128x128xf32, #tpu.memory_space<vmem_shared>>
      tpu.enqueue_dma source(%arg8 : memref<128x128xf32, #tpu.memory_space<vmem>>) target(%dma_start3A_54 : memref<128x128xf32, #tpu.memory_space<vmem_shared>>) target_semaphore(%run_scoped3A_51 : memref<!tpu.dma_semaphore, #tpu.memory_space<semaphore_mem>>)
      %dma_wait3A_55 = arith.constant 0 : i32
      %dma_wait3A_56 = tpu.memref_slice %arg11[%add3A_7, %dma_wait3A_55] : memref<10240x128xf32, #tpu.memory_space<vmem_shared>> -> memref<128x128xf32, #tpu.memory_space<vmem_shared>>
      %dma_wait3A_57 = arith.constant 0 : i32
      %dma_wait3A_58 = tpu.memref_slice %arg11[%add3A_7, %dma_wait3A_57] : memref<10240x128xf32, #tpu.memory_space<vmem_shared>> -> memref<128x128xf32, #tpu.memory_space<vmem_shared>>
      tpu.wait_dma2 semaphore(%run_scoped3A_51 : memref<!tpu.dma_semaphore, #tpu.memory_space<semaphore_mem>>) src(%arg8 : memref<128x128xf32, #tpu.memory_space<vmem>>) dst(%dma_wait3A_58 : memref<128x128xf32, #tpu.memory_space<vmem_shared>>)
      tpu.yield
    }) : () -> ()
    %mul3A_8 = arith.constant 640 : i32
    %mul3A_9 = arith.muli %arg1, %mul3A_8 : i32
    %add3A_10 = arith.constant 128 : i32
    %add3A_11 = arith.addi %mul3A_9, %add3A_10 : i32
    "tpu.region"() ({
      %run_scoped3A_51 = tpu.sem_alloc : memref<!tpu.dma_semaphore, #tpu.memory_space<semaphore_mem>>
      %dma_start3A = arith.constant 0 : i32
      %dma_start3A_52 = tpu.memref_slice %arg11[%add3A_11, %dma_start3A] : memref<10240x128xf32, #tpu.memory_space<vmem_shared>> -> memref<128x128xf32, #tpu.memory_space<vmem_shared>>
      %dma_start3A_53 = arith.constant 0 : i32
      %dma_start3A_54 = tpu.memref_slice %arg11[%add3A_11, %dma_start3A_53] : memref<10240x128xf32, #tpu.memory_space<vmem_shared>> -> memref<128x128xf32, #tpu.memory_space<vmem_shared>>
      tpu.enqueue_dma source(%arg8 : memref<128x128xf32, #tpu.memory_space<vmem>>) target(%dma_start3A_54 : memref<128x128xf32, #tpu.memory_space<vmem_shared>>) target_semaphore(%run_scoped3A_51 : memref<!tpu.dma_semaphore, #tpu.memory_space<semaphore_mem>>)
      %dma_wait3A_55 = arith.constant 0 : i32
      %dma_wait3A_56 = tpu.memref_slice %arg11[%add3A_11, %dma_wait3A_55] : memref<10240x128xf32, #tpu.memory_space<vmem_shared>> -> memref<128x128xf32, #tpu.memory_space<vmem_shared>>
      %dma_wait3A_57 = arith.constant 0 : i32
      %dma_wait3A_58 = tpu.memref_slice %arg11[%add3A_11, %dma_wait3A_57] : memref<10240x128xf32, #tpu.memory_space<vmem_shared>> -> memref<128x128xf32, #tpu.memory_space<vmem_shared>>
      tpu.wait_dma2 semaphore(%run_scoped3A_51 : memref<!tpu.dma_semaphore, #tpu.memory_space<semaphore_mem>>) src(%arg8 : memref<128x128xf32, #tpu.memory_space<vmem>>) dst(%dma_wait3A_58 : memref<128x128xf32, #tpu.memory_space<vmem_shared>>)
      tpu.yield
    }) : () -> ()
    %mul3A_12 = arith.constant 640 : i32
    %mul3A_13 = arith.muli %arg1, %mul3A_12 : i32
    %add3A_14 = arith.constant 256 : i32
    %add3A_15 = arith.addi %mul3A_13, %add3A_14 : i32
    "tpu.region"() ({
      %run_scoped3A_51 = tpu.sem_alloc : memref<!tpu.dma_semaphore, #tpu.memory_space<semaphore_mem>>
      %dma_start3A = arith.constant 0 : i32
      %dma_start3A_52 = tpu.memref_slice %arg11[%add3A_15, %dma_start3A] : memref<10240x128xf32, #tpu.memory_space<vmem_shared>> -> memref<128x128xf32, #tpu.memory_space<vmem_shared>>
      %dma_start3A_53 = arith.constant 0 : i32
      %dma_start3A_54 = tpu.memref_slice %arg11[%add3A_15, %dma_start3A_53] : memref<10240x128xf32, #tpu.memory_space<vmem_shared>> -> memref<128x128xf32, #tpu.memory_space<vmem_shared>>
      tpu.enqueue_dma source(%arg8 : memref<128x128xf32, #tpu.memory_space<vmem>>) target(%dma_start3A_54 : memref<128x128xf32, #tpu.memory_space<vmem_shared>>) target_semaphore(%run_scoped3A_51 : memref<!tpu.dma_semaphore, #tpu.memory_space<semaphore_mem>>)
      %dma_wait3A_55 = arith.constant 0 : i32
      %dma_wait3A_56 = tpu.memref_slice %arg11[%add3A_15, %dma_wait3A_55] : memref<10240x128xf32, #tpu.memory_space<vmem_shared>> -> memref<128x128xf32, #tpu.memory_space<vmem_shared>>
      %dma_wait3A_57 = arith.constant 0 : i32
      %dma_wait3A_58 = tpu.memref_slice %arg11[%add3A_15, %dma_wait3A_57] : memref<10240x128xf32, #tpu.memory_space<vmem_shared>> -> memref<128x128xf32, #tpu.memory_space<vmem_shared>>
      tpu.wait_dma2 semaphore(%run_scoped3A_51 : memref<!tpu.dma_semaphore, #tpu.memory_space<semaphore_mem>>) src(%arg8 : memref<128x128xf32, #tpu.memory_space<vmem>>) dst(%dma_wait3A_58 : memref<128x128xf32, #tpu.memory_space<vmem_shared>>)
      tpu.yield
    }) : () -> ()
    %mul3A_16 = arith.constant 640 : i32
    %mul3A_17 = arith.muli %arg1, %mul3A_16 : i32
    %add3A_18 = arith.constant 384 : i32
    %add3A_19 = arith.addi %mul3A_17, %add3A_18 : i32
    "tpu.region"() ({
      %run_scoped3A_51 = tpu.sem_alloc : memref<!tpu.dma_semaphore, #tpu.memory_space<semaphore_mem>>
      %dma_start3A = arith.constant 0 : i32
      %dma_start3A_52 = tpu.memref_slice %arg11[%add3A_19, %dma_start3A] : memref<10240x128xf32, #tpu.memory_space<vmem_shared>> -> memref<128x128xf32, #tpu.memory_space<vmem_shared>>
      %dma_start3A_53 = arith.constant 0 : i32
      %dma_start3A_54 = tpu.memref_slice %arg11[%add3A_19, %dma_start3A_53] : memref<10240x128xf32, #tpu.memory_space<vmem_shared>> -> memref<128x128xf32, #tpu.memory_space<vmem_shared>>
      tpu.enqueue_dma source(%arg8 : memref<128x128xf32, #tpu.memory_space<vmem>>) target(%dma_start3A_54 : memref<128x128xf32, #tpu.memory_space<vmem_shared>>) target_semaphore(%run_scoped3A_51 : memref<!tpu.dma_semaphore, #tpu.memory_space<semaphore_mem>>)
      %dma_wait3A_55 = arith.constant 0 : i32
      %dma_wait3A_56 = tpu.memref_slice %arg11[%add3A_19, %dma_wait3A_55] : memref<10240x128xf32, #tpu.memory_space<vmem_shared>> -> memref<128x128xf32, #tpu.memory_space<vmem_shared>>
      %dma_wait3A_57 = arith.constant 0 : i32
      %dma_wait3A_58 = tpu.memref_slice %arg11[%add3A_19, %dma_wait3A_57] : memref<10240x128xf32, #tpu.memory_space<vmem_shared>> -> memref<128x128xf32, #tpu.memory_space<vmem_shared>>
      tpu.wait_dma2 semaphore(%run_scoped3A_51 : memref<!tpu.dma_semaphore, #tpu.memory_space<semaphore_mem>>) src(%arg8 : memref<128x128xf32, #tpu.memory_space<vmem>>) dst(%dma_wait3A_58 : memref<128x128xf32, #tpu.memory_space<vmem_shared>>)
      tpu.yield
    }) : () -> ()
    %mul3A_20 = arith.constant 640 : i32
    %mul3A_21 = arith.muli %arg1, %mul3A_20 : i32
    %add3A_22 = arith.constant 512 : i32
    %add3A_23 = arith.addi %mul3A_21, %add3A_22 : i32
    "tpu.region"() ({
      %run_scoped3A_51 = tpu.sem_alloc : memref<!tpu.dma_semaphore, #tpu.memory_space<semaphore_mem>>
      %dma_start3A = arith.constant 0 : i32
      %dma_start3A_52 = tpu.memref_slice %arg11[%add3A_23, %dma_start3A] : memref<10240x128xf32, #tpu.memory_space<vmem_shared>> -> memref<128x128xf32, #tpu.memory_space<vmem_shared>>
      %dma_start3A_53 = arith.constant 0 : i32
      %dma_start3A_54 = tpu.memref_slice %arg11[%add3A_23, %dma_start3A_53] : memref<10240x128xf32, #tpu.memory_space<vmem_shared>> -> memref<128x128xf32, #tpu.memory_space<vmem_shared>>
      tpu.enqueue_dma source(%arg8 : memref<128x128xf32, #tpu.memory_space<vmem>>) target(%dma_start3A_54 : memref<128x128xf32, #tpu.memory_space<vmem_shared>>) target_semaphore(%run_scoped3A_51 : memref<!tpu.dma_semaphore, #tpu.memory_space<semaphore_mem>>)
      %dma_wait3A_55 = arith.constant 0 : i32
      %dma_wait3A_56 = tpu.memref_slice %arg11[%add3A_23, %dma_wait3A_55] : memref<10240x128xf32, #tpu.memory_space<vmem_shared>> -> memref<128x128xf32, #tpu.memory_space<vmem_shared>>
      %dma_wait3A_57 = arith.constant 0 : i32
      %dma_wait3A_58 = tpu.memref_slice %arg11[%add3A_23, %dma_wait3A_57] : memref<10240x128xf32, #tpu.memory_space<vmem_shared>> -> memref<128x128xf32, #tpu.memory_space<vmem_shared>>
      tpu.wait_dma2 semaphore(%run_scoped3A_51 : memref<!tpu.dma_semaphore, #tpu.memory_space<semaphore_mem>>) src(%arg8 : memref<128x128xf32, #tpu.memory_space<vmem>>) dst(%dma_wait3A_58 : memref<128x128xf32, #tpu.memory_space<vmem_shared>>)
      tpu.yield
    }) : () -> ()
    %barrier3A = arith.constant 0 : index
    tpu.barrier barrier_id(%barrier3A)
    %while3A = arith.constant 0 : i32
    %while3A_24 = arith.constant 0 : i32
    %while3A_25 = arith.subi %select_n3A, %while3A_24 : i32
    %while3A_26 = arith.addi %while3A_24, %while3A_25 : i32
    %while3A_27 = arith.constant 1 : i32
    %while3A_28 = arith.divsi %while3A_25, %while3A_27 : i32
    %while3A_29 = arith.muli %while3A_28, %while3A_27 : i32
    %while3A_30 = arith.addi %while3A_24, %while3A_29 : i32
    %while3A_31 = arith.constant 1 : i32
    scf.for %while3A_51 = %while3A_24 to %while3A_30 step %while3A_31  : i32 {
      %mul3A_52 = arith.constant 2 : i32
      %mul3A_53 = arith.muli %mul3A_52, %while3A_51 : i32
      %ge3A = arith.constant 2 : i32
      %ge3A_54 = arith.cmpi sge, %mul3A_53, %ge3A : i32
      %convert_element_type3A = arith.extui %ge3A_54 : i1 to i32
      %cond3A = arith.constant 0 : i32
      %cond3A_55 = arith.cmpi ne, %convert_element_type3A, %cond3A : i32
      scf.if %cond3A_55 {
        %add3A_104 = arith.constant 0 : i32
        %add3A_105 = arith.addi %mul3A_53, %add3A_104 : i32
        %dma_wait3A_106 = arith.constant 0 : i32
        %dma_wait3A_107 = tpu.memref_slice %arg6[%add3A_105, %dma_wait3A_106] : memref<40x128xi32, #tpu.memory_space<vmem>> -> memref<1x128xi32, #tpu.memory_space<vmem>>
        %dma_wait3A_108 = tpu.memref_squeeze %dma_wait3A_107 : memref<1x128xi32, #tpu.memory_space<vmem>> -> memref<128xi32, #tpu.memory_space<vmem>>
        %dma_wait3A_109 = arith.constant 0 : i32
        %dma_wait3A_110 = arith.constant 0 : i32
        %dma_wait3A_111 = tpu.memref_slice %arg2[%dma_wait3A_109, %dma_wait3A_110] : memref<10000x128xf32, #tpu.memory_space<hbm>> -> memref<10000x128xf32, #tpu.memory_space<hbm>>
        tpu.wait_indirect_dma semaphore(%arg15 : memref<!tpu.dma_semaphore, #tpu.memory_space<semaphore_mem>>) src(%dma_wait3A_111 : memref<10000x128xf32, #tpu.memory_space<hbm>>) dst(%arg8 : memref<128x128xf32, #tpu.memory_space<vmem>>)
      } else {
      }
      %add3A_56 = arith.constant 0 : i32
      %add3A_57 = arith.addi %mul3A_53, %add3A_56 : i32
      %dma_start3A = arith.constant 0 : i32
      %dma_start3A_58 = tpu.memref_slice %arg6[%add3A_57, %dma_start3A] : memref<40x128xi32, #tpu.memory_space<vmem>> -> memref<1x128xi32, #tpu.memory_space<vmem>>
      %dma_start3A_59 = tpu.memref_squeeze %dma_start3A_58 : memref<1x128xi32, #tpu.memory_space<vmem>> -> memref<128xi32, #tpu.memory_space<vmem>>
      %dma_start3A_60 = arith.constant 0 : i32
      %dma_start3A_61 = arith.constant 0 : i32
      %dma_start3A_62 = tpu.memref_slice %arg2[%dma_start3A_60, %dma_start3A_61] : memref<10000x128xf32, #tpu.memory_space<hbm>> -> memref<10000x128xf32, #tpu.memory_space<hbm>>
      tpu.enqueue_indirect_dma source(%dma_start3A_62 : memref<10000x128xf32, #tpu.memory_space<hbm>>) target(%arg8 : memref<128x128xf32, #tpu.memory_space<vmem>>) offsets(%dma_start3A_59 : memref<128xi32, #tpu.memory_space<vmem>>) semaphore(%arg13 : memref<!tpu.dma_semaphore, #tpu.memory_space<semaphore_mem>>)
      %ge3A_63 = arith.constant 2 : i32
      %ge3A_64 = arith.cmpi sge, %mul3A_53, %ge3A_63 : i32
      %convert_element_type3A_65 = arith.extui %ge3A_64 : i1 to i32
      %cond3A_66 = arith.constant 0 : i32
      %cond3A_67 = arith.cmpi ne, %convert_element_type3A_65, %cond3A_66 : i32
      scf.if %cond3A_67 {
        %add3A_104 = arith.constant 1 : i32
        %add3A_105 = arith.addi %mul3A_53, %add3A_104 : i32
        %dma_wait3A_106 = arith.constant 0 : i32
        %dma_wait3A_107 = tpu.memref_slice %arg6[%add3A_105, %dma_wait3A_106] : memref<40x128xi32, #tpu.memory_space<vmem>> -> memref<1x128xi32, #tpu.memory_space<vmem>>
        %dma_wait3A_108 = tpu.memref_squeeze %dma_wait3A_107 : memref<1x128xi32, #tpu.memory_space<vmem>> -> memref<128xi32, #tpu.memory_space<vmem>>
        %dma_wait3A_109 = arith.constant 0 : i32
        %dma_wait3A_110 = arith.constant 0 : i32
        %dma_wait3A_111 = tpu.memref_slice %arg2[%dma_wait3A_109, %dma_wait3A_110] : memref<10000x128xf32, #tpu.memory_space<hbm>> -> memref<10000x128xf32, #tpu.memory_space<hbm>>
        tpu.wait_indirect_dma semaphore(%arg16 : memref<!tpu.dma_semaphore, #tpu.memory_space<semaphore_mem>>) src(%dma_wait3A_111 : memref<10000x128xf32, #tpu.memory_space<hbm>>) dst(%arg9 : memref<128x128xf32, #tpu.memory_space<vmem>>)
      } else {
      }
      %add3A_68 = arith.constant 1 : i32
      %add3A_69 = arith.addi %mul3A_53, %add3A_68 : i32
      %dma_start3A_70 = arith.constant 0 : i32
      %dma_start3A_71 = tpu.memref_slice %arg6[%add3A_69, %dma_start3A_70] : memref<40x128xi32, #tpu.memory_space<vmem>> -> memref<1x128xi32, #tpu.memory_space<vmem>>
      %dma_start3A_72 = tpu.memref_squeeze %dma_start3A_71 : memref<1x128xi32, #tpu.memory_space<vmem>> -> memref<128xi32, #tpu.memory_space<vmem>>
      %dma_start3A_73 = arith.constant 0 : i32
      %dma_start3A_74 = arith.constant 0 : i32
      %dma_start3A_75 = tpu.memref_slice %arg2[%dma_start3A_73, %dma_start3A_74] : memref<10000x128xf32, #tpu.memory_space<hbm>> -> memref<10000x128xf32, #tpu.memory_space<hbm>>
      tpu.enqueue_indirect_dma source(%dma_start3A_75 : memref<10000x128xf32, #tpu.memory_space<hbm>>) target(%arg9 : memref<128x128xf32, #tpu.memory_space<vmem>>) offsets(%dma_start3A_72 : memref<128xi32, #tpu.memory_space<vmem>>) semaphore(%arg14 : memref<!tpu.dma_semaphore, #tpu.memory_space<semaphore_mem>>)
      %dma_wait3A_76 = arith.constant 0 : i32
      %dma_wait3A_77 = tpu.memref_slice %arg6[%add3A_57, %dma_wait3A_76] : memref<40x128xi32, #tpu.memory_space<vmem>> -> memref<1x128xi32, #tpu.memory_space<vmem>>
      %dma_wait3A_78 = tpu.memref_squeeze %dma_wait3A_77 : memref<1x128xi32, #tpu.memory_space<vmem>> -> memref<128xi32, #tpu.memory_space<vmem>>
      %dma_wait3A_79 = arith.constant 0 : i32
      %dma_wait3A_80 = arith.constant 0 : i32
      %dma_wait3A_81 = tpu.memref_slice %arg2[%dma_wait3A_79, %dma_wait3A_80] : memref<10000x128xf32, #tpu.memory_space<hbm>> -> memref<10000x128xf32, #tpu.memory_space<hbm>>
      tpu.wait_indirect_dma semaphore(%arg13 : memref<!tpu.dma_semaphore, #tpu.memory_space<semaphore_mem>>) src(%dma_wait3A_81 : memref<10000x128xf32, #tpu.memory_space<hbm>>) dst(%arg8 : memref<128x128xf32, #tpu.memory_space<vmem>>)
      %add3A_82 = arith.constant 0 : i32
      %add3A_83 = arith.addi %mul3A_53, %add3A_82 : i32
      %dma_start3A_84 = arith.constant 0 : i32
      %dma_start3A_85 = tpu.memref_slice %arg7[%add3A_83, %dma_start3A_84] : memref<40x128xi32, #tpu.memory_space<vmem>> -> memref<1x128xi32, #tpu.memory_space<vmem>>
      %dma_start3A_86 = tpu.memref_squeeze %dma_start3A_85 : memref<1x128xi32, #tpu.memory_space<vmem>> -> memref<128xi32, #tpu.memory_space<vmem>>
      %dma_start3A_87 = arith.constant 0 : i32
      %dma_start3A_88 = arith.constant 0 : i32
      %dma_start3A_89 = tpu.memref_slice %arg11[%dma_start3A_87, %dma_start3A_88] : memref<10240x128xf32, #tpu.memory_space<vmem_shared>> -> memref<10240x128xf32, #tpu.memory_space<vmem_shared>>
      tpu.enqueue_indirect_dma source(%arg8 : memref<128x128xf32, #tpu.memory_space<vmem>>) target(%dma_start3A_89 : memref<10240x128xf32, #tpu.memory_space<vmem_shared>>) offsets(%dma_start3A_86 : memref<128xi32, #tpu.memory_space<vmem>>) semaphore(%arg15 : memref<!tpu.dma_semaphore, #tpu.memory_space<semaphore_mem>>) {add = true}
      %dma_wait3A_90 = arith.constant 0 : i32
      %dma_wait3A_91 = tpu.memref_slice %arg6[%add3A_69, %dma_wait3A_90] : memref<40x128xi32, #tpu.memory_space<vmem>> -> memref<1x128xi32, #tpu.memory_space<vmem>>
      %dma_wait3A_92 = tpu.memref_squeeze %dma_wait3A_91 : memref<1x128xi32, #tpu.memory_space<vmem>> -> memref<128xi32, #tpu.memory_space<vmem>>
      %dma_wait3A_93 = arith.constant 0 : i32
      %dma_wait3A_94 = arith.constant 0 : i32
      %dma_wait3A_95 = tpu.memref_slice %arg2[%dma_wait3A_93, %dma_wait3A_94] : memref<10000x128xf32, #tpu.memory_space<hbm>> -> memref<10000x128xf32, #tpu.memory_space<hbm>>
      tpu.wait_indirect_dma semaphore(%arg14 : memref<!tpu.dma_semaphore, #tpu.memory_space<semaphore_mem>>) src(%dma_wait3A_95 : memref<10000x128xf32, #tpu.memory_space<hbm>>) dst(%arg9 : memref<128x128xf32, #tpu.memory_space<vmem>>)
      %add3A_96 = arith.constant 1 : i32
      %add3A_97 = arith.addi %mul3A_53, %add3A_96 : i32
      %dma_start3A_98 = arith.constant 0 : i32
      %dma_start3A_99 = tpu.memref_slice %arg7[%add3A_97, %dma_start3A_98] : memref<40x128xi32, #tpu.memory_space<vmem>> -> memref<1x128xi32, #tpu.memory_space<vmem>>
      %dma_start3A_100 = tpu.memref_squeeze %dma_start3A_99 : memref<1x128xi32, #tpu.memory_space<vmem>> -> memref<128xi32, #tpu.memory_space<vmem>>
      %dma_start3A_101 = arith.constant 0 : i32
      %dma_start3A_102 = arith.constant 0 : i32
      %dma_start3A_103 = tpu.memref_slice %arg11[%dma_start3A_101, %dma_start3A_102] : memref<10240x128xf32, #tpu.memory_space<vmem_shared>> -> memref<10240x128xf32, #tpu.memory_space<vmem_shared>>
      tpu.enqueue_indirect_dma source(%arg9 : memref<128x128xf32, #tpu.memory_space<vmem>>) target(%dma_start3A_103 : memref<10240x128xf32, #tpu.memory_space<vmem_shared>>) offsets(%dma_start3A_100 : memref<128xi32, #tpu.memory_space<vmem>>) semaphore(%arg16 : memref<!tpu.dma_semaphore, #tpu.memory_space<semaphore_mem>>) {add = true}
    }
    %while3A_32 = arith.constant 1 : i32
    scf.for %while3A_51 = %while3A_30 to %while3A_26 step %while3A_32  : i32 {
      %mul3A_52 = arith.constant 2 : i32
      %mul3A_53 = arith.muli %mul3A_52, %while3A_51 : i32
      %ge3A = arith.constant 2 : i32
      %ge3A_54 = arith.cmpi sge, %mul3A_53, %ge3A : i32
      %convert_element_type3A = arith.extui %ge3A_54 : i1 to i32
      %cond3A = arith.constant 0 : i32
      %cond3A_55 = arith.cmpi ne, %convert_element_type3A, %cond3A : i32
      scf.if %cond3A_55 {
        %add3A_104 = arith.constant 0 : i32
        %add3A_105 = arith.addi %mul3A_53, %add3A_104 : i32
        %dma_wait3A_106 = arith.constant 0 : i32
        %dma_wait3A_107 = tpu.memref_slice %arg6[%add3A_105, %dma_wait3A_106] : memref<40x128xi32, #tpu.memory_space<vmem>> -> memref<1x128xi32, #tpu.memory_space<vmem>>
        %dma_wait3A_108 = tpu.memref_squeeze %dma_wait3A_107 : memref<1x128xi32, #tpu.memory_space<vmem>> -> memref<128xi32, #tpu.memory_space<vmem>>
        %dma_wait3A_109 = arith.constant 0 : i32
        %dma_wait3A_110 = arith.constant 0 : i32
        %dma_wait3A_111 = tpu.memref_slice %arg2[%dma_wait3A_109, %dma_wait3A_110] : memref<10000x128xf32, #tpu.memory_space<hbm>> -> memref<10000x128xf32, #tpu.memory_space<hbm>>
        tpu.wait_indirect_dma semaphore(%arg15 : memref<!tpu.dma_semaphore, #tpu.memory_space<semaphore_mem>>) src(%dma_wait3A_111 : memref<10000x128xf32, #tpu.memory_space<hbm>>) dst(%arg8 : memref<128x128xf32, #tpu.memory_space<vmem>>)
      } else {
      }
      %add3A_56 = arith.constant 0 : i32
      %add3A_57 = arith.addi %mul3A_53, %add3A_56 : i32
      %dma_start3A = arith.constant 0 : i32
      %dma_start3A_58 = tpu.memref_slice %arg6[%add3A_57, %dma_start3A] : memref<40x128xi32, #tpu.memory_space<vmem>> -> memref<1x128xi32, #tpu.memory_space<vmem>>
      %dma_start3A_59 = tpu.memref_squeeze %dma_start3A_58 : memref<1x128xi32, #tpu.memory_space<vmem>> -> memref<128xi32, #tpu.memory_space<vmem>>
      %dma_start3A_60 = arith.constant 0 : i32
      %dma_start3A_61 = arith.constant 0 : i32
      %dma_start3A_62 = tpu.memref_slice %arg2[%dma_start3A_60, %dma_start3A_61] : memref<10000x128xf32, #tpu.memory_space<hbm>> -> memref<10000x128xf32, #tpu.memory_space<hbm>>
      tpu.enqueue_indirect_dma source(%dma_start3A_62 : memref<10000x128xf32, #tpu.memory_space<hbm>>) target(%arg8 : memref<128x128xf32, #tpu.memory_space<vmem>>) offsets(%dma_start3A_59 : memref<128xi32, #tpu.memory_space<vmem>>) semaphore(%arg13 : memref<!tpu.dma_semaphore, #tpu.memory_space<semaphore_mem>>)
      %ge3A_63 = arith.constant 2 : i32
      %ge3A_64 = arith.cmpi sge, %mul3A_53, %ge3A_63 : i32
      %convert_element_type3A_65 = arith.extui %ge3A_64 : i1 to i32
      %cond3A_66 = arith.constant 0 : i32
      %cond3A_67 = arith.cmpi ne, %convert_element_type3A_65, %cond3A_66 : i32
      scf.if %cond3A_67 {
        %add3A_104 = arith.constant 1 : i32
        %add3A_105 = arith.addi %mul3A_53, %add3A_104 : i32
        %dma_wait3A_106 = arith.constant 0 : i32
        %dma_wait3A_107 = tpu.memref_slice %arg6[%add3A_105, %dma_wait3A_106] : memref<40x128xi32, #tpu.memory_space<vmem>> -> memref<1x128xi32, #tpu.memory_space<vmem>>
        %dma_wait3A_108 = tpu.memref_squeeze %dma_wait3A_107 : memref<1x128xi32, #tpu.memory_space<vmem>> -> memref<128xi32, #tpu.memory_space<vmem>>
        %dma_wait3A_109 = arith.constant 0 : i32
        %dma_wait3A_110 = arith.constant 0 : i32
        %dma_wait3A_111 = tpu.memref_slice %arg2[%dma_wait3A_109, %dma_wait3A_110] : memref<10000x128xf32, #tpu.memory_space<hbm>> -> memref<10000x128xf32, #tpu.memory_space<hbm>>
        tpu.wait_indirect_dma semaphore(%arg16 : memref<!tpu.dma_semaphore, #tpu.memory_space<semaphore_mem>>) src(%dma_wait3A_111 : memref<10000x128xf32, #tpu.memory_space<hbm>>) dst(%arg9 : memref<128x128xf32, #tpu.memory_space<vmem>>)
      } else {
      }
      %add3A_68 = arith.constant 1 : i32
      %add3A_69 = arith.addi %mul3A_53, %add3A_68 : i32
      %dma_start3A_70 = arith.constant 0 : i32
      %dma_start3A_71 = tpu.memref_slice %arg6[%add3A_69, %dma_start3A_70] : memref<40x128xi32, #tpu.memory_space<vmem>> -> memref<1x128xi32, #tpu.memory_space<vmem>>
      %dma_start3A_72 = tpu.memref_squeeze %dma_start3A_71 : memref<1x128xi32, #tpu.memory_space<vmem>> -> memref<128xi32, #tpu.memory_space<vmem>>
      %dma_start3A_73 = arith.constant 0 : i32
      %dma_start3A_74 = arith.constant 0 : i32
      %dma_start3A_75 = tpu.memref_slice %arg2[%dma_start3A_73, %dma_start3A_74] : memref<10000x128xf32, #tpu.memory_space<hbm>> -> memref<10000x128xf32, #tpu.memory_space<hbm>>
      tpu.enqueue_indirect_dma source(%dma_start3A_75 : memref<10000x128xf32, #tpu.memory_space<hbm>>) target(%arg9 : memref<128x128xf32, #tpu.memory_space<vmem>>) offsets(%dma_start3A_72 : memref<128xi32, #tpu.memory_space<vmem>>) semaphore(%arg14 : memref<!tpu.dma_semaphore, #tpu.memory_space<semaphore_mem>>)
      %dma_wait3A_76 = arith.constant 0 : i32
      %dma_wait3A_77 = tpu.memref_slice %arg6[%add3A_57, %dma_wait3A_76] : memref<40x128xi32, #tpu.memory_space<vmem>> -> memref<1x128xi32, #tpu.memory_space<vmem>>
      %dma_wait3A_78 = tpu.memref_squeeze %dma_wait3A_77 : memref<1x128xi32, #tpu.memory_space<vmem>> -> memref<128xi32, #tpu.memory_space<vmem>>
      %dma_wait3A_79 = arith.constant 0 : i32
      %dma_wait3A_80 = arith.constant 0 : i32
      %dma_wait3A_81 = tpu.memref_slice %arg2[%dma_wait3A_79, %dma_wait3A_80] : memref<10000x128xf32, #tpu.memory_space<hbm>> -> memref<10000x128xf32, #tpu.memory_space<hbm>>
      tpu.wait_indirect_dma semaphore(%arg13 : memref<!tpu.dma_semaphore, #tpu.memory_space<semaphore_mem>>) src(%dma_wait3A_81 : memref<10000x128xf32, #tpu.memory_space<hbm>>) dst(%arg8 : memref<128x128xf32, #tpu.memory_space<vmem>>)
      %add3A_82 = arith.constant 0 : i32
      %add3A_83 = arith.addi %mul3A_53, %add3A_82 : i32
      %dma_start3A_84 = arith.constant 0 : i32
      %dma_start3A_85 = tpu.memref_slice %arg7[%add3A_83, %dma_start3A_84] : memref<40x128xi32, #tpu.memory_space<vmem>> -> memref<1x128xi32, #tpu.memory_space<vmem>>
      %dma_start3A_86 = tpu.memref_squeeze %dma_start3A_85 : memref<1x128xi32, #tpu.memory_space<vmem>> -> memref<128xi32, #tpu.memory_space<vmem>>
      %dma_start3A_87 = arith.constant 0 : i32
      %dma_start3A_88 = arith.constant 0 : i32
      %dma_start3A_89 = tpu.memref_slice %arg11[%dma_start3A_87, %dma_start3A_88] : memref<10240x128xf32, #tpu.memory_space<vmem_shared>> -> memref<10240x128xf32, #tpu.memory_space<vmem_shared>>
      tpu.enqueue_indirect_dma source(%arg8 : memref<128x128xf32, #tpu.memory_space<vmem>>) target(%dma_start3A_89 : memref<10240x128xf32, #tpu.memory_space<vmem_shared>>) offsets(%dma_start3A_86 : memref<128xi32, #tpu.memory_space<vmem>>) semaphore(%arg15 : memref<!tpu.dma_semaphore, #tpu.memory_space<semaphore_mem>>) {add = true}
      %dma_wait3A_90 = arith.constant 0 : i32
      %dma_wait3A_91 = tpu.memref_slice %arg6[%add3A_69, %dma_wait3A_90] : memref<40x128xi32, #tpu.memory_space<vmem>> -> memref<1x128xi32, #tpu.memory_space<vmem>>
      %dma_wait3A_92 = tpu.memref_squeeze %dma_wait3A_91 : memref<1x128xi32, #tpu.memory_space<vmem>> -> memref<128xi32, #tpu.memory_space<vmem>>
      %dma_wait3A_93 = arith.constant 0 : i32
      %dma_wait3A_94 = arith.constant 0 : i32
      %dma_wait3A_95 = tpu.memref_slice %arg2[%dma_wait3A_93, %dma_wait3A_94] : memref<10000x128xf32, #tpu.memory_space<hbm>> -> memref<10000x128xf32, #tpu.memory_space<hbm>>
      tpu.wait_indirect_dma semaphore(%arg14 : memref<!tpu.dma_semaphore, #tpu.memory_space<semaphore_mem>>) src(%dma_wait3A_95 : memref<10000x128xf32, #tpu.memory_space<hbm>>) dst(%arg9 : memref<128x128xf32, #tpu.memory_space<vmem>>)
      %add3A_96 = arith.constant 1 : i32
      %add3A_97 = arith.addi %mul3A_53, %add3A_96 : i32
      %dma_start3A_98 = arith.constant 0 : i32
      %dma_start3A_99 = tpu.memref_slice %arg7[%add3A_97, %dma_start3A_98] : memref<40x128xi32, #tpu.memory_space<vmem>> -> memref<1x128xi32, #tpu.memory_space<vmem>>
      %dma_start3A_100 = tpu.memref_squeeze %dma_start3A_99 : memref<1x128xi32, #tpu.memory_space<vmem>> -> memref<128xi32, #tpu.memory_space<vmem>>
      %dma_start3A_101 = arith.constant 0 : i32
      %dma_start3A_102 = arith.constant 0 : i32
      %dma_start3A_103 = tpu.memref_slice %arg11[%dma_start3A_101, %dma_start3A_102] : memref<10240x128xf32, #tpu.memory_space<vmem_shared>> -> memref<10240x128xf32, #tpu.memory_space<vmem_shared>>
      tpu.enqueue_indirect_dma source(%arg9 : memref<128x128xf32, #tpu.memory_space<vmem>>) target(%dma_start3A_103 : memref<10240x128xf32, #tpu.memory_space<vmem_shared>>) offsets(%dma_start3A_100 : memref<128xi32, #tpu.memory_space<vmem>>) semaphore(%arg16 : memref<!tpu.dma_semaphore, #tpu.memory_space<semaphore_mem>>) {add = true}
    }
    %dma_wait3A = arith.constant 0 : i32
    %dma_wait3A_33 = arith.constant 0 : i32
    %dma_wait3A_34 = tpu.memref_slice %arg6[%dma_wait3A, %dma_wait3A_33] : memref<40x128xi32, #tpu.memory_space<vmem>> -> memref<1x128xi32, #tpu.memory_space<vmem>>
    %dma_wait3A_35 = tpu.memref_squeeze %dma_wait3A_34 : memref<1x128xi32, #tpu.memory_space<vmem>> -> memref<128xi32, #tpu.memory_space<vmem>>
    %dma_wait3A_36 = arith.constant 0 : i32
    %dma_wait3A_37 = arith.constant 0 : i32
    %dma_wait3A_38 = tpu.memref_slice %arg2[%dma_wait3A_36, %dma_wait3A_37] : memref<10000x128xf32, #tpu.memory_space<hbm>> -> memref<10000x128xf32, #tpu.memory_space<hbm>>
    tpu.wait_indirect_dma semaphore(%arg15 : memref<!tpu.dma_semaphore, #tpu.memory_space<semaphore_mem>>) src(%dma_wait3A_38 : memref<10000x128xf32, #tpu.memory_space<hbm>>) dst(%arg8 : memref<128x128xf32, #tpu.memory_space<vmem>>)
    %dma_wait3A_39 = arith.constant 0 : i32
    %dma_wait3A_40 = arith.constant 0 : i32
    %dma_wait3A_41 = tpu.memref_slice %arg6[%dma_wait3A_39, %dma_wait3A_40] : memref<40x128xi32, #tpu.memory_space<vmem>> -> memref<1x128xi32, #tpu.memory_space<vmem>>
    %dma_wait3A_42 = tpu.memref_squeeze %dma_wait3A_41 : memref<1x128xi32, #tpu.memory_space<vmem>> -> memref<128xi32, #tpu.memory_space<vmem>>
    %dma_wait3A_43 = arith.constant 0 : i32
    %dma_wait3A_44 = arith.constant 0 : i32
    %dma_wait3A_45 = tpu.memref_slice %arg2[%dma_wait3A_43, %dma_wait3A_44] : memref<10000x128xf32, #tpu.memory_space<hbm>> -> memref<10000x128xf32, #tpu.memory_space<hbm>>
    tpu.wait_indirect_dma semaphore(%arg16 : memref<!tpu.dma_semaphore, #tpu.memory_space<semaphore_mem>>) src(%dma_wait3A_45 : memref<10000x128xf32, #tpu.memory_space<hbm>>) dst(%arg9 : memref<128x128xf32, #tpu.memory_space<vmem>>)
    %barrier3A_46 = arith.constant 0 : index
    tpu.barrier barrier_id(%barrier3A_46)
    %mul3A_47 = arith.constant 640 : i32
    %mul3A_48 = arith.muli %arg1, %mul3A_47 : i32
    %mul3A_49 = arith.constant 640 : i32
    %mul3A_50 = arith.muli %arg1, %mul3A_49 : i32
    "tpu.region"() ({
      %run_scoped3A_51 = tpu.sem_alloc : memref<!tpu.dma_semaphore, #tpu.memory_space<semaphore_mem>>
      %dma_start3A = arith.constant 0 : i32
      %dma_start3A_52 = tpu.memref_slice %arg5[%arg0, %mul3A_50, %dma_start3A] : memref<2x10240x128xf32, #tpu.memory_space<hbm>> -> memref<1x640x128xf32, #tpu.memory_space<hbm>>
      %dma_start3A_53 = tpu.memref_squeeze %dma_start3A_52 : memref<1x640x128xf32, #tpu.memory_space<hbm>> -> memref<640x128xf32, #tpu.memory_space<hbm>>
      %dma_start3A_54 = arith.constant 0 : i32
      %dma_start3A_55 = tpu.memref_slice %arg11[%mul3A_48, %dma_start3A_54] : memref<10240x128xf32, #tpu.memory_space<vmem_shared>> -> memref<640x128xf32, #tpu.memory_space<vmem_shared>>
      tpu.enqueue_dma source(%dma_start3A_55 : memref<640x128xf32, #tpu.memory_space<vmem_shared>>) target(%dma_start3A_53 : memref<640x128xf32, #tpu.memory_space<hbm>>) target_semaphore(%run_scoped3A_51 : memref<!tpu.dma_semaphore, #tpu.memory_space<semaphore_mem>>)
      %dma_wait3A_56 = arith.constant 0 : i32
      %dma_wait3A_57 = tpu.memref_slice %arg5[%arg0, %mul3A_50, %dma_wait3A_56] : memref<2x10240x128xf32, #tpu.memory_space<hbm>> -> memref<1x640x128xf32, #tpu.memory_space<hbm>>
      %dma_wait3A_58 = tpu.memref_squeeze %dma_wait3A_57 : memref<1x640x128xf32, #tpu.memory_space<hbm>> -> memref<640x128xf32, #tpu.memory_space<hbm>>
      %dma_wait3A_59 = arith.constant 0 : i32
      %dma_wait3A_60 = tpu.memref_slice %arg11[%mul3A_48, %dma_wait3A_59] : memref<10240x128xf32, #tpu.memory_space<vmem_shared>> -> memref<640x128xf32, #tpu.memory_space<vmem_shared>>
      tpu.wait_dma2 semaphore(%run_scoped3A_51 : memref<!tpu.dma_semaphore, #tpu.memory_space<semaphore_mem>>) src(%dma_wait3A_60 : memref<640x128xf32, #tpu.memory_space<vmem_shared>>) dst(%dma_wait3A_58 : memref<640x128xf32, #tpu.memory_space<hbm>>)
      tpu.yield
    }) : () -> ()
    return
  }
}

#map = affine_map<(d0, d1) -> (0, 0)>
#map1 = affine_map<(d0, d1) -> (0, 0, 0, 0)>
#map2 = affine_map<(d0, d1) -> (0, 0, 0)>
module attributes {stable_mosaic.version = 14 : i64} {
  func.func @body(%arg0: i32, %arg1: i32, %arg2: memref<10000x128xf32, #tpu.memory_space<hbm>>, %arg3: memref<2x32x40x128xi32, #tpu.memory_space<hbm>>, %arg4: memref<128x128xf32, #tpu.memory_space<hbm>>, %arg5: memref<2x10240x128xf32, #tpu.memory_space<hbm>>, %arg6: memref<40x128xi32, #tpu.memory_space<vmem>>, %arg7: memref<40x128xi32, #tpu.memory_space<vmem>>, %arg8: memref<128x128xf32, #tpu.memory_space<vmem>>, %arg9: memref<128x128xf32, #tpu.memory_space<vmem>>, %arg10: memref<128xf32, #tpu.memory_space<vmem>>, %arg11: memref<10240x128xf32, #tpu.memory_space<vmem_shared>>, %arg12: memref<10240xf32, #tpu.memory_space<vmem_shared>>, %arg13: memref<!tpu.dma_semaphore, #tpu.memory_space<semaphore_mem>>, %arg14: memref<!tpu.dma_semaphore, #tpu.memory_space<semaphore_mem>>, %arg15: memref<!tpu.dma_semaphore, #tpu.memory_space<semaphore_mem>>, %arg16: memref<!tpu.dma_semaphore, #tpu.memory_space<semaphore_mem>>, %arg17: memref<!tpu.dma_semaphore, #tpu.memory_space<semaphore_mem>>, %arg18: memref<!tpu.dma_semaphore, #tpu.memory_space<semaphore_mem>>) attributes {dimension_semantics = [#tpu.dimension_semantics<core_parallel>, #tpu.dimension_semantics<subcore_parallel>], iteration_bounds = array<i64: 2, 16>, scalar_prefetch = 0 : i64, scratch_operands = 13 : i64, tpu.core_type = #tpu.core_type<sc_vector_subcore>, window_params = [{transform_indices = #map}, {transform_indices = #map1}, {transform_indices = #map}, {transform_indices = #map2}]} {
    %mul3A = arith.constant 2 : i32
    %mul3A_0 = arith.muli %arg1, %mul3A : i32
    %add3A = arith.addi %mul3A_0, %arg0 : i32
    %eq3A = arith.constant 31 : i32
    %eq3A_1 = arith.cmpi eq, %add3A, %eq3A : i32
    %jit3A = arith.constant 5 : i32
    %jit3A_2 = arith.constant 20 : i32
    %select_n3A = arith.select %eq3A_1, %jit3A, %jit3A_2 : i32
    "tpu.region"() ({
      %run_scoped3A_51 = tpu.sem_alloc : memref<!tpu.dma_semaphore, #tpu.memory_space<semaphore_mem>>
      tpu.enqueue_dma source(%arg4 : memref<128x128xf32, #tpu.memory_space<hbm>>) target(%arg8 : memref<128x128xf32, #tpu.memory_space<vmem>>) target_semaphore(%run_scoped3A_51 : memref<!tpu.dma_semaphore, #tpu.memory_space<semaphore_mem>>)
      tpu.wait_dma2 semaphore(%run_scoped3A_51 : memref<!tpu.dma_semaphore, #tpu.memory_space<semaphore_mem>>) src(%arg4 : memref<128x128xf32, #tpu.memory_space<hbm>>) dst(%arg8 : memref<128x128xf32, #tpu.memory_space<vmem>>)
      tpu.yield
    }) : () -> ()
    %run_scoped3A = arith.constant 0 : i32
    "tpu.region"() ({
      %run_scoped3A_51 = tpu.sem_alloc : memref<!tpu.dma_semaphore, #tpu.memory_space<semaphore_mem>>
      %dma_start3A = arith.constant 0 : i32
      %dma_start3A_52 = arith.constant 0 : i32
      %dma_start3A_53 = tpu.memref_slice %arg3[%run_scoped3A, %add3A, %dma_start3A, %dma_start3A_52] : memref<2x32x40x128xi32, #tpu.memory_space<hbm>> -> memref<1x1x40x128xi32, #tpu.memory_space<hbm>>
      %dma_start3A_54 = tpu.memref_squeeze %dma_start3A_53 : memref<1x1x40x128xi32, #tpu.memory_space<hbm>> -> memref<40x128xi32, #tpu.memory_space<hbm>>
      %dma_start3A_55 = arith.constant 0 : i32
      %dma_start3A_56 = arith.constant 0 : i32
      %dma_start3A_57 = tpu.memref_slice %arg3[%run_scoped3A, %add3A, %dma_start3A_55, %dma_start3A_56] : memref<2x32x40x128xi32, #tpu.memory_space<hbm>> -> memref<1x1x40x128xi32, #tpu.memory_space<hbm>>
      %dma_start3A_58 = tpu.memref_squeeze %dma_start3A_57 : memref<1x1x40x128xi32, #tpu.memory_space<hbm>> -> memref<40x128xi32, #tpu.memory_space<hbm>>
      tpu.enqueue_dma source(%dma_start3A_58 : memref<40x128xi32, #tpu.memory_space<hbm>>) target(%arg6 : memref<40x128xi32, #tpu.memory_space<vmem>>) target_semaphore(%run_scoped3A_51 : memref<!tpu.dma_semaphore, #tpu.memory_space<semaphore_mem>>)
      %dma_wait3A_59 = arith.constant 0 : i32
      %dma_wait3A_60 = arith.constant 0 : i32
      %dma_wait3A_61 = tpu.memref_slice %arg3[%run_scoped3A, %add3A, %dma_wait3A_59, %dma_wait3A_60] : memref<2x32x40x128xi32, #tpu.memory_space<hbm>> -> memref<1x1x40x128xi32, #tpu.memory_space<hbm>>
      %dma_wait3A_62 = tpu.memref_squeeze %dma_wait3A_61 : memref<1x1x40x128xi32, #tpu.memory_space<hbm>> -> memref<40x128xi32, #tpu.memory_space<hbm>>
      %dma_wait3A_63 = arith.constant 0 : i32
      %dma_wait3A_64 = arith.constant 0 : i32
      %dma_wait3A_65 = tpu.memref_slice %arg3[%run_scoped3A, %add3A, %dma_wait3A_63, %dma_wait3A_64] : memref<2x32x40x128xi32, #tpu.memory_space<hbm>> -> memref<1x1x40x128xi32, #tpu.memory_space<hbm>>
      %dma_wait3A_66 = tpu.memref_squeeze %dma_wait3A_65 : memref<1x1x40x128xi32, #tpu.memory_space<hbm>> -> memref<40x128xi32, #tpu.memory_space<hbm>>
      tpu.wait_dma2 semaphore(%run_scoped3A_51 : memref<!tpu.dma_semaphore, #tpu.memory_space<semaphore_mem>>) src(%dma_wait3A_66 : memref<40x128xi32, #tpu.memory_space<hbm>>) dst(%arg6 : memref<40x128xi32, #tpu.memory_space<vmem>>)
      tpu.yield
    }) : () -> ()
    %run_scoped3A_3 = arith.constant 1 : i32
    "tpu.region"() ({
      %run_scoped3A_51 = tpu.sem_alloc : memref<!tpu.dma_semaphore, #tpu.memory_space<semaphore_mem>>
      %dma_start3A = arith.constant 0 : i32
      %dma_start3A_52 = arith.constant 0 : i32
      %dma_start3A_53 = tpu.memref_slice %arg3[%run_scoped3A_3, %add3A, %dma_start3A, %dma_start3A_52] : memref<2x32x40x128xi32, #tpu.memory_space<hbm>> -> memref<1x1x40x128xi32, #tpu.memory_space<hbm>>
      %dma_start3A_54 = tpu.memref_squeeze %dma_start3A_53 : memref<1x1x40x128xi32, #tpu.memory_space<hbm>> -> memref<40x128xi32, #tpu.memory_space<hbm>>
      %dma_start3A_55 = arith.constant 0 : i32
      %dma_start3A_56 = arith.constant 0 : i32
      %dma_start3A_57 = tpu.memref_slice %arg3[%run_scoped3A_3, %add3A, %dma_start3A_55, %dma_start3A_56] : memref<2x32x40x128xi32, #tpu.memory_space<hbm>> -> memref<1x1x40x128xi32, #tpu.memory_space<hbm>>
      %dma_start3A_58 = tpu.memref_squeeze %dma_start3A_57 : memref<1x1x40x128xi32, #tpu.memory_space<hbm>> -> memref<40x128xi32, #tpu.memory_space<hbm>>
      tpu.enqueue_dma source(%dma_start3A_58 : memref<40x128xi32, #tpu.memory_space<hbm>>) target(%arg7 : memref<40x128xi32, #tpu.memory_space<vmem>>) target_semaphore(%run_scoped3A_51 : memref<!tpu.dma_semaphore, #tpu.memory_space<semaphore_mem>>)
      %dma_wait3A_59 = arith.constant 0 : i32
      %dma_wait3A_60 = arith.constant 0 : i32
      %dma_wait3A_61 = tpu.memref_slice %arg3[%run_scoped3A_3, %add3A, %dma_wait3A_59, %dma_wait3A_60] : memref<2x32x40x128xi32, #tpu.memory_space<hbm>> -> memref<1x1x40x128xi32, #tpu.memory_space<hbm>>
      %dma_wait3A_62 = tpu.memref_squeeze %dma_wait3A_61 : memref<1x1x40x128xi32, #tpu.memory_space<hbm>> -> memref<40x128xi32, #tpu.memory_space<hbm>>
      %dma_wait3A_63 = arith.constant 0 : i32
      %dma_wait3A_64 = arith.constant 0 : i32
      %dma_wait3A_65 = tpu.memref_slice %arg3[%run_scoped3A_3, %add3A, %dma_wait3A_63, %dma_wait3A_64] : memref<2x32x40x128xi32, #tpu.memory_space<hbm>> -> memref<1x1x40x128xi32, #tpu.memory_space<hbm>>
      %dma_wait3A_66 = tpu.memref_squeeze %dma_wait3A_65 : memref<1x1x40x128xi32, #tpu.memory_space<hbm>> -> memref<40x128xi32, #tpu.memory_space<hbm>>
      tpu.wait_dma2 semaphore(%run_scoped3A_51 : memref<!tpu.dma_semaphore, #tpu.memory_space<semaphore_mem>>) src(%dma_wait3A_66 : memref<40x128xi32, #tpu.memory_space<hbm>>) dst(%arg7 : memref<40x128xi32, #tpu.memory_space<vmem>>)
      tpu.yield
    }) : () -> ()
    %mul3A_4 = arith.constant 640 : i32
    %mul3A_5 = arith.muli %arg1, %mul3A_4 : i32
    %add3A_6 = arith.constant 0 : i32
    %add3A_7 = arith.addi %mul3A_5, %add3A_6 : i32
    "tpu.region"() ({
      %run_scoped3A_51 = tpu.sem_alloc : memref<!tpu.dma_semaphore, #tpu.memory_space<semaphore_mem>>
      %dma_start3A = arith.constant 0 : i32
      %dma_start3A_52 = tpu.memref_slice %arg11[%add3A_7, %dma_start3A] : memref<10240x128xf32, #tpu.memory_space<vmem_shared>> -> memref<128x128xf32, #tpu.memory_space<vmem_shared>>
      %dma_start3A_53 = arith.constant 0 : i32
      %dma_start3A_54 = tpu.memref_slice %arg11[%add3A_7, %dma_start3A_53] : memref<10240x128xf32, #tpu.memory_space<vmem_shared>> -> memref<128x128xf32, #tpu.memory_space<vmem_shared>>
      tpu.enqueue_dma source(%arg8 : memref<128x128xf32, #tpu.memory_space<vmem>>) target(%dma_start3A_54 : memref<128x128xf32, #tpu.memory_space<vmem_shared>>) target_semaphore(%run_scoped3A_51 : memref<!tpu.dma_semaphore, #tpu.memory_space<semaphore_mem>>)
      %dma_wait3A_55 = arith.constant 0 : i32
      %dma_wait3A_56 = tpu.memref_slice %arg11[%add3A_7, %dma_wait3A_55] : memref<10240x128xf32, #tpu.memory_space<vmem_shared>> -> memref<128x128xf32, #tpu.memory_space<vmem_shared>>
      %dma_wait3A_57 = arith.constant 0 : i32
      %dma_wait3A_58 = tpu.memref_slice %arg11[%add3A_7, %dma_wait3A_57] : memref<10240x128xf32, #tpu.memory_space<vmem_shared>> -> memref<128x128xf32, #tpu.memory_space<vmem_shared>>
      tpu.wait_dma2 semaphore(%run_scoped3A_51 : memref<!tpu.dma_semaphore, #tpu.memory_space<semaphore_mem>>) src(%arg8 : memref<128x128xf32, #tpu.memory_space<vmem>>) dst(%dma_wait3A_58 : memref<128x128xf32, #tpu.memory_space<vmem_shared>>)
      tpu.yield
    }) : () -> ()
    %mul3A_8 = arith.constant 640 : i32
    %mul3A_9 = arith.muli %arg1, %mul3A_8 : i32
    %add3A_10 = arith.constant 128 : i32
    %add3A_11 = arith.addi %mul3A_9, %add3A_10 : i32
    "tpu.region"() ({
      %run_scoped3A_51 = tpu.sem_alloc : memref<!tpu.dma_semaphore, #tpu.memory_space<semaphore_mem>>
      %dma_start3A = arith.constant 0 : i32
      %dma_start3A_52 = tpu.memref_slice %arg11[%add3A_11, %dma_start3A] : memref<10240x128xf32, #tpu.memory_space<vmem_shared>> -> memref<128x128xf32, #tpu.memory_space<vmem_shared>>
      %dma_start3A_53 = arith.constant 0 : i32
      %dma_start3A_54 = tpu.memref_slice %arg11[%add3A_11, %dma_start3A_53] : memref<10240x128xf32, #tpu.memory_space<vmem_shared>> -> memref<128x128xf32, #tpu.memory_space<vmem_shared>>
      tpu.enqueue_dma source(%arg8 : memref<128x128xf32, #tpu.memory_space<vmem>>) target(%dma_start3A_54 : memref<128x128xf32, #tpu.memory_space<vmem_shared>>) target_semaphore(%run_scoped3A_51 : memref<!tpu.dma_semaphore, #tpu.memory_space<semaphore_mem>>)
      %dma_wait3A_55 = arith.constant 0 : i32
      %dma_wait3A_56 = tpu.memref_slice %arg11[%add3A_11, %dma_wait3A_55] : memref<10240x128xf32, #tpu.memory_space<vmem_shared>> -> memref<128x128xf32, #tpu.memory_space<vmem_shared>>
      %dma_wait3A_57 = arith.constant 0 : i32
      %dma_wait3A_58 = tpu.memref_slice %arg11[%add3A_11, %dma_wait3A_57] : memref<10240x128xf32, #tpu.memory_space<vmem_shared>> -> memref<128x128xf32, #tpu.memory_space<vmem_shared>>
      tpu.wait_dma2 semaphore(%run_scoped3A_51 : memref<!tpu.dma_semaphore, #tpu.memory_space<semaphore_mem>>) src(%arg8 : memref<128x128xf32, #tpu.memory_space<vmem>>) dst(%dma_wait3A_58 : memref<128x128xf32, #tpu.memory_space<vmem_shared>>)
      tpu.yield
    }) : () -> ()
    %mul3A_12 = arith.constant 640 : i32
    %mul3A_13 = arith.muli %arg1, %mul3A_12 : i32
    %add3A_14 = arith.constant 256 : i32
    %add3A_15 = arith.addi %mul3A_13, %add3A_14 : i32
    "tpu.region"() ({
      %run_scoped3A_51 = tpu.sem_alloc : memref<!tpu.dma_semaphore, #tpu.memory_space<semaphore_mem>>
      %dma_start3A = arith.constant 0 : i32
      %dma_start3A_52 = tpu.memref_slice %arg11[%add3A_15, %dma_start3A] : memref<10240x128xf32, #tpu.memory_space<vmem_shared>> -> memref<128x128xf32, #tpu.memory_space<vmem_shared>>
      %dma_start3A_53 = arith.constant 0 : i32
      %dma_start3A_54 = tpu.memref_slice %arg11[%add3A_15, %dma_start3A_53] : memref<10240x128xf32, #tpu.memory_space<vmem_shared>> -> memref<128x128xf32, #tpu.memory_space<vmem_shared>>
      tpu.enqueue_dma source(%arg8 : memref<128x128xf32, #tpu.memory_space<vmem>>) target(%dma_start3A_54 : memref<128x128xf32, #tpu.memory_space<vmem_shared>>) target_semaphore(%run_scoped3A_51 : memref<!tpu.dma_semaphore, #tpu.memory_space<semaphore_mem>>)
      %dma_wait3A_55 = arith.constant 0 : i32
      %dma_wait3A_56 = tpu.memref_slice %arg11[%add3A_15, %dma_wait3A_55] : memref<10240x128xf32, #tpu.memory_space<vmem_shared>> -> memref<128x128xf32, #tpu.memory_space<vmem_shared>>
      %dma_wait3A_57 = arith.constant 0 : i32
      %dma_wait3A_58 = tpu.memref_slice %arg11[%add3A_15, %dma_wait3A_57] : memref<10240x128xf32, #tpu.memory_space<vmem_shared>> -> memref<128x128xf32, #tpu.memory_space<vmem_shared>>
      tpu.wait_dma2 semaphore(%run_scoped3A_51 : memref<!tpu.dma_semaphore, #tpu.memory_space<semaphore_mem>>) src(%arg8 : memref<128x128xf32, #tpu.memory_space<vmem>>) dst(%dma_wait3A_58 : memref<128x128xf32, #tpu.memory_space<vmem_shared>>)
      tpu.yield
    }) : () -> ()
    %mul3A_16 = arith.constant 640 : i32
    %mul3A_17 = arith.muli %arg1, %mul3A_16 : i32
    %add3A_18 = arith.constant 384 : i32
    %add3A_19 = arith.addi %mul3A_17, %add3A_18 : i32
    "tpu.region"() ({
      %run_scoped3A_51 = tpu.sem_alloc : memref<!tpu.dma_semaphore, #tpu.memory_space<semaphore_mem>>
      %dma_start3A = arith.constant 0 : i32
      %dma_start3A_52 = tpu.memref_slice %arg11[%add3A_19, %dma_start3A] : memref<10240x128xf32, #tpu.memory_space<vmem_shared>> -> memref<128x128xf32, #tpu.memory_space<vmem_shared>>
      %dma_start3A_53 = arith.constant 0 : i32
      %dma_start3A_54 = tpu.memref_slice %arg11[%add3A_19, %dma_start3A_53] : memref<10240x128xf32, #tpu.memory_space<vmem_shared>> -> memref<128x128xf32, #tpu.memory_space<vmem_shared>>
      tpu.enqueue_dma source(%arg8 : memref<128x128xf32, #tpu.memory_space<vmem>>) target(%dma_start3A_54 : memref<128x128xf32, #tpu.memory_space<vmem_shared>>) target_semaphore(%run_scoped3A_51 : memref<!tpu.dma_semaphore, #tpu.memory_space<semaphore_mem>>)
      %dma_wait3A_55 = arith.constant 0 : i32
      %dma_wait3A_56 = tpu.memref_slice %arg11[%add3A_19, %dma_wait3A_55] : memref<10240x128xf32, #tpu.memory_space<vmem_shared>> -> memref<128x128xf32, #tpu.memory_space<vmem_shared>>
      %dma_wait3A_57 = arith.constant 0 : i32
      %dma_wait3A_58 = tpu.memref_slice %arg11[%add3A_19, %dma_wait3A_57] : memref<10240x128xf32, #tpu.memory_space<vmem_shared>> -> memref<128x128xf32, #tpu.memory_space<vmem_shared>>
      tpu.wait_dma2 semaphore(%run_scoped3A_51 : memref<!tpu.dma_semaphore, #tpu.memory_space<semaphore_mem>>) src(%arg8 : memref<128x128xf32, #tpu.memory_space<vmem>>) dst(%dma_wait3A_58 : memref<128x128xf32, #tpu.memory_space<vmem_shared>>)
      tpu.yield
    }) : () -> ()
    %mul3A_20 = arith.constant 640 : i32
    %mul3A_21 = arith.muli %arg1, %mul3A_20 : i32
    %add3A_22 = arith.constant 512 : i32
    %add3A_23 = arith.addi %mul3A_21, %add3A_22 : i32
    "tpu.region"() ({
      %run_scoped3A_51 = tpu.sem_alloc : memref<!tpu.dma_semaphore, #tpu.memory_space<semaphore_mem>>
      %dma_start3A = arith.constant 0 : i32
      %dma_start3A_52 = tpu.memref_slice %arg11[%add3A_23, %dma_start3A] : memref<10240x128xf32, #tpu.memory_space<vmem_shared>> -> memref<128x128xf32, #tpu.memory_space<vmem_shared>>
      %dma_start3A_53 = arith.constant 0 : i32
      %dma_start3A_54 = tpu.memref_slice %arg11[%add3A_23, %dma_start3A_53] : memref<10240x128xf32, #tpu.memory_space<vmem_shared>> -> memref<128x128xf32, #tpu.memory_space<vmem_shared>>
      tpu.enqueue_dma source(%arg8 : memref<128x128xf32, #tpu.memory_space<vmem>>) target(%dma_start3A_54 : memref<128x128xf32, #tpu.memory_space<vmem_shared>>) target_semaphore(%run_scoped3A_51 : memref<!tpu.dma_semaphore, #tpu.memory_space<semaphore_mem>>)
      %dma_wait3A_55 = arith.constant 0 : i32
      %dma_wait3A_56 = tpu.memref_slice %arg11[%add3A_23, %dma_wait3A_55] : memref<10240x128xf32, #tpu.memory_space<vmem_shared>> -> memref<128x128xf32, #tpu.memory_space<vmem_shared>>
      %dma_wait3A_57 = arith.constant 0 : i32
      %dma_wait3A_58 = tpu.memref_slice %arg11[%add3A_23, %dma_wait3A_57] : memref<10240x128xf32, #tpu.memory_space<vmem_shared>> -> memref<128x128xf32, #tpu.memory_space<vmem_shared>>
      tpu.wait_dma2 semaphore(%run_scoped3A_51 : memref<!tpu.dma_semaphore, #tpu.memory_space<semaphore_mem>>) src(%arg8 : memref<128x128xf32, #tpu.memory_space<vmem>>) dst(%dma_wait3A_58 : memref<128x128xf32, #tpu.memory_space<vmem_shared>>)
      tpu.yield
    }) : () -> ()
    %barrier3A = arith.constant 0 : index
    tpu.barrier barrier_id(%barrier3A)
    %while3A = arith.constant 0 : i32
    %while3A_24 = arith.constant 0 : i32
    %while3A_25 = arith.subi %select_n3A, %while3A_24 : i32
    %while3A_26 = arith.addi %while3A_24, %while3A_25 : i32
    %while3A_27 = arith.constant 1 : i32
    %while3A_28 = arith.divsi %while3A_25, %while3A_27 : i32
    %while3A_29 = arith.muli %while3A_28, %while3A_27 : i32
    %while3A_30 = arith.addi %while3A_24, %while3A_29 : i32
    %while3A_31 = arith.constant 1 : i32
    scf.for %while3A_51 = %while3A_24 to %while3A_30 step %while3A_31  : i32 {
      %mul3A_52 = arith.constant 2 : i32
      %mul3A_53 = arith.muli %mul3A_52, %while3A_51 : i32
      %ge3A = arith.constant 2 : i32
      %ge3A_54 = arith.cmpi sge, %mul3A_53, %ge3A : i32
      %convert_element_type3A = arith.extui %ge3A_54 : i1 to i32
      %cond3A = arith.constant 0 : i32
      %cond3A_55 = arith.cmpi ne, %convert_element_type3A, %cond3A : i32
      scf.if %cond3A_55 {
        %add3A_104 = arith.constant 0 : i32
        %add3A_105 = arith.addi %mul3A_53, %add3A_104 : i32
        %dma_wait3A_106 = arith.constant 0 : i32
        %dma_wait3A_107 = tpu.memref_slice %arg6[%add3A_105, %dma_wait3A_106] : memref<40x128xi32, #tpu.memory_space<vmem>> -> memref<1x128xi32, #tpu.memory_space<vmem>>
        %dma_wait3A_108 = tpu.memref_squeeze %dma_wait3A_107 : memref<1x128xi32, #tpu.memory_space<vmem>> -> memref<128xi32, #tpu.memory_space<vmem>>
        %dma_wait3A_109 = arith.constant 0 : i32
        %dma_wait3A_110 = arith.constant 0 : i32
        %dma_wait3A_111 = tpu.memref_slice %arg2[%dma_wait3A_109, %dma_wait3A_110] : memref<10000x128xf32, #tpu.memory_space<hbm>> -> memref<10000x128xf32, #tpu.memory_space<hbm>>
        tpu.wait_indirect_dma semaphore(%arg15 : memref<!tpu.dma_semaphore, #tpu.memory_space<semaphore_mem>>) src(%dma_wait3A_111 : memref<10000x128xf32, #tpu.memory_space<hbm>>) dst(%arg8 : memref<128x128xf32, #tpu.memory_space<vmem>>)
      } else {
      }
      %add3A_56 = arith.constant 0 : i32
      %add3A_57 = arith.addi %mul3A_53, %add3A_56 : i32
      %dma_start3A = arith.constant 0 : i32
      %dma_start3A_58 = tpu.memref_slice %arg6[%add3A_57, %dma_start3A] : memref<40x128xi32, #tpu.memory_space<vmem>> -> memref<1x128xi32, #tpu.memory_space<vmem>>
      %dma_start3A_59 = tpu.memref_squeeze %dma_start3A_58 : memref<1x128xi32, #tpu.memory_space<vmem>> -> memref<128xi32, #tpu.memory_space<vmem>>
      %dma_start3A_60 = arith.constant 0 : i32
      %dma_start3A_61 = arith.constant 0 : i32
      %dma_start3A_62 = tpu.memref_slice %arg2[%dma_start3A_60, %dma_start3A_61] : memref<10000x128xf32, #tpu.memory_space<hbm>> -> memref<10000x128xf32, #tpu.memory_space<hbm>>
      tpu.enqueue_indirect_dma source(%dma_start3A_62 : memref<10000x128xf32, #tpu.memory_space<hbm>>) target(%arg8 : memref<128x128xf32, #tpu.memory_space<vmem>>) offsets(%dma_start3A_59 : memref<128xi32, #tpu.memory_space<vmem>>) semaphore(%arg13 : memref<!tpu.dma_semaphore, #tpu.memory_space<semaphore_mem>>)
      %ge3A_63 = arith.constant 2 : i32
      %ge3A_64 = arith.cmpi sge, %mul3A_53, %ge3A_63 : i32
      %convert_element_type3A_65 = arith.extui %ge3A_64 : i1 to i32
      %cond3A_66 = arith.constant 0 : i32
      %cond3A_67 = arith.cmpi ne, %convert_element_type3A_65, %cond3A_66 : i32
      scf.if %cond3A_67 {
        %add3A_104 = arith.constant 1 : i32
        %add3A_105 = arith.addi %mul3A_53, %add3A_104 : i32
        %dma_wait3A_106 = arith.constant 0 : i32
        %dma_wait3A_107 = tpu.memref_slice %arg6[%add3A_105, %dma_wait3A_106] : memref<40x128xi32, #tpu.memory_space<vmem>> -> memref<1x128xi32, #tpu.memory_space<vmem>>
        %dma_wait3A_108 = tpu.memref_squeeze %dma_wait3A_107 : memref<1x128xi32, #tpu.memory_space<vmem>> -> memref<128xi32, #tpu.memory_space<vmem>>
        %dma_wait3A_109 = arith.constant 0 : i32
        %dma_wait3A_110 = arith.constant 0 : i32
        %dma_wait3A_111 = tpu.memref_slice %arg2[%dma_wait3A_109, %dma_wait3A_110] : memref<10000x128xf32, #tpu.memory_space<hbm>> -> memref<10000x128xf32, #tpu.memory_space<hbm>>
        tpu.wait_indirect_dma semaphore(%arg16 : memref<!tpu.dma_semaphore, #tpu.memory_space<semaphore_mem>>) src(%dma_wait3A_111 : memref<10000x128xf32, #tpu.memory_space<hbm>>) dst(%arg9 : memref<128x128xf32, #tpu.memory_space<vmem>>)
      } else {
      }
      %add3A_68 = arith.constant 1 : i32
      %add3A_69 = arith.addi %mul3A_53, %add3A_68 : i32
      %dma_start3A_70 = arith.constant 0 : i32
      %dma_start3A_71 = tpu.memref_slice %arg6[%add3A_69, %dma_start3A_70] : memref<40x128xi32, #tpu.memory_space<vmem>> -> memref<1x128xi32, #tpu.memory_space<vmem>>
      %dma_start3A_72 = tpu.memref_squeeze %dma_start3A_71 : memref<1x128xi32, #tpu.memory_space<vmem>> -> memref<128xi32, #tpu.memory_space<vmem>>
      %dma_start3A_73 = arith.constant 0 : i32
      %dma_start3A_74 = arith.constant 0 : i32
      %dma_start3A_75 = tpu.memref_slice %arg2[%dma_start3A_73, %dma_start3A_74] : memref<10000x128xf32, #tpu.memory_space<hbm>> -> memref<10000x128xf32, #tpu.memory_space<hbm>>
      tpu.enqueue_indirect_dma source(%dma_start3A_75 : memref<10000x128xf32, #tpu.memory_space<hbm>>) target(%arg9 : memref<128x128xf32, #tpu.memory_space<vmem>>) offsets(%dma_start3A_72 : memref<128xi32, #tpu.memory_space<vmem>>) semaphore(%arg14 : memref<!tpu.dma_semaphore, #tpu.memory_space<semaphore_mem>>)
      %dma_wait3A_76 = arith.constant 0 : i32
      %dma_wait3A_77 = tpu.memref_slice %arg6[%add3A_57, %dma_wait3A_76] : memref<40x128xi32, #tpu.memory_space<vmem>> -> memref<1x128xi32, #tpu.memory_space<vmem>>
      %dma_wait3A_78 = tpu.memref_squeeze %dma_wait3A_77 : memref<1x128xi32, #tpu.memory_space<vmem>> -> memref<128xi32, #tpu.memory_space<vmem>>
      %dma_wait3A_79 = arith.constant 0 : i32
      %dma_wait3A_80 = arith.constant 0 : i32
      %dma_wait3A_81 = tpu.memref_slice %arg2[%dma_wait3A_79, %dma_wait3A_80] : memref<10000x128xf32, #tpu.memory_space<hbm>> -> memref<10000x128xf32, #tpu.memory_space<hbm>>
      tpu.wait_indirect_dma semaphore(%arg13 : memref<!tpu.dma_semaphore, #tpu.memory_space<semaphore_mem>>) src(%dma_wait3A_81 : memref<10000x128xf32, #tpu.memory_space<hbm>>) dst(%arg8 : memref<128x128xf32, #tpu.memory_space<vmem>>)
      %add3A_82 = arith.constant 0 : i32
      %add3A_83 = arith.addi %mul3A_53, %add3A_82 : i32
      %dma_start3A_84 = arith.constant 0 : i32
      %dma_start3A_85 = tpu.memref_slice %arg7[%add3A_83, %dma_start3A_84] : memref<40x128xi32, #tpu.memory_space<vmem>> -> memref<1x128xi32, #tpu.memory_space<vmem>>
      %dma_start3A_86 = tpu.memref_squeeze %dma_start3A_85 : memref<1x128xi32, #tpu.memory_space<vmem>> -> memref<128xi32, #tpu.memory_space<vmem>>
      %dma_start3A_87 = arith.constant 0 : i32
      %dma_start3A_88 = arith.constant 0 : i32
      %dma_start3A_89 = tpu.memref_slice %arg11[%dma_start3A_87, %dma_start3A_88] : memref<10240x128xf32, #tpu.memory_space<vmem_shared>> -> memref<10240x128xf32, #tpu.memory_space<vmem_shared>>
      tpu.enqueue_indirect_dma source(%arg8 : memref<128x128xf32, #tpu.memory_space<vmem>>) target(%dma_start3A_89 : memref<10240x128xf32, #tpu.memory_space<vmem_shared>>) offsets(%dma_start3A_86 : memref<128xi32, #tpu.memory_space<vmem>>) semaphore(%arg15 : memref<!tpu.dma_semaphore, #tpu.memory_space<semaphore_mem>>) {add = true}
      %dma_wait3A_90 = arith.constant 0 : i32
      %dma_wait3A_91 = tpu.memref_slice %arg6[%add3A_69, %dma_wait3A_90] : memref<40x128xi32, #tpu.memory_space<vmem>> -> memref<1x128xi32, #tpu.memory_space<vmem>>
      %dma_wait3A_92 = tpu.memref_squeeze %dma_wait3A_91 : memref<1x128xi32, #tpu.memory_space<vmem>> -> memref<128xi32, #tpu.memory_space<vmem>>
      %dma_wait3A_93 = arith.constant 0 : i32
      %dma_wait3A_94 = arith.constant 0 : i32
      %dma_wait3A_95 = tpu.memref_slice %arg2[%dma_wait3A_93, %dma_wait3A_94] : memref<10000x128xf32, #tpu.memory_space<hbm>> -> memref<10000x128xf32, #tpu.memory_space<hbm>>
      tpu.wait_indirect_dma semaphore(%arg14 : memref<!tpu.dma_semaphore, #tpu.memory_space<semaphore_mem>>) src(%dma_wait3A_95 : memref<10000x128xf32, #tpu.memory_space<hbm>>) dst(%arg9 : memref<128x128xf32, #tpu.memory_space<vmem>>)
      %add3A_96 = arith.constant 1 : i32
      %add3A_97 = arith.addi %mul3A_53, %add3A_96 : i32
      %dma_start3A_98 = arith.constant 0 : i32
      %dma_start3A_99 = tpu.memref_slice %arg7[%add3A_97, %dma_start3A_98] : memref<40x128xi32, #tpu.memory_space<vmem>> -> memref<1x128xi32, #tpu.memory_space<vmem>>
      %dma_start3A_100 = tpu.memref_squeeze %dma_start3A_99 : memref<1x128xi32, #tpu.memory_space<vmem>> -> memref<128xi32, #tpu.memory_space<vmem>>
      %dma_start3A_101 = arith.constant 0 : i32
      %dma_start3A_102 = arith.constant 0 : i32
      %dma_start3A_103 = tpu.memref_slice %arg11[%dma_start3A_101, %dma_start3A_102] : memref<10240x128xf32, #tpu.memory_space<vmem_shared>> -> memref<10240x128xf32, #tpu.memory_space<vmem_shared>>
      tpu.enqueue_indirect_dma source(%arg9 : memref<128x128xf32, #tpu.memory_space<vmem>>) target(%dma_start3A_103 : memref<10240x128xf32, #tpu.memory_space<vmem_shared>>) offsets(%dma_start3A_100 : memref<128xi32, #tpu.memory_space<vmem>>) semaphore(%arg16 : memref<!tpu.dma_semaphore, #tpu.memory_space<semaphore_mem>>) {add = true}
    }
    %while3A_32 = arith.constant 1 : i32
    scf.for %while3A_51 = %while3A_30 to %while3A_26 step %while3A_32  : i32 {
      %mul3A_52 = arith.constant 2 : i32
      %mul3A_53 = arith.muli %mul3A_52, %while3A_51 : i32
      %ge3A = arith.constant 2 : i32
      %ge3A_54 = arith.cmpi sge, %mul3A_53, %ge3A : i32
      %convert_element_type3A = arith.extui %ge3A_54 : i1 to i32
      %cond3A = arith.constant 0 : i32
      %cond3A_55 = arith.cmpi ne, %convert_element_type3A, %cond3A : i32
      scf.if %cond3A_55 {
        %add3A_104 = arith.constant 0 : i32
        %add3A_105 = arith.addi %mul3A_53, %add3A_104 : i32
        %dma_wait3A_106 = arith.constant 0 : i32
        %dma_wait3A_107 = tpu.memref_slice %arg6[%add3A_105, %dma_wait3A_106] : memref<40x128xi32, #tpu.memory_space<vmem>> -> memref<1x128xi32, #tpu.memory_space<vmem>>
        %dma_wait3A_108 = tpu.memref_squeeze %dma_wait3A_107 : memref<1x128xi32, #tpu.memory_space<vmem>> -> memref<128xi32, #tpu.memory_space<vmem>>
        %dma_wait3A_109 = arith.constant 0 : i32
        %dma_wait3A_110 = arith.constant 0 : i32
        %dma_wait3A_111 = tpu.memref_slice %arg2[%dma_wait3A_109, %dma_wait3A_110] : memref<10000x128xf32, #tpu.memory_space<hbm>> -> memref<10000x128xf32, #tpu.memory_space<hbm>>
        tpu.wait_indirect_dma semaphore(%arg15 : memref<!tpu.dma_semaphore, #tpu.memory_space<semaphore_mem>>) src(%dma_wait3A_111 : memref<10000x128xf32, #tpu.memory_space<hbm>>) dst(%arg8 : memref<128x128xf32, #tpu.memory_space<vmem>>)
      } else {
      }
      %add3A_56 = arith.constant 0 : i32
      %add3A_57 = arith.addi %mul3A_53, %add3A_56 : i32
      %dma_start3A = arith.constant 0 : i32
      %dma_start3A_58 = tpu.memref_slice %arg6[%add3A_57, %dma_start3A] : memref<40x128xi32, #tpu.memory_space<vmem>> -> memref<1x128xi32, #tpu.memory_space<vmem>>
      %dma_start3A_59 = tpu.memref_squeeze %dma_start3A_58 : memref<1x128xi32, #tpu.memory_space<vmem>> -> memref<128xi32, #tpu.memory_space<vmem>>
      %dma_start3A_60 = arith.constant 0 : i32
      %dma_start3A_61 = arith.constant 0 : i32
      %dma_start3A_62 = tpu.memref_slice %arg2[%dma_start3A_60, %dma_start3A_61] : memref<10000x128xf32, #tpu.memory_space<hbm>> -> memref<10000x128xf32, #tpu.memory_space<hbm>>
      tpu.enqueue_indirect_dma source(%dma_start3A_62 : memref<10000x128xf32, #tpu.memory_space<hbm>>) target(%arg8 : memref<128x128xf32, #tpu.memory_space<vmem>>) offsets(%dma_start3A_59 : memref<128xi32, #tpu.memory_space<vmem>>) semaphore(%arg13 : memref<!tpu.dma_semaphore, #tpu.memory_space<semaphore_mem>>)
      %ge3A_63 = arith.constant 2 : i32
      %ge3A_64 = arith.cmpi sge, %mul3A_53, %ge3A_63 : i32
      %convert_element_type3A_65 = arith.extui %ge3A_64 : i1 to i32
      %cond3A_66 = arith.constant 0 : i32
      %cond3A_67 = arith.cmpi ne, %convert_element_type3A_65, %cond3A_66 : i32
      scf.if %cond3A_67 {
        %add3A_104 = arith.constant 1 : i32
        %add3A_105 = arith.addi %mul3A_53, %add3A_104 : i32
        %dma_wait3A_106 = arith.constant 0 : i32
        %dma_wait3A_107 = tpu.memref_slice %arg6[%add3A_105, %dma_wait3A_106] : memref<40x128xi32, #tpu.memory_space<vmem>> -> memref<1x128xi32, #tpu.memory_space<vmem>>
        %dma_wait3A_108 = tpu.memref_squeeze %dma_wait3A_107 : memref<1x128xi32, #tpu.memory_space<vmem>> -> memref<128xi32, #tpu.memory_space<vmem>>
        %dma_wait3A_109 = arith.constant 0 : i32
        %dma_wait3A_110 = arith.constant 0 : i32
        %dma_wait3A_111 = tpu.memref_slice %arg2[%dma_wait3A_109, %dma_wait3A_110] : memref<10000x128xf32, #tpu.memory_space<hbm>> -> memref<10000x128xf32, #tpu.memory_space<hbm>>
        tpu.wait_indirect_dma semaphore(%arg16 : memref<!tpu.dma_semaphore, #tpu.memory_space<semaphore_mem>>) src(%dma_wait3A_111 : memref<10000x128xf32, #tpu.memory_space<hbm>>) dst(%arg9 : memref<128x128xf32, #tpu.memory_space<vmem>>)
      } else {
      }
      %add3A_68 = arith.constant 1 : i32
      %add3A_69 = arith.addi %mul3A_53, %add3A_68 : i32
      %dma_start3A_70 = arith.constant 0 : i32
      %dma_start3A_71 = tpu.memref_slice %arg6[%add3A_69, %dma_start3A_70] : memref<40x128xi32, #tpu.memory_space<vmem>> -> memref<1x128xi32, #tpu.memory_space<vmem>>
      %dma_start3A_72 = tpu.memref_squeeze %dma_start3A_71 : memref<1x128xi32, #tpu.memory_space<vmem>> -> memref<128xi32, #tpu.memory_space<vmem>>
      %dma_start3A_73 = arith.constant 0 : i32
      %dma_start3A_74 = arith.constant 0 : i32
      %dma_start3A_75 = tpu.memref_slice %arg2[%dma_start3A_73, %dma_start3A_74] : memref<10000x128xf32, #tpu.memory_space<hbm>> -> memref<10000x128xf32, #tpu.memory_space<hbm>>
      tpu.enqueue_indirect_dma source(%dma_start3A_75 : memref<10000x128xf32, #tpu.memory_space<hbm>>) target(%arg9 : memref<128x128xf32, #tpu.memory_space<vmem>>) offsets(%dma_start3A_72 : memref<128xi32, #tpu.memory_space<vmem>>) semaphore(%arg14 : memref<!tpu.dma_semaphore, #tpu.memory_space<semaphore_mem>>)
      %dma_wait3A_76 = arith.constant 0 : i32
      %dma_wait3A_77 = tpu.memref_slice %arg6[%add3A_57, %dma_wait3A_76] : memref<40x128xi32, #tpu.memory_space<vmem>> -> memref<1x128xi32, #tpu.memory_space<vmem>>
      %dma_wait3A_78 = tpu.memref_squeeze %dma_wait3A_77 : memref<1x128xi32, #tpu.memory_space<vmem>> -> memref<128xi32, #tpu.memory_space<vmem>>
      %dma_wait3A_79 = arith.constant 0 : i32
      %dma_wait3A_80 = arith.constant 0 : i32
      %dma_wait3A_81 = tpu.memref_slice %arg2[%dma_wait3A_79, %dma_wait3A_80] : memref<10000x128xf32, #tpu.memory_space<hbm>> -> memref<10000x128xf32, #tpu.memory_space<hbm>>
      tpu.wait_indirect_dma semaphore(%arg13 : memref<!tpu.dma_semaphore, #tpu.memory_space<semaphore_mem>>) src(%dma_wait3A_81 : memref<10000x128xf32, #tpu.memory_space<hbm>>) dst(%arg8 : memref<128x128xf32, #tpu.memory_space<vmem>>)
      %add3A_82 = arith.constant 0 : i32
      %add3A_83 = arith.addi %mul3A_53, %add3A_82 : i32
      %dma_start3A_84 = arith.constant 0 : i32
      %dma_start3A_85 = tpu.memref_slice %arg7[%add3A_83, %dma_start3A_84] : memref<40x128xi32, #tpu.memory_space<vmem>> -> memref<1x128xi32, #tpu.memory_space<vmem>>
      %dma_start3A_86 = tpu.memref_squeeze %dma_start3A_85 : memref<1x128xi32, #tpu.memory_space<vmem>> -> memref<128xi32, #tpu.memory_space<vmem>>
      %dma_start3A_87 = arith.constant 0 : i32
      %dma_start3A_88 = arith.constant 0 : i32
      %dma_start3A_89 = tpu.memref_slice %arg11[%dma_start3A_87, %dma_start3A_88] : memref<10240x128xf32, #tpu.memory_space<vmem_shared>> -> memref<10240x128xf32, #tpu.memory_space<vmem_shared>>
      tpu.enqueue_indirect_dma source(%arg8 : memref<128x128xf32, #tpu.memory_space<vmem>>) target(%dma_start3A_89 : memref<10240x128xf32, #tpu.memory_space<vmem_shared>>) offsets(%dma_start3A_86 : memref<128xi32, #tpu.memory_space<vmem>>) semaphore(%arg15 : memref<!tpu.dma_semaphore, #tpu.memory_space<semaphore_mem>>) {add = true}
      %dma_wait3A_90 = arith.constant 0 : i32
      %dma_wait3A_91 = tpu.memref_slice %arg6[%add3A_69, %dma_wait3A_90] : memref<40x128xi32, #tpu.memory_space<vmem>> -> memref<1x128xi32, #tpu.memory_space<vmem>>
      %dma_wait3A_92 = tpu.memref_squeeze %dma_wait3A_91 : memref<1x128xi32, #tpu.memory_space<vmem>> -> memref<128xi32, #tpu.memory_space<vmem>>
      %dma_wait3A_93 = arith.constant 0 : i32
      %dma_wait3A_94 = arith.constant 0 : i32
      %dma_wait3A_95 = tpu.memref_slice %arg2[%dma_wait3A_93, %dma_wait3A_94] : memref<10000x128xf32, #tpu.memory_space<hbm>> -> memref<10000x128xf32, #tpu.memory_space<hbm>>
      tpu.wait_indirect_dma semaphore(%arg14 : memref<!tpu.dma_semaphore, #tpu.memory_space<semaphore_mem>>) src(%dma_wait3A_95 : memref<10000x128xf32, #tpu.memory_space<hbm>>) dst(%arg9 : memref<128x128xf32, #tpu.memory_space<vmem>>)
      %add3A_96 = arith.constant 1 : i32
      %add3A_97 = arith.addi %mul3A_53, %add3A_96 : i32
      %dma_start3A_98 = arith.constant 0 : i32
      %dma_start3A_99 = tpu.memref_slice %arg7[%add3A_97, %dma_start3A_98] : memref<40x128xi32, #tpu.memory_space<vmem>> -> memref<1x128xi32, #tpu.memory_space<vmem>>
      %dma_start3A_100 = tpu.memref_squeeze %dma_start3A_99 : memref<1x128xi32, #tpu.memory_space<vmem>> -> memref<128xi32, #tpu.memory_space<vmem>>
      %dma_start3A_101 = arith.constant 0 : i32
      %dma_start3A_102 = arith.constant 0 : i32
      %dma_start3A_103 = tpu.memref_slice %arg11[%dma_start3A_101, %dma_start3A_102] : memref<10240x128xf32, #tpu.memory_space<vmem_shared>> -> memref<10240x128xf32, #tpu.memory_space<vmem_shared>>
      tpu.enqueue_indirect_dma source(%arg9 : memref<128x128xf32, #tpu.memory_space<vmem>>) target(%dma_start3A_103 : memref<10240x128xf32, #tpu.memory_space<vmem_shared>>) offsets(%dma_start3A_100 : memref<128xi32, #tpu.memory_space<vmem>>) semaphore(%arg16 : memref<!tpu.dma_semaphore, #tpu.memory_space<semaphore_mem>>) {add = true}
    }
    %dma_wait3A = arith.constant 0 : i32
    %dma_wait3A_33 = arith.constant 0 : i32
    %dma_wait3A_34 = tpu.memref_slice %arg6[%dma_wait3A, %dma_wait3A_33] : memref<40x128xi32, #tpu.memory_space<vmem>> -> memref<1x128xi32, #tpu.memory_space<vmem>>
    %dma_wait3A_35 = tpu.memref_squeeze %dma_wait3A_34 : memref<1x128xi32, #tpu.memory_space<vmem>> -> memref<128xi32, #tpu.memory_space<vmem>>
    %dma_wait3A_36 = arith.constant 0 : i32
    %dma_wait3A_37 = arith.constant 0 : i32
    %dma_wait3A_38 = tpu.memref_slice %arg2[%dma_wait3A_36, %dma_wait3A_37] : memref<10000x128xf32, #tpu.memory_space<hbm>> -> memref<10000x128xf32, #tpu.memory_space<hbm>>
    tpu.wait_indirect_dma semaphore(%arg15 : memref<!tpu.dma_semaphore, #tpu.memory_space<semaphore_mem>>) src(%dma_wait3A_38 : memref<10000x128xf32, #tpu.memory_space<hbm>>) dst(%arg8 : memref<128x128xf32, #tpu.memory_space<vmem>>)
    %dma_wait3A_39 = arith.constant 0 : i32
    %dma_wait3A_40 = arith.constant 0 : i32
    %dma_wait3A_41 = tpu.memref_slice %arg6[%dma_wait3A_39, %dma_wait3A_40] : memref<40x128xi32, #tpu.memory_space<vmem>> -> memref<1x128xi32, #tpu.memory_space<vmem>>
    %dma_wait3A_42 = tpu.memref_squeeze %dma_wait3A_41 : memref<1x128xi32, #tpu.memory_space<vmem>> -> memref<128xi32, #tpu.memory_space<vmem>>
    %dma_wait3A_43 = arith.constant 0 : i32
    %dma_wait3A_44 = arith.constant 0 : i32
    %dma_wait3A_45 = tpu.memref_slice %arg2[%dma_wait3A_43, %dma_wait3A_44] : memref<10000x128xf32, #tpu.memory_space<hbm>> -> memref<10000x128xf32, #tpu.memory_space<hbm>>
    tpu.wait_indirect_dma semaphore(%arg16 : memref<!tpu.dma_semaphore, #tpu.memory_space<semaphore_mem>>) src(%dma_wait3A_45 : memref<10000x128xf32, #tpu.memory_space<hbm>>) dst(%arg9 : memref<128x128xf32, #tpu.memory_space<vmem>>)
    %barrier3A_46 = arith.constant 0 : index
    tpu.barrier barrier_id(%barrier3A_46)
    %mul3A_47 = arith.constant 640 : i32
    %mul3A_48 = arith.muli %arg1, %mul3A_47 : i32
    %mul3A_49 = arith.constant 640 : i32
    %mul3A_50 = arith.muli %arg1, %mul3A_49 : i32
    "tpu.region"() ({
      %run_scoped3A_51 = tpu.sem_alloc : memref<!tpu.dma_semaphore, #tpu.memory_space<semaphore_mem>>
      %dma_start3A = arith.constant 0 : i32
      %dma_start3A_52 = tpu.memref_slice %arg5[%arg0, %mul3A_50, %dma_start3A] : memref<2x10240x128xf32, #tpu.memory_space<hbm>> -> memref<1x640x128xf32, #tpu.memory_space<hbm>>
      %dma_start3A_53 = tpu.memref_squeeze %dma_start3A_52 : memref<1x640x128xf32, #tpu.memory_space<hbm>> -> memref<640x128xf32, #tpu.memory_space<hbm>>
      %dma_start3A_54 = arith.constant 0 : i32
      %dma_start3A_55 = tpu.memref_slice %arg11[%mul3A_48, %dma_start3A_54] : memref<10240x128xf32, #tpu.memory_space<vmem_shared>> -> memref<640x128xf32, #tpu.memory_space<vmem_shared>>
      tpu.enqueue_dma source(%dma_start3A_55 : memref<640x128xf32, #tpu.memory_space<vmem_shared>>) target(%dma_start3A_53 : memref<640x128xf32, #tpu.memory_space<hbm>>) target_semaphore(%run_scoped3A_51 : memref<!tpu.dma_semaphore, #tpu.memory_space<semaphore_mem>>)
      %dma_wait3A_56 = arith.constant 0 : i32
      %dma_wait3A_57 = tpu.memref_slice %arg5[%arg0, %mul3A_50, %dma_wait3A_56] : memref<2x10240x128xf32, #tpu.memory_space<hbm>> -> memref<1x640x128xf32, #tpu.memory_space<hbm>>
      %dma_wait3A_58 = tpu.memref_squeeze %dma_wait3A_57 : memref<1x640x128xf32, #tpu.memory_space<hbm>> -> memref<640x128xf32, #tpu.memory_space<hbm>>
      %dma_wait3A_59 = arith.constant 0 : i32
      %dma_wait3A_60 = tpu.memref_slice %arg11[%mul3A_48, %dma_wait3A_59] : memref<10240x128xf32, #tpu.memory_space<vmem_shared>> -> memref<640x128xf32, #tpu.memory_space<vmem_shared>>
      tpu.wait_dma2 semaphore(%run_scoped3A_51 : memref<!tpu.dma_semaphore, #tpu.memory_space<semaphore_mem>>) src(%dma_wait3A_60 : memref<640x128xf32, #tpu.memory_space<vmem_shared>>) dst(%dma_wait3A_58 : memref<640x128xf32, #tpu.memory_space<hbm>>)
      tpu.yield
    }) : () -> ()
    return
  }
}

module attributes {stable_mosaic.version = 14 : i64} {
  func.func @_mm_body(%arg0: i32, %arg1: memref<2000x256xf32, #tpu.memory_space<vmem>>, %arg2: memref<128x256xf32, #tpu.memory_space<vmem>>, %arg3: memref<2000x128xf32, #tpu.memory_space<vmem>>) attributes {dimension_semantics = [#tpu.dimension_semantics<arbitrary>], iteration_bounds = array<i64: 5>, scalar_prefetch = 0 : i64, scratch_operands = 0 : i64, tpu.core_type = #tpu.core_type<tc>, window_params = [{transform_indices = @transform_0, window_bounds = array<i64: 2000, 256>}, {pipeline_mode = #tpu.pipeline_mode<synchronous>, transform_indices = @transform_1, window_bounds = array<i64: 128, 256>}, {transform_indices = @transform_2, window_bounds = array<i64: 2000, 128>}]} {
    %get3A = arith.constant 0 : index
    %get3A_0 = arith.constant 0 : index
    %get3A_1 = vector.load %arg1[%get3A, %get3A_0] : memref<2000x256xf32, #tpu.memory_space<vmem>>, vector<2000x256xf32>
    %get3A_2 = arith.constant 0 : index
    %get3A_3 = arith.constant 0 : index
    %get3A_4 = vector.load %arg2[%get3A_2, %get3A_3] : memref<128x256xf32, #tpu.memory_space<vmem>>, vector<128x256xf32>
    %dot_general3A = arith.constant dense<0.000000e+00> : vector<2000x128xf32>
    %dot_general3A_5 = tpu.matmul %get3A_1, %get3A_4, %dot_general3A {dimension_numbers = #tpu.dot_dimension_numbers<[1], [1], [0], [0], [0, 0, 1, 0], [], []>, transpose_lhs_hint = false} : vector<2000x256xf32>, vector<128x256xf32>, vector<2000x128xf32> -> vector<2000x128xf32>
    %swap3A = arith.constant 0 : index
    %swap3A_6 = arith.constant 0 : index
    %swap3A_7 = vector.load %arg3[%swap3A, %swap3A_6] : memref<2000x128xf32, #tpu.memory_space<vmem>>, vector<2000x128xf32>
    tpu.vector_store %arg3[%swap3A, %swap3A_6], %dot_general3A_5 {strides = array<i32>} : memref<2000x128xf32, #tpu.memory_space<vmem>>, vector<2000x128xf32>,
    return
  }
  func.func @transform_0(%arg0: i32) -> (i32, i32) {
    %c0_i32 = arith.constant 0 : i32
    %c0_i32_0 = arith.constant 0 : i32
    return %arg0, %c0_i32 : i32, i32
  }
  func.func @transform_1(%arg0: i32) -> (i32, i32) {
    %c0_i32 = arith.constant 0 : i32
    %c0_i32_0 = arith.constant 0 : i32
    %c0_i32_1 = arith.constant 0 : i32
    return %c0_i32, %c0_i32_0 : i32, i32
  }
  func.func @transform_2(%arg0: i32) -> (i32, i32) {
    %c0_i32 = arith.constant 0 : i32
    %c0_i32_0 = arith.constant 0 : i32
    return %arg0, %c0_i32 : i32, i32
  }
}

module attributes {stable_mosaic.version = 14 : i64} {
  func.func @_mmb_body(%arg0: i32, %arg1: memref<2000x256xf32, #tpu.memory_space<vmem>>, %arg2: memref<128x256xf32, #tpu.memory_space<vmem>>, %arg3: memref<1x128xf32, #tpu.memory_space<vmem>>, %arg4: memref<2000x128xf32, #tpu.memory_space<vmem>>) attributes {dimension_semantics = [#tpu.dimension_semantics<arbitrary>], iteration_bounds = array<i64: 5>, scalar_prefetch = 0 : i64, scratch_operands = 0 : i64, tpu.core_type = #tpu.core_type<tc>, window_params = [{transform_indices = @transform_0, window_bounds = array<i64: 2000, 256>}, {pipeline_mode = #tpu.pipeline_mode<synchronous>, transform_indices = @transform_1, window_bounds = array<i64: 128, 256>}, {pipeline_mode = #tpu.pipeline_mode<synchronous>, transform_indices = @transform_2, window_bounds = array<i64: 1, 128>}, {transform_indices = @transform_3, window_bounds = array<i64: 2000, 128>}]} {
    %get3A = arith.constant 0 : index
    %get3A_0 = arith.constant 0 : index
    %get3A_1 = vector.load %arg1[%get3A, %get3A_0] : memref<2000x256xf32, #tpu.memory_space<vmem>>, vector<2000x256xf32>
    %get3A_2 = arith.constant 0 : index
    %get3A_3 = arith.constant 0 : index
    %get3A_4 = vector.load %arg2[%get3A_2, %get3A_3] : memref<128x256xf32, #tpu.memory_space<vmem>>, vector<128x256xf32>
    %dot_general3A = arith.constant dense<0.000000e+00> : vector<2000x128xf32>
    %dot_general3A_5 = tpu.matmul %get3A_1, %get3A_4, %dot_general3A {dimension_numbers = #tpu.dot_dimension_numbers<[1], [1], [0], [0], [0, 0, 1, 0], [], []>, transpose_lhs_hint = false} : vector<2000x256xf32>, vector<128x256xf32>, vector<2000x128xf32> -> vector<2000x128xf32>
    %get3A_6 = arith.constant 0 : index
    %get3A_7 = arith.constant 0 : index
    %get3A_8 = vector.load %arg3[%get3A_6, %get3A_7] : memref<1x128xf32, #tpu.memory_space<vmem>>, vector<1x128xf32>
    %add3A = vector.broadcast %get3A_8 : vector<1x128xf32> to vector<2000x128xf32>
    %add3A_9 = arith.addf %dot_general3A_5, %add3A : vector<2000x128xf32>
    %swap3A = arith.constant 0 : index
    %swap3A_10 = arith.constant 0 : index
    %swap3A_11 = vector.load %arg4[%swap3A, %swap3A_10] : memref<2000x128xf32, #tpu.memory_space<vmem>>, vector<2000x128xf32>
    tpu.vector_store %arg4[%swap3A, %swap3A_10], %add3A_9 {strides = array<i32>} : memref<2000x128xf32, #tpu.memory_space<vmem>>, vector<2000x128xf32>,
    return
  }
  func.func @transform_0(%arg0: i32) -> (i32, i32) {
    %c0_i32 = arith.constant 0 : i32
    %c0_i32_0 = arith.constant 0 : i32
    return %arg0, %c0_i32 : i32, i32
  }
  func.func @transform_1(%arg0: i32) -> (i32, i32) {
    %c0_i32 = arith.constant 0 : i32
    %c0_i32_0 = arith.constant 0 : i32
    %c0_i32_1 = arith.constant 0 : i32
    return %c0_i32, %c0_i32_0 : i32, i32
  }
  func.func @transform_2(%arg0: i32) -> (i32, i32) {
    %c0_i32 = arith.constant 0 : i32
    %c0_i32_0 = arith.constant 0 : i32
    %c0_i32_1 = arith.constant 0 : i32
    return %c0_i32, %c0_i32_0 : i32, i32
  }
  func.func @transform_3(%arg0: i32) -> (i32, i32) {
    %c0_i32 = arith.constant 0 : i32
    %c0_i32_0 = arith.constant 0 : i32
    return %arg0, %c0_i32 : i32, i32
  }
}

module attributes {stable_mosaic.version = 14 : i64} {
  func.func @_ha_body(%arg0: i32, %arg1: memref<1x2000x128xf32, #tpu.memory_space<vmem>>, %arg2: memref<1x2000x128xf32, #tpu.memory_space<vmem>>, %arg3: memref<2000x1xf32, #tpu.memory_space<vmem>>, %arg4: memref<2000x1xf32, #tpu.memory_space<vmem>>, %arg5: memref<2000x128xf32, #tpu.memory_space<vmem>>, %arg6: memref<128x128xf32, #tpu.memory_space<vmem>>, %arg7: memref<2000x128xf32, #tpu.memory_space<vmem>>, %arg8: memref<2000x128xf32, #tpu.memory_space<vmem>>) attributes {dimension_semantics = [#tpu.dimension_semantics<arbitrary>], iteration_bounds = array<i64: 5>, scalar_prefetch = 0 : i64, scratch_operands = 0 : i64, tpu.core_type = #tpu.core_type<tc>, window_params = [{transform_indices = @transform_0, window_bounds = array<i64: 1, 2000, 128>}, {transform_indices = @transform_1, window_bounds = array<i64: 1, 2000, 128>}, {transform_indices = @transform_2, window_bounds = array<i64: 2000, 1>}, {transform_indices = @transform_3, window_bounds = array<i64: 2000, 1>}, {transform_indices = @transform_4, window_bounds = array<i64: 2000, 128>}, {pipeline_mode = #tpu.pipeline_mode<synchronous>, transform_indices = @transform_5, window_bounds = array<i64: 128, 128>}, {transform_indices = @transform_6, window_bounds = array<i64: 2000, 128>}, {transform_indices = @transform_7, window_bounds = array<i64: 2000, 128>}]} {
    %get3A = arith.constant 0 : index
    %get3A_0 = arith.constant 0 : index
    %get3A_1 = vector.load %arg3[%get3A, %get3A_0] : memref<2000x1xf32, #tpu.memory_space<vmem>>, vector<2000x1xf32>
    %get3A_2 = arith.constant 0 : index
    %get3A_3 = arith.constant 0 : index
    %get3A_4 = vector.load %arg4[%get3A_2, %get3A_3] : memref<2000x1xf32, #tpu.memory_space<vmem>>, vector<2000x1xf32>
    %add3A = arith.addf %get3A_1, %get3A_4 : vector<2000x1xf32>
    %max3A = arith.constant 1.000000e+00 : f32
    %max3A_5 = vector.broadcast %max3A : f32 to vector<2000x1xf32>
    %max3A_6 = arith.maximumf %add3A, %max3A_5 : vector<2000x1xf32>
    %div3A = arith.constant 1.000000e+00 : f32
    %div3A_7 = vector.broadcast %div3A : f32 to vector<2000x1xf32>
    %div3A_8 = arith.divf %div3A_7, %max3A_6 : vector<2000x1xf32>
    %get3A_9 = arith.constant 0 : index
    %get3A_10 = arith.constant 0 : index
    %get3A_11 = arith.constant 0 : index
    %get3A_12 = vector.load %arg1[%get3A_9, %get3A_10, %get3A_11] : memref<1x2000x128xf32, #tpu.memory_space<vmem>>, vector<1x2000x128xf32>
    %get3A_13 = vector.shape_cast %get3A_12 : vector<1x2000x128xf32> to vector<2000x128xf32>
    %get3A_14 = arith.constant 0 : index
    %get3A_15 = arith.constant 0 : index
    %get3A_16 = arith.constant 0 : index
    %get3A_17 = vector.load %arg2[%get3A_14, %get3A_15, %get3A_16] : memref<1x2000x128xf32, #tpu.memory_space<vmem>>, vector<1x2000x128xf32>
    %get3A_18 = vector.shape_cast %get3A_17 : vector<1x2000x128xf32> to vector<2000x128xf32>
    %add3A_19 = arith.addf %get3A_13, %get3A_18 : vector<2000x128xf32>
    %mul3A = vector.broadcast %div3A_8 : vector<2000x1xf32> to vector<2000x128xf32>
    %mul3A_20 = arith.mulf %add3A_19, %mul3A : vector<2000x128xf32>
    %get3A_21 = arith.constant 0 : index
    %get3A_22 = arith.constant 0 : index
    %get3A_23 = vector.load %arg5[%get3A_21, %get3A_22] : memref<2000x128xf32, #tpu.memory_space<vmem>>, vector<2000x128xf32>
    %add3A_24 = arith.addf %mul3A_20, %get3A_23 : vector<2000x128xf32>
    %max3A_25 = arith.constant 0.000000e+00 : f32
    %max3A_26 = vector.broadcast %max3A_25 : f32 to vector<2000x128xf32>
    %max3A_27 = arith.maximumf %add3A_24, %max3A_26 : vector<2000x128xf32>
    %swap3A = arith.constant 0 : index
    %swap3A_28 = arith.constant 0 : index
    %swap3A_29 = vector.load %arg7[%swap3A, %swap3A_28] : memref<2000x128xf32, #tpu.memory_space<vmem>>, vector<2000x128xf32>
    tpu.vector_store %arg7[%swap3A, %swap3A_28], %max3A_27 {strides = array<i32>} : memref<2000x128xf32, #tpu.memory_space<vmem>>, vector<2000x128xf32>,
    %get3A_30 = arith.constant 0 : index
    %get3A_31 = arith.constant 0 : index
    %get3A_32 = vector.load %arg6[%get3A_30, %get3A_31] : memref<128x128xf32, #tpu.memory_space<vmem>>, vector<128x128xf32>
    %dot_general3A = arith.constant dense<0.000000e+00> : vector<2000x128xf32>
    %dot_general3A_33 = tpu.matmul %max3A_27, %get3A_32, %dot_general3A {dimension_numbers = #tpu.dot_dimension_numbers<[1], [1], [0], [0], [0, 0, 1, 0], [], []>, transpose_lhs_hint = false} : vector<2000x128xf32>, vector<128x128xf32>, vector<2000x128xf32> -> vector<2000x128xf32>
    %swap3A_34 = arith.constant 0 : index
    %swap3A_35 = arith.constant 0 : index
    %swap3A_36 = vector.load %arg8[%swap3A_34, %swap3A_35] : memref<2000x128xf32, #tpu.memory_space<vmem>>, vector<2000x128xf32>
    tpu.vector_store %arg8[%swap3A_34, %swap3A_35], %dot_general3A_33 {strides = array<i32>} : memref<2000x128xf32, #tpu.memory_space<vmem>>, vector<2000x128xf32>,
    return
  }
  func.func @transform_0(%arg0: i32) -> (i32, i32, i32) {
    %c0_i32 = arith.constant 0 : i32
    %c0_i32_0 = arith.constant 0 : i32
    %c0_i32_1 = arith.constant 0 : i32
    return %c0_i32, %arg0, %c0_i32_0 : i32, i32, i32
  }
  func.func @transform_1(%arg0: i32) -> (i32, i32, i32) {
    %c1_i32 = arith.constant 1 : i32
    %c0_i32 = arith.constant 0 : i32
    %c0_i32_0 = arith.constant 0 : i32
    return %c1_i32, %arg0, %c0_i32 : i32, i32, i32
  }
  func.func @transform_2(%arg0: i32) -> (i32, i32) {
    %c0_i32 = arith.constant 0 : i32
    %c0_i32_0 = arith.constant 0 : i32
    return %arg0, %c0_i32 : i32, i32
  }
  func.func @transform_3(%arg0: i32) -> (i32, i32) {
    %c0_i32 = arith.constant 0 : i32
    %c0_i32_0 = arith.constant 0 : i32
    return %arg0, %c0_i32 : i32, i32
  }
  func.func @transform_4(%arg0: i32) -> (i32, i32) {
    %c0_i32 = arith.constant 0 : i32
    %c0_i32_0 = arith.constant 0 : i32
    return %arg0, %c0_i32 : i32, i32
  }
  func.func @transform_5(%arg0: i32) -> (i32, i32) {
    %c0_i32 = arith.constant 0 : i32
    %c0_i32_0 = arith.constant 0 : i32
    %c0_i32_1 = arith.constant 0 : i32
    return %c0_i32, %c0_i32_0 : i32, i32
  }
  func.func @transform_6(%arg0: i32) -> (i32, i32) {
    %c0_i32 = arith.constant 0 : i32
    %c0_i32_0 = arith.constant 0 : i32
    return %arg0, %c0_i32 : i32, i32
  }
  func.func @transform_7(%arg0: i32) -> (i32, i32) {
    %c0_i32 = arith.constant 0 : i32
    %c0_i32_0 = arith.constant 0 : i32
    return %arg0, %c0_i32 : i32, i32
  }
}

module attributes {stable_mosaic.version = 14 : i64} {
  func.func @_mmb_body(%arg0: i32, %arg1: memref<2000x128xf32, #tpu.memory_space<vmem>>, %arg2: memref<128x128xf32, #tpu.memory_space<vmem>>, %arg3: memref<1x128xf32, #tpu.memory_space<vmem>>, %arg4: memref<2000x128xf32, #tpu.memory_space<vmem>>) attributes {dimension_semantics = [#tpu.dimension_semantics<arbitrary>], iteration_bounds = array<i64: 5>, scalar_prefetch = 0 : i64, scratch_operands = 0 : i64, tpu.core_type = #tpu.core_type<tc>, window_params = [{transform_indices = @transform_0, window_bounds = array<i64: 2000, 128>}, {pipeline_mode = #tpu.pipeline_mode<synchronous>, transform_indices = @transform_1, window_bounds = array<i64: 128, 128>}, {pipeline_mode = #tpu.pipeline_mode<synchronous>, transform_indices = @transform_2, window_bounds = array<i64: 1, 128>}, {transform_indices = @transform_3, window_bounds = array<i64: 2000, 128>}]} {
    %get3A = arith.constant 0 : index
    %get3A_0 = arith.constant 0 : index
    %get3A_1 = vector.load %arg1[%get3A, %get3A_0] : memref<2000x128xf32, #tpu.memory_space<vmem>>, vector<2000x128xf32>
    %get3A_2 = arith.constant 0 : index
    %get3A_3 = arith.constant 0 : index
    %get3A_4 = vector.load %arg2[%get3A_2, %get3A_3] : memref<128x128xf32, #tpu.memory_space<vmem>>, vector<128x128xf32>
    %dot_general3A = arith.constant dense<0.000000e+00> : vector<2000x128xf32>
    %dot_general3A_5 = tpu.matmul %get3A_1, %get3A_4, %dot_general3A {dimension_numbers = #tpu.dot_dimension_numbers<[1], [1], [0], [0], [0, 0, 1, 0], [], []>, transpose_lhs_hint = false} : vector<2000x128xf32>, vector<128x128xf32>, vector<2000x128xf32> -> vector<2000x128xf32>
    %get3A_6 = arith.constant 0 : index
    %get3A_7 = arith.constant 0 : index
    %get3A_8 = vector.load %arg3[%get3A_6, %get3A_7] : memref<1x128xf32, #tpu.memory_space<vmem>>, vector<1x128xf32>
    %add3A = vector.broadcast %get3A_8 : vector<1x128xf32> to vector<2000x128xf32>
    %add3A_9 = arith.addf %dot_general3A_5, %add3A : vector<2000x128xf32>
    %swap3A = arith.constant 0 : index
    %swap3A_10 = arith.constant 0 : index
    %swap3A_11 = vector.load %arg4[%swap3A, %swap3A_10] : memref<2000x128xf32, #tpu.memory_space<vmem>>, vector<2000x128xf32>
    tpu.vector_store %arg4[%swap3A, %swap3A_10], %add3A_9 {strides = array<i32>} : memref<2000x128xf32, #tpu.memory_space<vmem>>, vector<2000x128xf32>,
    return
  }
  func.func @transform_0(%arg0: i32) -> (i32, i32) {
    %c0_i32 = arith.constant 0 : i32
    %c0_i32_0 = arith.constant 0 : i32
    return %arg0, %c0_i32 : i32, i32
  }
  func.func @transform_1(%arg0: i32) -> (i32, i32) {
    %c0_i32 = arith.constant 0 : i32
    %c0_i32_0 = arith.constant 0 : i32
    %c0_i32_1 = arith.constant 0 : i32
    return %c0_i32, %c0_i32_0 : i32, i32
  }
  func.func @transform_2(%arg0: i32) -> (i32, i32) {
    %c0_i32 = arith.constant 0 : i32
    %c0_i32_0 = arith.constant 0 : i32
    %c0_i32_1 = arith.constant 0 : i32
    return %c0_i32, %c0_i32_0 : i32, i32
  }
  func.func @transform_3(%arg0: i32) -> (i32, i32) {
    %c0_i32 = arith.constant 0 : i32
    %c0_i32_0 = arith.constant 0 : i32
    return %arg0, %c0_i32 : i32, i32
  }
}

module attributes {stable_mosaic.version = 14 : i64} {
  func.func @_h_body(%arg0: i32, %arg1: memref<1x2000x128xf32, #tpu.memory_space<vmem>>, %arg2: memref<1x2000x128xf32, #tpu.memory_space<vmem>>, %arg3: memref<2000x1xf32, #tpu.memory_space<vmem>>, %arg4: memref<2000x1xf32, #tpu.memory_space<vmem>>, %arg5: memref<2000x128xf32, #tpu.memory_space<vmem>>, %arg6: memref<2000x128xf32, #tpu.memory_space<vmem>>) attributes {dimension_semantics = [#tpu.dimension_semantics<arbitrary>], iteration_bounds = array<i64: 5>, scalar_prefetch = 0 : i64, scratch_operands = 0 : i64, tpu.core_type = #tpu.core_type<tc>, window_params = [{transform_indices = @transform_0, window_bounds = array<i64: 1, 2000, 128>}, {transform_indices = @transform_1, window_bounds = array<i64: 1, 2000, 128>}, {transform_indices = @transform_2, window_bounds = array<i64: 2000, 1>}, {transform_indices = @transform_3, window_bounds = array<i64: 2000, 1>}, {transform_indices = @transform_4, window_bounds = array<i64: 2000, 128>}, {transform_indices = @transform_5, window_bounds = array<i64: 2000, 128>}]} {
    %get3A = arith.constant 0 : index
    %get3A_0 = arith.constant 0 : index
    %get3A_1 = vector.load %arg3[%get3A, %get3A_0] : memref<2000x1xf32, #tpu.memory_space<vmem>>, vector<2000x1xf32>
    %get3A_2 = arith.constant 0 : index
    %get3A_3 = arith.constant 0 : index
    %get3A_4 = vector.load %arg4[%get3A_2, %get3A_3] : memref<2000x1xf32, #tpu.memory_space<vmem>>, vector<2000x1xf32>
    %add3A = arith.addf %get3A_1, %get3A_4 : vector<2000x1xf32>
    %max3A = arith.constant 1.000000e+00 : f32
    %max3A_5 = vector.broadcast %max3A : f32 to vector<2000x1xf32>
    %max3A_6 = arith.maximumf %add3A, %max3A_5 : vector<2000x1xf32>
    %div3A = arith.constant 1.000000e+00 : f32
    %div3A_7 = vector.broadcast %div3A : f32 to vector<2000x1xf32>
    %div3A_8 = arith.divf %div3A_7, %max3A_6 : vector<2000x1xf32>
    %get3A_9 = arith.constant 0 : index
    %get3A_10 = arith.constant 0 : index
    %get3A_11 = arith.constant 0 : index
    %get3A_12 = vector.load %arg1[%get3A_9, %get3A_10, %get3A_11] : memref<1x2000x128xf32, #tpu.memory_space<vmem>>, vector<1x2000x128xf32>
    %get3A_13 = vector.shape_cast %get3A_12 : vector<1x2000x128xf32> to vector<2000x128xf32>
    %get3A_14 = arith.constant 0 : index
    %get3A_15 = arith.constant 0 : index
    %get3A_16 = arith.constant 0 : index
    %get3A_17 = vector.load %arg2[%get3A_14, %get3A_15, %get3A_16] : memref<1x2000x128xf32, #tpu.memory_space<vmem>>, vector<1x2000x128xf32>
    %get3A_18 = vector.shape_cast %get3A_17 : vector<1x2000x128xf32> to vector<2000x128xf32>
    %add3A_19 = arith.addf %get3A_13, %get3A_18 : vector<2000x128xf32>
    %mul3A = vector.broadcast %div3A_8 : vector<2000x1xf32> to vector<2000x128xf32>
    %mul3A_20 = arith.mulf %add3A_19, %mul3A : vector<2000x128xf32>
    %get3A_21 = arith.constant 0 : index
    %get3A_22 = arith.constant 0 : index
    %get3A_23 = vector.load %arg5[%get3A_21, %get3A_22] : memref<2000x128xf32, #tpu.memory_space<vmem>>, vector<2000x128xf32>
    %add3A_24 = arith.addf %mul3A_20, %get3A_23 : vector<2000x128xf32>
    %max3A_25 = arith.constant 0.000000e+00 : f32
    %max3A_26 = vector.broadcast %max3A_25 : f32 to vector<2000x128xf32>
    %max3A_27 = arith.maximumf %add3A_24, %max3A_26 : vector<2000x128xf32>
    %swap3A = arith.constant 0 : index
    %swap3A_28 = arith.constant 0 : index
    %swap3A_29 = vector.load %arg6[%swap3A, %swap3A_28] : memref<2000x128xf32, #tpu.memory_space<vmem>>, vector<2000x128xf32>
    tpu.vector_store %arg6[%swap3A, %swap3A_28], %max3A_27 {strides = array<i32>} : memref<2000x128xf32, #tpu.memory_space<vmem>>, vector<2000x128xf32>,
    return
  }
  func.func @transform_0(%arg0: i32) -> (i32, i32, i32) {
    %c0_i32 = arith.constant 0 : i32
    %c0_i32_0 = arith.constant 0 : i32
    %c0_i32_1 = arith.constant 0 : i32
    return %c0_i32, %arg0, %c0_i32_0 : i32, i32, i32
  }
  func.func @transform_1(%arg0: i32) -> (i32, i32, i32) {
    %c1_i32 = arith.constant 1 : i32
    %c0_i32 = arith.constant 0 : i32
    %c0_i32_0 = arith.constant 0 : i32
    return %c1_i32, %arg0, %c0_i32 : i32, i32, i32
  }
  func.func @transform_2(%arg0: i32) -> (i32, i32) {
    %c0_i32 = arith.constant 0 : i32
    %c0_i32_0 = arith.constant 0 : i32
    return %arg0, %c0_i32 : i32, i32
  }
  func.func @transform_3(%arg0: i32) -> (i32, i32) {
    %c0_i32 = arith.constant 0 : i32
    %c0_i32_0 = arith.constant 0 : i32
    return %arg0, %c0_i32 : i32, i32
  }
  func.func @transform_4(%arg0: i32) -> (i32, i32) {
    %c0_i32 = arith.constant 0 : i32
    %c0_i32_0 = arith.constant 0 : i32
    return %arg0, %c0_i32 : i32, i32
  }
  func.func @transform_5(%arg0: i32) -> (i32, i32) {
    %c0_i32 = arith.constant 0 : i32
    %c0_i32_0 = arith.constant 0 : i32
    return %arg0, %c0_i32 : i32, i32
  }
}

module attributes {stable_mosaic.version = 14 : i64} {
  func.func @_mmb_body(%arg0: i32, %arg1: memref<2000x128xf32, #tpu.memory_space<vmem>>, %arg2: memref<64x128xf32, #tpu.memory_space<vmem>>, %arg3: memref<1x64xf32, #tpu.memory_space<vmem>>, %arg4: memref<2000x64xf32, #tpu.memory_space<vmem>>) attributes {dimension_semantics = [#tpu.dimension_semantics<arbitrary>], iteration_bounds = array<i64: 5>, scalar_prefetch = 0 : i64, scratch_operands = 0 : i64, tpu.core_type = #tpu.core_type<tc>, window_params = [{transform_indices = @transform_0, window_bounds = array<i64: 2000, 128>}, {pipeline_mode = #tpu.pipeline_mode<synchronous>, transform_indices = @transform_1, window_bounds = array<i64: 64, 128>}, {pipeline_mode = #tpu.pipeline_mode<synchronous>, transform_indices = @transform_2, window_bounds = array<i64: 1, 64>}, {transform_indices = @transform_3, window_bounds = array<i64: 2000, 64>}]} {
    %get3A = arith.constant 0 : index
    %get3A_0 = arith.constant 0 : index
    %get3A_1 = vector.load %arg1[%get3A, %get3A_0] : memref<2000x128xf32, #tpu.memory_space<vmem>>, vector<2000x128xf32>
    %get3A_2 = arith.constant 0 : index
    %get3A_3 = arith.constant 0 : index
    %get3A_4 = vector.load %arg2[%get3A_2, %get3A_3] : memref<64x128xf32, #tpu.memory_space<vmem>>, vector<64x128xf32>
    %dot_general3A = arith.constant dense<0.000000e+00> : vector<2000x64xf32>
    %dot_general3A_5 = tpu.matmul %get3A_1, %get3A_4, %dot_general3A {dimension_numbers = #tpu.dot_dimension_numbers<[1], [1], [0], [0], [0, 0, 1, 0], [], []>, transpose_lhs_hint = false} : vector<2000x128xf32>, vector<64x128xf32>, vector<2000x64xf32> -> vector<2000x64xf32>
    %get3A_6 = arith.constant 0 : index
    %get3A_7 = arith.constant 0 : index
    %get3A_8 = vector.load %arg3[%get3A_6, %get3A_7] : memref<1x64xf32, #tpu.memory_space<vmem>>, vector<1x64xf32>
    %add3A = vector.broadcast %get3A_8 : vector<1x64xf32> to vector<2000x64xf32>
    %add3A_9 = arith.addf %dot_general3A_5, %add3A : vector<2000x64xf32>
    %swap3A = arith.constant 0 : index
    %swap3A_10 = arith.constant 0 : index
    %swap3A_11 = vector.load %arg4[%swap3A, %swap3A_10] : memref<2000x64xf32, #tpu.memory_space<vmem>>, vector<2000x64xf32>
    tpu.vector_store %arg4[%swap3A, %swap3A_10], %add3A_9 {strides = array<i32>} : memref<2000x64xf32, #tpu.memory_space<vmem>>, vector<2000x64xf32>,
    return
  }
  func.func @transform_0(%arg0: i32) -> (i32, i32) {
    %c0_i32 = arith.constant 0 : i32
    %c0_i32_0 = arith.constant 0 : i32
    return %arg0, %c0_i32 : i32, i32
  }
  func.func @transform_1(%arg0: i32) -> (i32, i32) {
    %c0_i32 = arith.constant 0 : i32
    %c0_i32_0 = arith.constant 0 : i32
    %c0_i32_1 = arith.constant 0 : i32
    return %c0_i32, %c0_i32_0 : i32, i32
  }
  func.func @transform_2(%arg0: i32) -> (i32, i32) {
    %c0_i32 = arith.constant 0 : i32
    %c0_i32_0 = arith.constant 0 : i32
    %c0_i32_1 = arith.constant 0 : i32
    return %c0_i32, %c0_i32_0 : i32, i32
  }
  func.func @transform_3(%arg0: i32) -> (i32, i32) {
    %c0_i32 = arith.constant 0 : i32
    %c0_i32_0 = arith.constant 0 : i32
    return %arg0, %c0_i32 : i32, i32
  }
}

module attributes {stable_mosaic.version = 14 : i64} {
  func.func @_fin_body(%arg0: i32, %arg1: memref<1x2000x128xf32, #tpu.memory_space<vmem>>, %arg2: memref<1x2000x128xf32, #tpu.memory_space<vmem>>, %arg3: memref<2000x1xf32, #tpu.memory_space<vmem>>, %arg4: memref<2000x1xf32, #tpu.memory_space<vmem>>, %arg5: memref<2000x64xf32, #tpu.memory_space<vmem>>, %arg6: memref<64x128xf32, #tpu.memory_space<vmem>>, %arg7: memref<2000x64xf32, #tpu.memory_space<vmem>>) attributes {dimension_semantics = [#tpu.dimension_semantics<arbitrary>], iteration_bounds = array<i64: 5>, scalar_prefetch = 0 : i64, scratch_operands = 0 : i64, tpu.core_type = #tpu.core_type<tc>, window_params = [{transform_indices = @transform_0, window_bounds = array<i64: 1, 2000, 128>}, {transform_indices = @transform_1, window_bounds = array<i64: 1, 2000, 128>}, {transform_indices = @transform_2, window_bounds = array<i64: 2000, 1>}, {transform_indices = @transform_3, window_bounds = array<i64: 2000, 1>}, {transform_indices = @transform_4, window_bounds = array<i64: 2000, 64>}, {pipeline_mode = #tpu.pipeline_mode<synchronous>, transform_indices = @transform_5, window_bounds = array<i64: 64, 128>}, {transform_indices = @transform_6, window_bounds = array<i64: 2000, 64>}]} {
    %get3A = arith.constant 0 : index
    %get3A_0 = arith.constant 0 : index
    %get3A_1 = vector.load %arg3[%get3A, %get3A_0] : memref<2000x1xf32, #tpu.memory_space<vmem>>, vector<2000x1xf32>
    %get3A_2 = arith.constant 0 : index
    %get3A_3 = arith.constant 0 : index
    %get3A_4 = vector.load %arg4[%get3A_2, %get3A_3] : memref<2000x1xf32, #tpu.memory_space<vmem>>, vector<2000x1xf32>
    %add3A = arith.addf %get3A_1, %get3A_4 : vector<2000x1xf32>
    %max3A = arith.constant 1.000000e+00 : f32
    %max3A_5 = vector.broadcast %max3A : f32 to vector<2000x1xf32>
    %max3A_6 = arith.maximumf %add3A, %max3A_5 : vector<2000x1xf32>
    %div3A = arith.constant 1.000000e+00 : f32
    %div3A_7 = vector.broadcast %div3A : f32 to vector<2000x1xf32>
    %div3A_8 = arith.divf %div3A_7, %max3A_6 : vector<2000x1xf32>
    %get3A_9 = arith.constant 0 : index
    %get3A_10 = arith.constant 0 : index
    %get3A_11 = arith.constant 0 : index
    %get3A_12 = vector.load %arg1[%get3A_9, %get3A_10, %get3A_11] : memref<1x2000x128xf32, #tpu.memory_space<vmem>>, vector<1x2000x128xf32>
    %get3A_13 = vector.shape_cast %get3A_12 : vector<1x2000x128xf32> to vector<2000x128xf32>
    %get3A_14 = arith.constant 0 : index
    %get3A_15 = arith.constant 0 : index
    %get3A_16 = arith.constant 0 : index
    %get3A_17 = vector.load %arg2[%get3A_14, %get3A_15, %get3A_16] : memref<1x2000x128xf32, #tpu.memory_space<vmem>>, vector<1x2000x128xf32>
    %get3A_18 = vector.shape_cast %get3A_17 : vector<1x2000x128xf32> to vector<2000x128xf32>
    %add3A_19 = arith.addf %get3A_13, %get3A_18 : vector<2000x128xf32>
    %mul3A = vector.broadcast %div3A_8 : vector<2000x1xf32> to vector<2000x128xf32>
    %mul3A_20 = arith.mulf %add3A_19, %mul3A : vector<2000x128xf32>
    %get3A_21 = arith.constant 0 : index
    %get3A_22 = arith.constant 0 : index
    %get3A_23 = vector.load %arg6[%get3A_21, %get3A_22] : memref<64x128xf32, #tpu.memory_space<vmem>>, vector<64x128xf32>
    %dot_general3A = arith.constant dense<0.000000e+00> : vector<2000x64xf32>
    %dot_general3A_24 = tpu.matmul %mul3A_20, %get3A_23, %dot_general3A {dimension_numbers = #tpu.dot_dimension_numbers<[1], [1], [0], [0], [0, 0, 1, 0], [], []>, transpose_lhs_hint = false} : vector<2000x128xf32>, vector<64x128xf32>, vector<2000x64xf32> -> vector<2000x64xf32>
    %get3A_25 = arith.constant 0 : index
    %get3A_26 = arith.constant 0 : index
    %get3A_27 = vector.load %arg5[%get3A_25, %get3A_26] : memref<2000x64xf32, #tpu.memory_space<vmem>>, vector<2000x64xf32>
    %add3A_28 = arith.addf %dot_general3A_24, %get3A_27 : vector<2000x64xf32>
    %swap3A = arith.constant 0 : index
    %swap3A_29 = arith.constant 0 : index
    %swap3A_30 = vector.load %arg7[%swap3A, %swap3A_29] : memref<2000x64xf32, #tpu.memory_space<vmem>>, vector<2000x64xf32>
    tpu.vector_store %arg7[%swap3A, %swap3A_29], %add3A_28 {strides = array<i32>} : memref<2000x64xf32, #tpu.memory_space<vmem>>, vector<2000x64xf32>,
    return
  }
  func.func @transform_0(%arg0: i32) -> (i32, i32, i32) {
    %c0_i32 = arith.constant 0 : i32
    %c0_i32_0 = arith.constant 0 : i32
    %c0_i32_1 = arith.constant 0 : i32
    return %c0_i32, %arg0, %c0_i32_0 : i32, i32, i32
  }
  func.func @transform_1(%arg0: i32) -> (i32, i32, i32) {
    %c1_i32 = arith.constant 1 : i32
    %c0_i32 = arith.constant 0 : i32
    %c0_i32_0 = arith.constant 0 : i32
    return %c1_i32, %arg0, %c0_i32 : i32, i32, i32
  }
  func.func @transform_2(%arg0: i32) -> (i32, i32) {
    %c0_i32 = arith.constant 0 : i32
    %c0_i32_0 = arith.constant 0 : i32
    return %arg0, %c0_i32 : i32, i32
  }
  func.func @transform_3(%arg0: i32) -> (i32, i32) {
    %c0_i32 = arith.constant 0 : i32
    %c0_i32_0 = arith.constant 0 : i32
    return %arg0, %c0_i32 : i32, i32
  }
  func.func @transform_4(%arg0: i32) -> (i32, i32) {
    %c0_i32 = arith.constant 0 : i32
    %c0_i32_0 = arith.constant 0 : i32
    return %arg0, %c0_i32 : i32, i32
  }
  func.func @transform_5(%arg0: i32) -> (i32, i32) {
    %c0_i32 = arith.constant 0 : i32
    %c0_i32_0 = arith.constant 0 : i32
    %c0_i32_1 = arith.constant 0 : i32
    return %c0_i32, %c0_i32_0 : i32, i32
  }
  func.func @transform_6(%arg0: i32) -> (i32, i32) {
    %c0_i32 = arith.constant 0 : i32
    %c0_i32_0 = arith.constant 0 : i32
    return %arg0, %c0_i32 : i32, i32
  }
}

</mosaic_0001>

<sc_bundles>
// kernel: kernel.12.cloned.1.call-start
scs
__scs_entry_jumppad:
0x0: {  	(pc) =	sbr.rel $0x88, $3  }
0x1: {  	(tag) =	ssettag $0x0;
	lr =	simm.s32 $0x1  }
0x2: {  	[smem:$0x3F96] =	sst lr;
	_ =	strace $0xD0000000  }
0x3: {  	_ = 	snop  }
0x4: {  	_ = 	snop  }
0x5: {  	_ = 	snop  }
0x6: {  	_ = 	snop  }
0x7: {  	_ = 	snop  }
__scs_overlays_trampoline_lowered:
0x8: {  	[smem:$0x3FA5] =	sst s0  }
0x9: {  	[smem:$0x3FA6] =	sst s1  }
0xa: {  	[smem:$0x3FA7] =	sst s2  }
0xb: {  	[smem:$0x3FA8] =	sst s3  }
0xc: {  	[smem:$0x3FA9] =	sst s4  }
0xd: {  	[smem:$0x3FAA] =	sst s5  }
0xe: {  	[smem:$0x3FAB] =	sst s6  }
0xf: {  	[smem:$0x3FAC] =	sst s7  }
0x10: {  	[smem:$0x3FAD] =	sst s8  }
0x11: {  	[smem:$0x3FAE] =	sst s9;
	s0 =	simm.s32 @!p0 $0x0  }
0x12: {  	s1 =	sld [smem:$0x3F94];
	s0 =	simm.s32 @p0 $0x1  }
0x13: {  	[smem:$0x3FAF] =	sst s0;
	s0 =	simm.s32 @!p1 $0x0  }
0x14: {  	s2 =	sld [smem:$0x3F93];
	s0 =	simm.s32 @p1 $0x1  }
0x15: {  	[smem:$0x3FB0] =	sst s0;
	s0 =	simm.s32 @!p2 $0x0  }
0x16: {  	s3 =	sld [smem:$0x3FDB];
	s0 =	simm.s32 @p2 $0x1  }
0x17: {  	s4 =	simm.s32 $0x1BF5;
	[smem:$0x3FB2] =	sst s0  }
0x18: {  	s0 =	sld [smem:$0x3F95];
	_ =	swait.ge [sflag:s4], $0x0  }
0x19: {  	s7 =	sld [smem:$0x3F96]  }
0x1a: {  	s8 =	sadd.s32 $0xFFFFE003, lr  }
0x1b: {  	s9 =	sadd.s32 $0xFFFFFEF7, lr;
	s5 =	simm.s32 $0xFFFFFFFF;
	p2 =	slt.u32 s8, $0xFFFFF086  }
0x1c: {  	p1 =	slt.u32 s9, $0xF7A;
	s5 =	simm.s32 @!p2 $0x0  }
0x1d: {  	s5 =	simm.s32 @p1 $0x1;
	p0 =	seq.s32 s7, s2  }
0x1e: {  	s7 =	smul.u32 @!p0 $0xF7A, s2;
	p2 =	seq.s32 @!p0 s5, $0x0  }
0x1f: {  	s9 =	smul.u32 $0xF7A, s1;
	s8 =	simm.s32 @!p0 $0x1BF5;
	p2 =	por !p2, p0  }
0x20: {  	[sflag:s8] =	ssyncset.s32 @!p0 $0xFFFFF086;
	s6 =	sadd.s32 @!p0 s3, s7;
	s7 =	simm.s32 @!p0 $0x108  }
0x21: {  	s3 =	sadd.s32 s3, s9;
	s6 =	sadd.s32 @!p0 $0x88, s6;
	s7 =	simm.s32 @p2 $0x1082  }
0x22: {  	[simem:s7], [sflag:s8] =	dma.local @!p0 [hbm:s6], $0xF7A  }
0x23: {  	s9 =	sor.u32 $0xD0000000, s2;
	s6 =	simm.s32 $0x108;
	_ =	swait.ge @!p0 [sflag:s8], $0x0  }
0x24: {  	s3 =	sadd.s32 $0x88, s3;
	s6 =	simm.s32 @!p1 $0x1082;
	[sflag:s4] =	ssyncset.s32 $0xFFFFF086  }
0x25: {  	[simem:s6], [sflag:s4] =	dma.local [hbm:s3], $0xF7A  }
0x26: {  	[smem:$0x3F96] =	sst s1;
	(tag) =	ssettag s2;
	_ =	strace s9  }
0x27: {  	s1 =	sld [smem:$0x3FA6]  }
0x28: {  	s2 =	sld [smem:$0x3FA7]  }
0x29: {  	s4 =	sld [smem:$0x3FA9]  }
0x2a: {  	p0 =	seq.s32 s5, $0x0;
	s5 =	sld [smem:$0x3FAA]  }
0x2b: {  	s6 =	sld [smem:$0x3FAB]  }
0x2c: {  	s7 =	sld [smem:$0x3FAC]  }
0x2d: {  	s3 =	simm.s32 $0x108;
	s8 =	sld [smem:$0x3FAD]  }
0x2e: {  	s3 =	simm.s32 @!p0 $0x1082;
	s9 =	sld [smem:$0x3FAE]  }
0x2f: {  	lr =	sadd.s32 s0, s3;
	s0 =	sld [smem:$0x3FA5]  }
0x30: {  	s3 =	sld [smem:$0x3FA8]  }
0x31: {  	[smem:$0x3FB1] =	sst s10  }
0x32: {  	s10 =	sld [smem:$0x3FAF];
	_ =	sdelay $0x3  }
0x33: {  	p0 =	seq.s32 s10, $0x1;
	s10 =	sld [smem:$0x3FB1];
	_ =	sdelay $0x3  }
0x34: {  	[smem:$0x3FB1] =	sst s10  }
0x35: {  	s10 =	sld [smem:$0x3FB0];
	_ =	sdelay $0x3  }
0x36: {  	p1 =	seq.s32 s10, $0x1;
	s10 =	sld [smem:$0x3FB1];
	_ =	sdelay $0x3  }
0x37: {  	[smem:$0x3FB1] =	sst s10  }
0x38: {  	s10 =	sld [smem:$0x3FB2]  }
0x39: {  	_ = 	snop;
	(pc) =	sbr.ind lr, $3  }
0x3a: {  	_ = 	snop  }
0x3b: {  	_ = 	snop  }
0x3c: {  	p2 =	seq.s32 s10, $0x1;
	s10 =	sld [smem:$0x3FB1]  }
0x3d: {  	_ =	shalt  }
0x3e: {  	_ =	shalt  }
0x3f: {  	_ =	shalt  }
0x40: {  	_ =	shalt  }
0x41: {  	_ =	shalt  }
0x42: {  	_ =	shalt  }
0x43: {  	_ =	shalt  }
0x44: {  	_ =	shalt  }
0x45: {  	_ =	shalt  }
0x46: {  	_ =	shalt  }
0x47: {  	_ =	shalt  }
0x48: {  	_ =	shalt  }
0x49: {  	_ =	shalt  }
0x4a: {  	_ =	shalt  }
0x4b: {  	_ =	shalt  }
0x4c: {  	_ =	shalt  }
0x4d: {  	_ =	shalt  }
0x4e: {  	_ =	shalt  }
0x4f: {  	_ =	shalt  }
0x50: {  	_ =	shalt  }
0x51: {  	_ =	shalt  }
0x52: {  	_ =	shalt  }
0x53: {  	_ =	shalt  }
0x54: {  	_ =	shalt  }
0x55: {  	_ =	shalt  }
0x56: {  	_ =	shalt  }
0x57: {  	_ =	shalt  }
0x58: {  	_ =	shalt  }
0x59: {  	_ =	shalt  }
0x5a: {  	_ =	shalt  }
0x5b: {  	_ =	shalt  }
0x5c: {  	_ =	shalt  }
0x5d: {  	_ =	shalt  }
0x5e: {  	_ =	shalt  }
0x5f: {  	_ =	shalt  }
0x60: {  	_ =	shalt  }
0x61: {  	_ =	shalt  }
0x62: {  	_ =	shalt  }
0x63: {  	_ =	shalt  }
0x64: {  	_ =	shalt  }
0x65: {  	_ =	shalt  }
0x66: {  	_ =	shalt  }
0x67: {  	_ =	shalt  }
0x68: {  	_ =	shalt  }
0x69: {  	_ =	shalt  }
0x6a: {  	_ =	shalt  }
0x6b: {  	_ =	shalt  }
0x6c: {  	_ =	shalt  }
0x6d: {  	_ =	shalt  }
0x6e: {  	_ =	shalt  }
0x6f: {  	_ =	shalt  }
0x70: {  	_ =	shalt  }
0x71: {  	_ =	shalt  }
0x72: {  	_ =	shalt  }
0x73: {  	_ =	shalt  }
0x74: {  	_ =	shalt  }
0x75: {  	_ =	shalt  }
0x76: {  	_ =	shalt  }
0x77: {  	_ =	shalt  }
0x78: {  	_ =	shalt  }
0x79: {  	_ =	shalt  }
0x7a: {  	_ =	shalt  }
0x7b: {  	_ =	shalt  }
0x7c: {  	_ =	shalt  }
0x7d: {  	_ =	shalt  }
0x7e: {  	_ =	shalt  }
0x7f: {  	_ =	shalt  }
0x80: {  	_ =	shalt  }
0x81: {  	_ =	shalt  }
0x82: {  	_ =	shalt  }
0x83: {  	_ =	shalt  }
0x84: {  	_ =	shalt  }
0x85: {  	_ =	shalt  }
0x86: {  	_ =	shalt  }
0x87: {  	_ =	shalt  }
.Lfunc_end0:
.L_simem_size_0:
called_computation_lowered:
.L_overlay_start_0:
0x88: {  	s2 =	sld [smem:$0x3FD9]  }
0x89: {  	s3 =	sld [smem:$0x3FFE];
	_ =	sdelay $0x1  }
0x8a: {  	s1 =	srdreg.scid  }
0x8b: {  	s0 =	sand.u32 $0x1, s1  }
0x8c: {  	s17 =	sshll.u32 s0, $0xA;
	s2 =	sadd.s32 s3, s2  }
0x8d: {  	s2 =	sadd.s32 s2, s17  }
0x8e: {  	[smem:$0x3FBD] =	sst s2  }
0x8f: {  	_ = 	snop  }
0x90: {  	s2 =	sld [smem:$0x3FD0];
	(tm) =	ssettm $0x1  }
0x91: {  	s18 =	sld [smem:$0x3FFB];
	_ =	sdelay $0x3  }
0x92: {  	_ =	strace s18  }
0x93: {  	s3 =	sld [smem:$0x3FFC];
	_ =	sdelay $0x3  }
0x94: {  	_ =	strace s3  }
0x95: {  	s3 =	sld [smem:$0x3FFD];
	_ =	sdelay $0x3  }
0x96: {  	_ =	strace s3  }
0x97: {  	_ =	strace $0x8FFFFFFF  }
0x98: {  	s19 =	sld [smem:$0x3FDB];
	_ =	sdelay $0x1  }
0x99: {  	s4 =	simm.s32 $_scs_section_size  }
0x9a: {  	s5 =	simm.s32 $_size__tile_overlayer_lowered;
	s6 =	simm.s32 $_tile_overlayer_lowered  }
0x9b: {  	s22 =	simm.s32 $0x1BFF;
	s21 =	sshll.u32 s6, $0x1;
	s3 =	sadd.s32 s4, s19  }
0x9c: {  	s7 =	simm.s32 $0x0;
	s20 =	sshll.u32 s5, $0x1;
	s5 =	sadd.s32 s21, s3  }
0x9d: {  	[timem:s7], [sflag:s22] =	dma.local [hbm:s5], s20  }
0x9e: {  	_ =	swait.ge [sflag:s22], s20  }
0x9f: {  	s4 =	ssub.s32 $0x0, s20;
	[sflag:s22] =	ssyncset.done $0x0  }
0xa0: {  	[sflag:s22] =	ssyncadd.s32 s4;
	_ =	sdelay $0x1  }
0xa1: {  	s23 =	simm.s32 $0x1B8B  }
0xa2: {  	_ =	swait.ge [sflag:s23], $0x1  }
0xa3: {  	[sflag:s23] =	ssyncset.done $0x0  }
0xa4: {  	s25 =	simm.s32 $0x1B8E;
	s24 =	sld [smem:$0x3FFE];
	[sflag:s23] =	ssyncadd.s32 $0xFFFFFFFF  }
0xa5: {  	s26 =	simm.s32 $execute0_lowered;
	[smem:$0x3FD2] =	sst s25  }
0xa6: {  	s5 =	sshll.u32 s26, $0x1;
	_ =	strace $0x80000046;
	[dreg:$0x1] =	wrdreg $0xFFFFFFFF  }
0xa7: {  	s28 =	simm.s32 $_size_execute0_lowered;
	s3 =	sadd.s32 s3, s5;
	[dreg:$0x0] =	wrdreg $0x0  }
0xa8: {  	s5 =	sshll.u32 s28, $0x1;
	[dreg:$0x2] =	wrdreg s3  }
0xa9: {  	[dreg:$0x3] =	wrdreg s5  }
0xaa: {  	[dreg:$0x4] =	wrdreg $0xC0  }
0xab: {  	_ =	task [dreg:s7], $0x5FFFF  }
0xac: {  	[dreg:$0x1] =	wrdreg $0xFFFFFFFF  }
0xad: {  	[dreg:$0x0] =	wrdreg $0x60  }
0xae: {  	[dreg:$0x2] =	wrdreg s24  }
0xaf: {  	[dreg:$0x3] =	wrdreg s2  }
0xb0: {  	[dreg:$0x4] =	wrdreg $0xA8800  }
0xb1: {  	[dreg:$0x5] =	wrdreg $0x1E8800  }
0xb2: {  	[dreg:$0x6] =	wrdreg $0x9  }
0xb3: {  	_ =	task.clear_ibuf [dreg:s7], $0x7FFFF;
	_ =	strace $0x90000046  }
0xb4: {  	s29 =	simm.s32 $0x9;
	_ =	strace $0x80000048  }
0xb5: {  	_ =	swait.ge [sflag:s29], $0x1  }
0xb6: {  	[sflag:s29] =	ssyncadd.s32 $0xFFFFFFFF  }
0xb7: {  	_ =	strace $0x90000048  }
0xb8: {  	_ =	sfence  }
0xb9: {  	s30 =	sld [smem:$0x0];
	_ =	sdelay $0x2  }
0xba: {  	s31 =	sshll.u32 s1, $0xD;
	s1 =	sshrl.u32 s1, $0x2  }
0xbb: {  	s3 =	sand.u32 $0x4000, s31;
	s1 =	sadd.s32 s1, s30  }
0xbc: {  	s0 =	sor.u32 s3, s0;
	s1 =	sshll.u32 s1, $0x11  }
0xbd: {  	s0 =	sor.u32 s1, s0  }
0xbe: {  	s0 =	sadd.s32 $0x8F2B, s0  }
0xbf: {  	[sflag:s0] =	ssyncadd.remote.s32 $0x1  }
0xc0: {  	_ =	sfence.sel $0xFFFF  }
0xc1: {  	[dreg:$0x0] =	wrdreg $0xFFFFFFFF;
	(pc) =	sbr.abs _section_cstart, $3  }
0xc2: {  	[dreg:$0x1] =	wrdreg $0xFFFFFFFF  }
0xc3: {  	_ =	task.clear_ibuf [dreg:s7], $0x2FFFF;
	_ =	strace $0x9FFFFFFF  }
0xc4: {  	(tm) =	ssettm $0x7FFFFFFF  }
0xc5: {  	_ =	shalt  }
tec
execute0_lowered:
.L_overlay_start_1:
0x0: {  	(tag) =	ssettag $0x1  }
0x1: {  	s0 =	rddreg [dreg:$0x0]  }
0x2: {  	s3 =	rddreg [dreg:$0x1]  }
0x3: {  	s1 =	rddreg [dreg:$0x2]  }
0x4: {  	s2 =	rddreg [dreg:$0x3]  }
0x5: {  	s4 =	srdreg.scid;
	s12 =	stileid.u32;
	s28 =	simm.s32 $0x80  }
0x6: {  	s29 =	simm.s32 $0x6800;
	s30 =	simm.s32 $0x1;
	s31 =	simm.s32 $0x2  }
0x7: {  	s6 =	sand.u32 $0x1, s4;
	s4 =	simm.s32 $0x0;
	s8 =	smul.u32 $0x14000, s12  }
0x8: {  	s5 =	sadd.s32 $0x3E00, s0;
	s9 =	sadd.s32 $0x2B400, s0;
	s16 =	smul.u32 $0x500, s12  }
0x9: {  	s15 =	sadd.s32 $0x2B200, s0;
	s17 =	sadd.s32 $0x2B000, s0;
	s21 =	smul.u32 $0x50000, s12  }
0xa: {  	s19 =	sshll.u32 s12, $0x1;
	s23 =	smul.u32 $0xA00, s12;
	[smem:$0x7FF] =	sst s4  }
0xb: {  	s26 =	sshll.u32 s12, $0x6;
	_ =	strace $0x80000047;
	[dreg:$0x5] =	wrdreg s9  }
0xc: {  	s7 =	smul.u32 $0x140000, s6;
	s18 =	sshll.u32 s6, $0x7;
	[dreg:$0x6] =	wrdreg s15  }
0xd: {  	s10 =	ssub.s32 $0x2, s6;
	s6 =	sor.u32 s6, s19;
	[dreg:$0x7] =	wrdreg s17  }
0xe: {  	s20 =	sshrl.u32 s10, $0x1;
	s11 =	smul.u32 $0x1400, s6;
	p0 =	seq.s32 s6, $0x1F  }
0xf: {  	s9 =	simm.s32 $0x4;
	s22 =	sshrl.u32 s21, $0x2;
	s25 =	sshrl.u32 s23, $0x2  }
0x10: {  	s21 =	simm.s32 $0x2800;
	s23 =	simm.s32 $0x1400;
	s6 =	simm.s32 $0x5  }
0x11: {  	s7 =	sadd.s32 s8, s7;
	s8 =	sor.u32 s18, s16;
	s13 =	sadd.s32 s22, s1  }
0x12: {  	s22 =	simm.s32 $0x7;
	s7 =	sshrl.u32 s7, $0x3;
	s8 =	sshrl.u32 s8, $0x3  }
0x13: {  	s11 =	sshrl.u32 s11, $0x3;
	s24 =	sadd.s32 $0x8000, s13;
	s16 =	sadd.s32 $0xC000, s13  }
0x14: {  	s17 =	sadd.s32 $0x10000, s13;
	s7 =	sadd.s32 s7, s0;
	s0 =	sadd.s32 s8, s0  }
0x15: {  	s8 =	ssub.s32 s10, s20;
	s10 =	simm.s32 $0x4;
	s11 =	sadd.s32 s3, s11  }
0x16: {  	s3 =	sadd.s32 $0x4000, s13;
	[dreg:$0xb] =	wrdreg s24;
	s24 =	sor.u32 $0x1C07, s26  }
0x17: {  	s26 =	simm.s32 $0xA800;
	s10 =	simm.s32 @!p0 $0x13;
	[dreg:$0x8] =	wrdreg s11  }
0x18: {  	s11 =	sadd.s32 $0x5000, s11;
	[dreg:$0xa] =	wrdreg s3;
	s3 =	sadd.s32 s25, s2  }
0x19: {  	s18 =	sadd.s32 $0x2C600, s7;
	s19 =	sadd.s32 $0x2BC00, s0;
	s20 =	smax.u32 s8, $0x1  }
0x1a: {  	s0 =	simm.s32 $0x1480;
	s7 =	simm.s32 $0x6;
	s8 =	simm.s32 $0x0  }
0x1b: {  	[dreg:$0x9] =	wrdreg s11;
	s25 =	sshrl.u32 s3, $0x3;
	s3 =	simm.s32 $0x3  }
.LBB2_1:
0x1c: {  	s11 =	rddreg [dreg:$0x5]  }
0x1d: {  	[tilespmem:s21], [sflag:$0x7] =	stream.linear.gather [hbm4b:s11+s4], $0x4000, $0x38;
	[tilespmem:$0x1EB00] =	vst v63  }
0x1e: {  	_ =	swait.ge [sflag:s22], $0x4000  }
0x1f: {  	[sflag:s22] =	ssyncset.done $0x0  }
0x20: {  	s12 =	rddreg [dreg:$0x8];
	[sflag:s22] =	ssyncadd.s32 $0xFFFFC000  }
0x21: {  	[tilespmem:s4], [sflag:$0x7] =	stream.linear.gather [hbm4b:s12+s4], $0x1400, $0x38;
	[tilespmem:$0x1EB00] =	vst v63  }
0x22: {  	_ =	swait.ge [sflag:s22], $0x1400  }
0x23: {  	[sflag:s22] =	ssyncset.done $0x0  }
0x24: {  	s14 =	rddreg [dreg:$0x9];
	[sflag:s22] =	ssyncadd.s32 $0xFFFFEC00  }
0x25: {  	[tilespmem:s23], [sflag:$0x7] =	stream.linear.gather [hbm4b:s14+s4], $0x1400, $0x38;
	[tilespmem:$0x1EB00] =	vst v63  }
0x26: {  	_ =	swait.ge [sflag:s22], $0x1400  }
0x27: {  	[sflag:s22] =	ssyncset.done $0x0  }
0x28: {  	[sflag:s22] =	ssyncadd.s32 $0xFFFFEC00  }
0x29: {  	[spmem:s13] =	stream.linear.scatter [tilespmem:s21], [sflag:$0x7], $0x4000, $0x38;
	[tilespmem:$0x1EB00] =	vst v63  }
0x2a: {  	_ =	swait.ge [sflag:s22], $0x4000  }
0x2b: {  	[sflag:s22] =	ssyncset.done $0x0  }
0x2c: {  	s15 =	rddreg [dreg:$0xa];
	[sflag:s22] =	ssyncadd.s32 $0xFFFFC000  }
0x2d: {  	[spmem:s15] =	stream.linear.scatter [tilespmem:s21], [sflag:$0x7], $0x4000, $0x38;
	[tilespmem:$0x1EB00] =	vst v63  }
0x2e: {  	_ =	swait.ge [sflag:s22], $0x4000  }
0x2f: {  	[sflag:s22] =	ssyncset.done $0x0  }
0x30: {  	s12 =	rddreg [dreg:$0xb];
	[sflag:s22] =	ssyncadd.s32 $0xFFFFC000  }
0x31: {  	[spmem:s12] =	stream.linear.scatter [tilespmem:s21], [sflag:$0x7], $0x4000, $0x38;
	[tilespmem:$0x1EB00] =	vst v63  }
0x32: {  	_ =	swait.ge [sflag:s22], $0x4000  }
0x33: {  	[sflag:s22] =	ssyncset.done $0x0  }
0x34: {  	[sflag:s22] =	ssyncadd.s32 $0xFFFFC000  }
0x35: {  	[spmem:s16] =	stream.linear.scatter [tilespmem:s21], [sflag:$0x7], $0x4000, $0x38;
	[tilespmem:$0x1EB00] =	vst v63  }
0x36: {  	_ =	swait.ge [sflag:s22], $0x4000  }
0x37: {  	[sflag:s22] =	ssyncset.done $0x0  }
0x38: {  	[sflag:s22] =	ssyncadd.s32 $0xFFFFC000  }
0x39: {  	[spmem:s17] =	stream.linear.scatter [tilespmem:s21], [sflag:$0x7], $0x4000, $0x38;
	[tilespmem:$0x1EB00] =	vst v63  }
0x3a: {  	_ =	swait.ge [sflag:s22], $0x4000  }
0x3b: {  	[sflag:s22] =	ssyncset.done $0x0  }
0x3c: {  	s14 =	rddreg [dreg:$0x6];
	[sflag:s22] =	ssyncadd.s32 $0xFFFFC000  }
0x3d: {  	[spmem:s25], [sflag:s24] =	dma.local [hbm:s14], $0x50  }
0x3e: {  	_ =	swait.ge [sflag:s22], $0x50  }
0x3f: {  	[sflag:s22] =	ssyncset.done $0x0  }
0x40: {  	s15 =	rddreg [dreg:$0x7];
	[sflag:s22] =	ssyncadd.s32 $0xFFFFFFB0  }
0x41: {  	[tilespmem:s26], [sflag:$0x7] =	stream.linear.gather [hbm4b:s15+s4], $0x80, $0x38;
	[tilespmem:$0x1EB00] =	vst v63  }
0x42: {  	_ =	swait.ge [sflag:s22], $0x80  }
0x43: {  	[sflag:s22] =	ssyncset.done $0x0  }
0x44: {  	[sflag:s22] =	ssyncadd.s32 $0xFFFFFF80  }
0x45: {  	[bflag:$0x0] =	sbarrier.arrive $0xFFFF  }
0x46: {  	[tilespmem:s21], [sflag:$0x1] =	stream.indirect.gather [hbm4b:s5+s28], $0x80, s4, s28, $0xb8;
	[tilespmem:$0x1EB00] =	vst v63  }
0x47: {  	_ = 	snop  }
0x48: {  	[tilespmem:s29], [sflag:$0x2] =	stream.indirect.gather [hbm4b:s5+s28], $0x80, s28, s28, $0xb8;
	[tilespmem:$0x1EB00] =	vst v63  }
0x49: {  	_ =	swait.ge [sflag:s30], $0x4000  }
0x4a: {  	[sflag:s30] =	ssyncset.done $0x0  }
0x4b: {  	[sflag:s30] =	ssyncadd.s32 $0xFFFFC000  }
0x4c: {  	[spmem:s1] =	stream.indirect.scatter.add.f32 [tilespmem:s21], [sflag:$0x3], $0x80, s23, s28, $0xb8;
	[tilespmem:$0x1EB00] =	vst v63  }
0x4d: {  	_ = 	snop  }
0x4e: {  	[spmem:s2] =	stream.indirect.scatter.add.f32 [tilespmem:s26], [sflag:$0x5], $0x1, s23, s28, $0xb8;
	[tilespmem:$0x1EB00] =	vst v63  }
0x4f: {  	_ =	swait.ge [sflag:s31], $0x4000  }
0x50: {  	[sflag:s31] =	ssyncset.done $0x0  }
0x51: {  	[sflag:s31] =	ssyncadd.s32 $0xFFFFC000  }
0x52: {  	[spmem:s1] =	stream.indirect.scatter.add.f32 [tilespmem:s29], [sflag:$0x4], $0x80, s0, s28, $0xb8;
	[tilespmem:$0x1EB00] =	vst v63  }
0x53: {  	_ = 	snop  }
0x54: {  	[spmem:s2] =	stream.indirect.scatter.add.f32 [tilespmem:s26], [sflag:$0x6], $0x1, s0, s28, $0xb8;
	[tilespmem:$0x1EB00] =	vst v63  }
0x55: {  	_ =	swait.ge [sflag:s3], $0x4000  }
0x56: {  	[sflag:s3] =	ssyncset.done $0x0  }
0x57: {  	[sflag:s3] =	ssyncadd.s32 $0xFFFFC000  }
0x58: {  	_ =	swait.ge [sflag:s6], $0x80  }
0x59: {  	[sflag:s6] =	ssyncset.done $0x0  }
0x5a: {  	s12 =	simm.s32 $0x100;
	[sflag:s6] =	ssyncadd.s32 $0xFFFFFF80  }
0x5b: {  	[tilespmem:s21], [sflag:$0x1] =	stream.indirect.gather [hbm4b:s5+s28], $0x80, s12, s28, $0xb8;
	[tilespmem:$0x1EB00] =	vst v63  }
0x5c: {  	_ =	swait.ge [sflag:s9], $0x4000  }
0x5d: {  	[sflag:s9] =	ssyncset.done $0x0  }
0x5e: {  	[sflag:s9] =	ssyncadd.s32 $0xFFFFC000  }
0x5f: {  	_ =	swait.ge [sflag:s7], $0x80  }
0x60: {  	[sflag:s7] =	ssyncset.done $0x0  }
0x61: {  	s14 =	simm.s32 $0x180;
	[sflag:s7] =	ssyncadd.s32 $0xFFFFFF80  }
0x62: {  	[tilespmem:s29], [sflag:$0x2] =	stream.indirect.gather [hbm4b:s5+s28], $0x80, s14, s28, $0xb8;
	[tilespmem:$0x1EB00] =	vst v63  }
0x63: {  	_ =	swait.ge [sflag:s30], $0x4000  }
0x64: {  	[sflag:s30] =	ssyncset.done $0x0  }
0x65: {  	s15 =	simm.s32 $0x1500;
	[sflag:s30] =	ssyncadd.s32 $0xFFFFC000  }
0x66: {  	[spmem:s1] =	stream.indirect.scatter.add.f32 [tilespmem:s21], [sflag:$0x3], $0x80, s15, s28, $0xb8;
	[tilespmem:$0x1EB00] =	vst v63  }
0x67: {  	p0 =	sne.s32 s10, $0x1  }
0x68: {  	[spmem:s2] =	stream.indirect.scatter.add.f32 [tilespmem:s26], [sflag:$0x5], $0x1, s15, s28, $0xb8;
	[tilespmem:$0x1EB00] =	vst v63  }
.Ltmp0:
0x69: {  	_ = 	snop;
	(pc) =	sbr.rel @!p0 .LBB2_3-.Ltmp0, $4  }
0x6a: {  	_ =	swait.ge [sflag:s31], $0x4000  }
0x6b: {  	s11 =	simm.s32 $0x280;
	s12 =	sadd.s32 $0xFFFFFFFF, s10;
	[sflag:s31] =	ssyncset.done $0x0  }
0x6c: {  	s14 =	simm.s32 $0x1600;
	s15 =	simm.s32 $0x1580;
	[sflag:s31] =	ssyncadd.s32 $0xFFFFC000  }
0x6d: {  	[spmem:s1] =	stream.indirect.scatter.add.f32 [tilespmem:s29], [sflag:$0x4], $0x80, s15, s28, $0xb8;
	[tilespmem:$0x1EB00] =	vst v63  }
.LBB2_2:
0x6e: {  	[spmem:s2] =	stream.indirect.scatter.add.f32 [tilespmem:s26], [sflag:$0x6], $0x1, s15, s28, $0xb8;
	[tilespmem:$0x1EB00] =	vst v63  }
0x6f: {  	p0 =	sne.s32 s12, $0x1;
	s12 =	sadd.s32 $0xFFFFFFFF, s12;
	_ =	swait.ge [sflag:s3], $0x4000  }
0x70: {  	[sflag:s3] =	ssyncset.done $0x0  }
0x71: {  	[sflag:s3] =	ssyncadd.s32 $0xFFFFC000  }
0x72: {  	_ =	swait.ge [sflag:s6], $0x80  }
0x73: {  	[sflag:s6] =	ssyncset.done $0x0  }
0x74: {  	s15 =	sadd.s32 $0xFFFFFF80, s11;
	[sflag:s6] =	ssyncadd.s32 $0xFFFFFF80  }
0x75: {  	[tilespmem:s21], [sflag:$0x1] =	stream.indirect.gather [hbm4b:s5+s28], $0x80, s15, s28, $0xb8;
	[tilespmem:$0x1EB00] =	vst v63  }
0x76: {  	_ =	swait.ge [sflag:s9], $0x4000  }
0x77: {  	[sflag:s9] =	ssyncset.done $0x0  }
0x78: {  	[sflag:s9] =	ssyncadd.s32 $0xFFFFC000  }
0x79: {  	_ =	swait.ge [sflag:s7], $0x80  }
0x7a: {  	[sflag:s7] =	ssyncset.done $0x0  }
0x7b: {  	[sflag:s7] =	ssyncadd.s32 $0xFFFFFF80  }
0x7c: {  	[tilespmem:s29], [sflag:$0x2] =	stream.indirect.gather [hbm4b:s5+s28], $0x80, s11, s28, $0xb8;
	[tilespmem:$0x1EB00] =	vst v63  }
0x7d: {  	_ =	swait.ge [sflag:s30], $0x4000  }
0x7e: {  	[sflag:s30] =	ssyncset.done $0x0  }
0x7f: {  	[sflag:s30] =	ssyncadd.s32 $0xFFFFC000  }
0x80: {  	[spmem:s1] =	stream.indirect.scatter.add.f32 [tilespmem:s21], [sflag:$0x3], $0x80, s14, s28, $0xb8;
	[tilespmem:$0x1EB00] =	vst v63  }
0x81: {  	_ = 	snop  }
0x82: {  	[spmem:s2] =	stream.indirect.scatter.add.f32 [tilespmem:s26], [sflag:$0x5], $0x1, s14, s28, $0xb8;
	[tilespmem:$0x1EB00] =	vst v63  }
.Ltmp1:
0x83: {  	_ =	swait.ge [sflag:s31], $0x4000;
	(pc) =	sbr.rel @p0 .LBB2_2-.Ltmp1, $4  }
0x84: {  	[sflag:s31] =	ssyncset.done $0x0  }
0x85: {  	s15 =	sadd.s32 $0x80, s14;
	[sflag:s31] =	ssyncadd.s32 $0xFFFFC000  }
0x86: {  	[spmem:s1] =	stream.indirect.scatter.add.f32 [tilespmem:s29], [sflag:$0x4], $0x80, s15, s28, $0xb8;
	[tilespmem:$0x1EB00] =	vst v63  }
0x87: {  	s11 =	sadd.s32 $0x100, s11;
	s14 =	sadd.s32 $0x100, s14  }
.LBB2_3:
0x88: {  	[spmem:s2] =	stream.indirect.scatter.add.f32 [tilespmem:s26], [sflag:$0x6], $0x1, s15, s28, $0xb8;
	[tilespmem:$0x1EB00] =	vst v63  }
0x89: {  	_ =	swait.ge [sflag:s3], $0x4000  }
0x8a: {  	[sflag:s3] =	ssyncset.done $0x0  }
0x8b: {  	[sflag:s3] =	ssyncadd.s32 $0xFFFFC000  }
0x8c: {  	_ =	swait.ge [sflag:s6], $0x80  }
0x8d: {  	[sflag:s6] =	ssyncset.done $0x0  }
0x8e: {  	[sflag:s6] =	ssyncadd.s32 $0xFFFFFF80  }
0x8f: {  	_ =	swait.ge [sflag:s9], $0x4000  }
0x90: {  	[sflag:s9] =	ssyncset.done $0x0  }
0x91: {  	[sflag:s9] =	ssyncadd.s32 $0xFFFFC000  }
0x92: {  	_ =	swait.ge [sflag:s7], $0x80  }
0x93: {  	[sflag:s7] =	ssyncset.done $0x0  }
0x94: {  	[sflag:s7] =	ssyncadd.s32 $0xFFFFFF80  }
0x95: {  	s11 =	sshrl.u32 s13, $0x3;
	[bflag:$0x0] =	sbarrier.arrive $0xFFFF  }
0x96: {  	[hbm:s18], [sflag:s24] =	dma.local [spmem:s11], $0x2800  }
0x97: {  	s8 =	sadd.s32 $0x1, s8;
	_ =	swait.ge [sflag:s22], $0x2800  }
0x98: {  	s15 =	simm.s32 $0x20;
	p0 =	sne.s32 s8, s20;
	[sflag:s22] =	ssyncset.done $0x0  }
.Ltmp2:
0x99: {  	s12 =	simm.s32 $0x10;
	[sflag:s22] =	ssyncadd.s32 $0xFFFFD800;
	(pc) =	sbr.rel @p0 .LBB2_1-.Ltmp2, $4  }
0x9a: {  	[hbm:s19@s15], [sflag:s24] =	dma.strided [spmem:s25@s12], $0x50, s30, $0x10   }
0x9b: {  	_ =	swait.ge [sflag:s22], $0x50  }
0x9c: {  	[sflag:s22] =	ssyncset.done $0x0  }
0x9d: {  	[sflag:s22] =	ssyncadd.s32 $0xFFFFFFB0  }
0x9e: {  	_ =	sfence.sel $0x180000  }
0x9f: {  	[bflag:$0x0] =	sbarrier.arrive $0xFFFF  }
0xa0: {  	_ =	strace $0x90000047  }
0xa1: {  	s0 =	stileid.u32;
	[bflag:$0x2] =	sbarrier.arrive $0xFFFF  }
0xa2: {  	p0 =	sne.s32 s0, $0x0;
	s0 =	rddreg [dreg:$0x4]  }
0xa3: {  	s0 =	sadd.s32 @!p0 $0x100000, s0  }
0xa4: {  	[sflag:s0] =	ssyncadd.tile.s32 @!p0 $0x1;
	_ =	shalt  }
.Lfunc_end2:
_tile_overlayer_lowered:
.L_overlay_start_2:
0xa5: {  	(tag) =	ssettag $0x2  }
0xa6: {  	s0 =	rddreg [dreg:$0x0];
	s2 =	stileid.u32  }
0xa7: {  	s1 =	rddreg [dreg:$0x1];
	p0 =	sne.s32 s2, $0x0  }
0xa8: {  	s3 =	rddreg [dreg:$0x2];
	[bflag:$0x3] =	sbarrier.arrive $0xFFFF;
	s2 =	simm.s32 @!p0 $0x1C07  }
0xa9: {  	[timem:s3], [sflag:s2] =	dma.local @!p0 [hbm:s0], s1  }
0xaa: {  	s0 =	simm.s32 @!p0 $0x7  }
0xab: {  	_ =	swait.ge @!p0 [sflag:s0], s1  }
0xac: {  	s1 =	ssub.s32 @!p0 $0x0, s1;
	[sflag:s0] =	ssyncset.done @!p0 $0x0  }
0xad: {  	[sflag:s0] =	ssyncadd.s32 @!p0 s1  }
0xae: {  	[bflag:$0x3] =	sbarrier.arrive $0xFFFF  }
0xaf: {  	_ =	shalt  }

// kernel: kernel.15.cloned.1.call-start
scs
__scs_entry_jumppad:
0x0: {  	(pc) =	sbr.rel $0x88, $3  }
0x1: {  	(tag) =	ssettag $0x0;
	lr =	simm.s32 $0x1  }
0x2: {  	[smem:$0x3F96] =	sst lr;
	_ =	strace $0xD0000000  }
0x3: {  	_ = 	snop  }
0x4: {  	_ = 	snop  }
0x5: {  	_ = 	snop  }
0x6: {  	_ = 	snop  }
0x7: {  	_ = 	snop  }
__scs_overlays_trampoline_lowered:
0x8: {  	[smem:$0x3FA5] =	sst s0  }
0x9: {  	[smem:$0x3FA6] =	sst s1  }
0xa: {  	[smem:$0x3FA7] =	sst s2  }
0xb: {  	[smem:$0x3FA8] =	sst s3  }
0xc: {  	[smem:$0x3FA9] =	sst s4  }
0xd: {  	[smem:$0x3FAA] =	sst s5  }
0xe: {  	[smem:$0x3FAB] =	sst s6  }
0xf: {  	[smem:$0x3FAC] =	sst s7  }
0x10: {  	[smem:$0x3FAD] =	sst s8  }
0x11: {  	[smem:$0x3FAE] =	sst s9;
	s0 =	simm.s32 @!p0 $0x0  }
0x12: {  	s1 =	sld [smem:$0x3F94];
	s0 =	simm.s32 @p0 $0x1  }
0x13: {  	[smem:$0x3FAF] =	sst s0;
	s0 =	simm.s32 @!p1 $0x0  }
0x14: {  	s2 =	sld [smem:$0x3F93];
	s0 =	simm.s32 @p1 $0x1  }
0x15: {  	[smem:$0x3FB0] =	sst s0;
	s0 =	simm.s32 @!p2 $0x0  }
0x16: {  	s3 =	sld [smem:$0x3FDB];
	s0 =	simm.s32 @p2 $0x1  }
0x17: {  	s4 =	simm.s32 $0x1BF5;
	[smem:$0x3FB2] =	sst s0  }
0x18: {  	s0 =	sld [smem:$0x3F95];
	_ =	swait.ge [sflag:s4], $0x0  }
0x19: {  	s7 =	sld [smem:$0x3F96]  }
0x1a: {  	s8 =	sadd.s32 $0xFFFFE003, lr  }
0x1b: {  	s9 =	sadd.s32 $0xFFFFFEF7, lr;
	s5 =	simm.s32 $0xFFFFFFFF;
	p2 =	slt.u32 s8, $0xFFFFF086  }
0x1c: {  	p1 =	slt.u32 s9, $0xF7A;
	s5 =	simm.s32 @!p2 $0x0  }
0x1d: {  	s5 =	simm.s32 @p1 $0x1;
	p0 =	seq.s32 s7, s2  }
0x1e: {  	s7 =	smul.u32 @!p0 $0xF7A, s2;
	p2 =	seq.s32 @!p0 s5, $0x0  }
0x1f: {  	s9 =	smul.u32 $0xF7A, s1;
	s8 =	simm.s32 @!p0 $0x1BF5;
	p2 =	por !p2, p0  }
0x20: {  	[sflag:s8] =	ssyncset.s32 @!p0 $0xFFFFF086;
	s6 =	sadd.s32 @!p0 s3, s7;
	s7 =	simm.s32 @!p0 $0x108  }
0x21: {  	s3 =	sadd.s32 s3, s9;
	s6 =	sadd.s32 @!p0 $0x88, s6;
	s7 =	simm.s32 @p2 $0x1082  }
0x22: {  	[simem:s7], [sflag:s8] =	dma.local @!p0 [hbm:s6], $0xF7A  }
0x23: {  	s9 =	sor.u32 $0xD0000000, s2;
	s6 =	simm.s32 $0x108;
	_ =	swait.ge @!p0 [sflag:s8], $0x0  }
0x24: {  	s3 =	sadd.s32 $0x88, s3;
	s6 =	simm.s32 @!p1 $0x1082;
	[sflag:s4] =	ssyncset.s32 $0xFFFFF086  }
0x25: {  	[simem:s6], [sflag:s4] =	dma.local [hbm:s3], $0xF7A  }
0x26: {  	[smem:$0x3F96] =	sst s1;
	(tag) =	ssettag s2;
	_ =	strace s9  }
0x27: {  	s1 =	sld [smem:$0x3FA6]  }
0x28: {  	s2 =	sld [smem:$0x3FA7]  }
0x29: {  	s4 =	sld [smem:$0x3FA9]  }
0x2a: {  	p0 =	seq.s32 s5, $0x0;
	s5 =	sld [smem:$0x3FAA]  }
0x2b: {  	s6 =	sld [smem:$0x3FAB]  }
0x2c: {  	s7 =	sld [smem:$0x3FAC]  }
0x2d: {  	s3 =	simm.s32 $0x108;
	s8 =	sld [smem:$0x3FAD]  }
0x2e: {  	s3 =	simm.s32 @!p0 $0x1082;
	s9 =	sld [smem:$0x3FAE]  }
0x2f: {  	lr =	sadd.s32 s0, s3;
	s0 =	sld [smem:$0x3FA5]  }
0x30: {  	s3 =	sld [smem:$0x3FA8]  }
0x31: {  	[smem:$0x3FB1] =	sst s10  }
0x32: {  	s10 =	sld [smem:$0x3FAF];
	_ =	sdelay $0x3  }
0x33: {  	p0 =	seq.s32 s10, $0x1;
	s10 =	sld [smem:$0x3FB1];
	_ =	sdelay $0x3  }
0x34: {  	[smem:$0x3FB1] =	sst s10  }
0x35: {  	s10 =	sld [smem:$0x3FB0];
	_ =	sdelay $0x3  }
0x36: {  	p1 =	seq.s32 s10, $0x1;
	s10 =	sld [smem:$0x3FB1];
	_ =	sdelay $0x3  }
0x37: {  	[smem:$0x3FB1] =	sst s10  }
0x38: {  	s10 =	sld [smem:$0x3FB2]  }
0x39: {  	_ = 	snop;
	(pc) =	sbr.ind lr, $3  }
0x3a: {  	_ = 	snop  }
0x3b: {  	_ = 	snop  }
0x3c: {  	p2 =	seq.s32 s10, $0x1;
	s10 =	sld [smem:$0x3FB1]  }
0x3d: {  	_ =	shalt  }
0x3e: {  	_ =	shalt  }
0x3f: {  	_ =	shalt  }
0x40: {  	_ =	shalt  }
0x41: {  	_ =	shalt  }
0x42: {  	_ =	shalt  }
0x43: {  	_ =	shalt  }
0x44: {  	_ =	shalt  }
0x45: {  	_ =	shalt  }
0x46: {  	_ =	shalt  }
0x47: {  	_ =	shalt  }
0x48: {  	_ =	shalt  }
0x49: {  	_ =	shalt  }
0x4a: {  	_ =	shalt  }
0x4b: {  	_ =	shalt  }
0x4c: {  	_ =	shalt  }
0x4d: {  	_ =	shalt  }
0x4e: {  	_ =	shalt  }
0x4f: {  	_ =	shalt  }
0x50: {  	_ =	shalt  }
0x51: {  	_ =	shalt  }
0x52: {  	_ =	shalt  }
0x53: {  	_ =	shalt  }
0x54: {  	_ =	shalt  }
0x55: {  	_ =	shalt  }
0x56: {  	_ =	shalt  }
0x57: {  	_ =	shalt  }
0x58: {  	_ =	shalt  }
0x59: {  	_ =	shalt  }
0x5a: {  	_ =	shalt  }
0x5b: {  	_ =	shalt  }
0x5c: {  	_ =	shalt  }
0x5d: {  	_ =	shalt  }
0x5e: {  	_ =	shalt  }
0x5f: {  	_ =	shalt  }
0x60: {  	_ =	shalt  }
0x61: {  	_ =	shalt  }
0x62: {  	_ =	shalt  }
0x63: {  	_ =	shalt  }
0x64: {  	_ =	shalt  }
0x65: {  	_ =	shalt  }
0x66: {  	_ =	shalt  }
0x67: {  	_ =	shalt  }
0x68: {  	_ =	shalt  }
0x69: {  	_ =	shalt  }
0x6a: {  	_ =	shalt  }
0x6b: {  	_ =	shalt  }
0x6c: {  	_ =	shalt  }
0x6d: {  	_ =	shalt  }
0x6e: {  	_ =	shalt  }
0x6f: {  	_ =	shalt  }
0x70: {  	_ =	shalt  }
0x71: {  	_ =	shalt  }
0x72: {  	_ =	shalt  }
0x73: {  	_ =	shalt  }
0x74: {  	_ =	shalt  }
0x75: {  	_ =	shalt  }
0x76: {  	_ =	shalt  }
0x77: {  	_ =	shalt  }
0x78: {  	_ =	shalt  }
0x79: {  	_ =	shalt  }
0x7a: {  	_ =	shalt  }
0x7b: {  	_ =	shalt  }
0x7c: {  	_ =	shalt  }
0x7d: {  	_ =	shalt  }
0x7e: {  	_ =	shalt  }
0x7f: {  	_ =	shalt  }
0x80: {  	_ =	shalt  }
0x81: {  	_ =	shalt  }
0x82: {  	_ =	shalt  }
0x83: {  	_ =	shalt  }
0x84: {  	_ =	shalt  }
0x85: {  	_ =	shalt  }
0x86: {  	_ =	shalt  }
0x87: {  	_ =	shalt  }
.Lfunc_end0:
.L_simem_size_0:
called_computation.1_lowered:
.L_overlay_start_0:
0x88: {  	s2 =	sld [smem:$0x3FD9]  }
0x89: {  	s3 =	sld [smem:$0x3FFE];
	_ =	sdelay $0x1  }
0x8a: {  	s1 =	srdreg.scid  }
0x8b: {  	s0 =	sand.u32 $0x1, s1  }
0x8c: {  	s17 =	sshll.u32 s0, $0xA;
	s2 =	sadd.s32 s3, s2  }
0x8d: {  	s2 =	sadd.s32 s2, s17  }
0x8e: {  	[smem:$0x3FBD] =	sst s2  }
0x8f: {  	_ = 	snop  }
0x90: {  	s2 =	sld [smem:$0x3FD0];
	(tm) =	ssettm $0x1  }
0x91: {  	s18 =	sld [smem:$0x3FFB];
	_ =	sdelay $0x3  }
0x92: {  	_ =	strace s18  }
0x93: {  	s3 =	sld [smem:$0x3FFC];
	_ =	sdelay $0x3  }
0x94: {  	_ =	strace s3  }
0x95: {  	s3 =	sld [smem:$0x3FFD];
	_ =	sdelay $0x3  }
0x96: {  	_ =	strace s3  }
0x97: {  	_ =	strace $0x8FFFFFFF  }
0x98: {  	s19 =	sld [smem:$0x3FDB];
	_ =	sdelay $0x1  }
0x99: {  	s4 =	simm.s32 $_scs_section_size  }
0x9a: {  	s5 =	simm.s32 $_size__tile_overlayer_lowered;
	s6 =	simm.s32 $_tile_overlayer_lowered  }
0x9b: {  	s22 =	simm.s32 $0x1BFF;
	s21 =	sshll.u32 s6, $0x1;
	s3 =	sadd.s32 s4, s19  }
0x9c: {  	s7 =	simm.s32 $0x0;
	s20 =	sshll.u32 s5, $0x1;
	s5 =	sadd.s32 s21, s3  }
0x9d: {  	[timem:s7], [sflag:s22] =	dma.local [hbm:s5], s20  }
0x9e: {  	_ =	swait.ge [sflag:s22], s20  }
0x9f: {  	s4 =	ssub.s32 $0x0, s20;
	[sflag:s22] =	ssyncset.done $0x0  }
0xa0: {  	[sflag:s22] =	ssyncadd.s32 s4;
	_ =	sdelay $0x1  }
0xa1: {  	s23 =	simm.s32 $0x1B8B  }
0xa2: {  	_ =	swait.ge [sflag:s23], $0x1  }
0xa3: {  	[sflag:s23] =	ssyncset.done $0x0  }
0xa4: {  	s25 =	simm.s32 $0x1B8E;
	s24 =	sld [smem:$0x3FFE];
	[sflag:s23] =	ssyncadd.s32 $0xFFFFFFFF  }
0xa5: {  	s26 =	simm.s32 $execute0_lowered;
	[smem:$0x3FD2] =	sst s25  }
0xa6: {  	s5 =	sshll.u32 s26, $0x1;
	_ =	strace $0x80000049;
	[dreg:$0x1] =	wrdreg $0xFFFFFFFF  }
0xa7: {  	s28 =	simm.s32 $_size_execute0_lowered;
	s3 =	sadd.s32 s3, s5;
	[dreg:$0x0] =	wrdreg $0x0  }
0xa8: {  	s5 =	sshll.u32 s28, $0x1;
	[dreg:$0x2] =	wrdreg s3  }
0xa9: {  	[dreg:$0x3] =	wrdreg s5  }
0xaa: {  	[dreg:$0x4] =	wrdreg $0xC0  }
0xab: {  	_ =	task [dreg:s7], $0x5FFFF  }
0xac: {  	[dreg:$0x1] =	wrdreg $0xFFFFFFFF  }
0xad: {  	[dreg:$0x0] =	wrdreg $0x60  }
0xae: {  	[dreg:$0x2] =	wrdreg s24  }
0xaf: {  	[dreg:$0x3] =	wrdreg s2  }
0xb0: {  	[dreg:$0x4] =	wrdreg $0xA8000  }
0xb1: {  	[dreg:$0x5] =	wrdreg $0x9  }
0xb2: {  	_ =	task.clear_ibuf [dreg:s7], $0x6FFFF;
	_ =	strace $0x90000049  }
0xb3: {  	s29 =	simm.s32 $0x9;
	_ =	strace $0x8000004B  }
0xb4: {  	_ =	swait.ge [sflag:s29], $0x1  }
0xb5: {  	[sflag:s29] =	ssyncadd.s32 $0xFFFFFFFF  }
0xb6: {  	_ =	strace $0x9000004B  }
0xb7: {  	_ =	sfence  }
0xb8: {  	s30 =	sld [smem:$0x0];
	_ =	sdelay $0x2  }
0xb9: {  	s31 =	sshll.u32 s1, $0xD;
	s1 =	sshrl.u32 s1, $0x2  }
0xba: {  	s3 =	sand.u32 $0x4000, s31;
	s1 =	sadd.s32 s1, s30  }
0xbb: {  	s0 =	sor.u32 s3, s0;
	s1 =	sshll.u32 s1, $0x11  }
0xbc: {  	s0 =	sor.u32 s1, s0  }
0xbd: {  	s0 =	sadd.s32 $0x8F2B, s0  }
0xbe: {  	[sflag:s0] =	ssyncadd.remote.s32 $0x1  }
0xbf: {  	_ =	sfence.sel $0xFFFF  }
0xc0: {  	[dreg:$0x0] =	wrdreg $0xFFFFFFFF;
	(pc) =	sbr.abs _section_cstart, $3  }
0xc1: {  	[dreg:$0x1] =	wrdreg $0xFFFFFFFF  }
0xc2: {  	_ =	task.clear_ibuf [dreg:s7], $0x2FFFF;
	_ =	strace $0x9FFFFFFF  }
0xc3: {  	(tm) =	ssettm $0x7FFFFFFF  }
tec
execute0_lowered:
.L_overlay_start_1:
0x0: {  	(tag) =	ssettag $0x1  }
0x1: {  	s6 =	rddreg [dreg:$0x0]  }
0x2: {  	s8 =	rddreg [dreg:$0x1]  }
0x3: {  	s1 =	rddreg [dreg:$0x2]  }
0x4: {  	s0 =	rddreg [dreg:$0x3]  }
0x5: {  	s3 =	simm.s32 $0x0;
	s2 =	srdreg.scid;
	s17 =	simm.s32 $0x2800  }
0x6: {  	s18 =	simm.s32 $0x5;
	s19 =	simm.s32 $0x1400;
	s20 =	simm.s32 $0x80  }
0x7: {  	s21 =	simm.s32 $0x6800;
	s22 =	simm.s32 $0x1;
	s23 =	simm.s32 $0x2  }
0x8: {  	s24 =	simm.s32 $0x1480;
	s25 =	simm.s32 $0x3;
	s26 =	simm.s32 $0x0  }
0x9: {  	[smem:$0x7FF] =	sst s3;
	s7 =	sand.u32 $0x1, s2;
	s2 =	stileid.u32  }
0xa: {  	s4 =	sadd.s32 $0x3E00, s6;
	s5 =	sadd.s32 $0x2B400, s6;
	s9 =	smul.u32 $0x140000, s7  }
0xb: {  	_ =	strace $0x8000004A;
	s10 =	smul.u32 $0x14000, s2;
	s11 =	sshll.u32 s2, $0x1  }
0xc: {  	s13 =	smul.u32 $0x50000, s2;
	s11 =	sor.u32 s7, s11;
	s7 =	ssub.s32 $0x2, s7  }
0xd: {  	s9 =	sadd.s32 s10, s9;
	s29 =	smul.u32 $0x1400, s11;
	s12 =	sshrl.u32 s7, $0x1  }
0xe: {  	p0 =	seq.s32 s11, $0x1F;
	s31 =	sshrl.u32 s13, $0x2;
	s9 =	sshrl.u32 s9, $0x3  }
0xf: {  	s16 =	ssub.s32 s7, s12;
	s7 =	simm.s32 $0x4;
	s15 =	sadd.s32 s9, s6  }
0x10: {  	s6 =	simm.s32 $0x4;
	s30 =	sshrl.u32 s29, $0x3;
	s9 =	sadd.s32 s31, s1  }
0x11: {  	s7 =	simm.s32 @!p0 $0x13;
	s16 =	smax.u32 s16, $0x1;
	s8 =	sadd.s32 s8, s30  }
0x12: {  	s11 =	sadd.s32 $0x4000, s9;
	s12 =	sadd.s32 $0x8000, s9;
	s13 =	sadd.s32 $0xC000, s9  }
0x13: {  	s14 =	sadd.s32 $0x10000, s9;
	s15 =	sadd.s32 $0x2BC00, s15;
	s10 =	sadd.s32 $0x5000, s8  }
.LBB2_1:
0x14: {  	[tilespmem:s17], [sflag:$0x5] =	stream.linear.gather [hbm4b:s5+s3], $0x4000, $0x38;
	[tilespmem:$0x1E800] =	vst v63  }
0x15: {  	_ =	swait.ge [sflag:s18], $0x4000  }
0x16: {  	[sflag:s18] =	ssyncset.done $0x0  }
0x17: {  	[sflag:s18] =	ssyncadd.s32 $0xFFFFC000  }
0x18: {  	[tilespmem:s3], [sflag:$0x5] =	stream.linear.gather [hbm4b:s8+s3], $0x1400, $0x38;
	[tilespmem:$0x1E800] =	vst v63  }
0x19: {  	_ =	swait.ge [sflag:s18], $0x1400  }
0x1a: {  	[sflag:s18] =	ssyncset.done $0x0  }
0x1b: {  	[sflag:s18] =	ssyncadd.s32 $0xFFFFEC00  }
0x1c: {  	[tilespmem:s19], [sflag:$0x5] =	stream.linear.gather [hbm4b:s10+s3], $0x1400, $0x38;
	[tilespmem:$0x1E800] =	vst v63  }
0x1d: {  	_ =	swait.ge [sflag:s18], $0x1400  }
0x1e: {  	[sflag:s18] =	ssyncset.done $0x0  }
0x1f: {  	[sflag:s18] =	ssyncadd.s32 $0xFFFFEC00  }
0x20: {  	[spmem:s9] =	stream.linear.scatter [tilespmem:s17], [sflag:$0x5], $0x4000, $0x38;
	[tilespmem:$0x1E800] =	vst v63  }
0x21: {  	_ =	swait.ge [sflag:s18], $0x4000  }
0x22: {  	[sflag:s18] =	ssyncset.done $0x0  }
0x23: {  	[sflag:s18] =	ssyncadd.s32 $0xFFFFC000  }
0x24: {  	[spmem:s11] =	stream.linear.scatter [tilespmem:s17], [sflag:$0x5], $0x4000, $0x38;
	[tilespmem:$0x1E800] =	vst v63  }
0x25: {  	_ =	swait.ge [sflag:s18], $0x4000  }
0x26: {  	[sflag:s18] =	ssyncset.done $0x0  }
0x27: {  	[sflag:s18] =	ssyncadd.s32 $0xFFFFC000  }
0x28: {  	[spmem:s12] =	stream.linear.scatter [tilespmem:s17], [sflag:$0x5], $0x4000, $0x38;
	[tilespmem:$0x1E800] =	vst v63  }
0x29: {  	_ =	swait.ge [sflag:s18], $0x4000  }
0x2a: {  	[sflag:s18] =	ssyncset.done $0x0  }
0x2b: {  	[sflag:s18] =	ssyncadd.s32 $0xFFFFC000  }
0x2c: {  	[spmem:s13] =	stream.linear.scatter [tilespmem:s17], [sflag:$0x5], $0x4000, $0x38;
	[tilespmem:$0x1E800] =	vst v63  }
0x2d: {  	_ =	swait.ge [sflag:s18], $0x4000  }
0x2e: {  	[sflag:s18] =	ssyncset.done $0x0  }
0x2f: {  	[sflag:s18] =	ssyncadd.s32 $0xFFFFC000  }
0x30: {  	[spmem:s14] =	stream.linear.scatter [tilespmem:s17], [sflag:$0x5], $0x4000, $0x38;
	[tilespmem:$0x1E800] =	vst v63  }
0x31: {  	_ =	swait.ge [sflag:s18], $0x4000  }
0x32: {  	[sflag:s18] =	ssyncset.done $0x0  }
0x33: {  	[sflag:s18] =	ssyncadd.s32 $0xFFFFC000  }
0x34: {  	[bflag:$0x0] =	sbarrier.arrive $0xFFFF  }
0x35: {  	[tilespmem:s17], [sflag:$0x1] =	stream.indirect.gather [hbm4b:s4+s20], $0x80, s3, s20, $0xb8;
	[tilespmem:$0x1E800] =	vst v63  }
0x36: {  	_ = 	snop  }
0x37: {  	[tilespmem:s21], [sflag:$0x2] =	stream.indirect.gather [hbm4b:s4+s20], $0x80, s20, s20, $0xb8;
	[tilespmem:$0x1E800] =	vst v63  }
0x38: {  	_ =	swait.ge [sflag:s22], $0x4000  }
0x39: {  	[sflag:s22] =	ssyncset.done $0x0  }
0x3a: {  	[sflag:s22] =	ssyncadd.s32 $0xFFFFC000  }
0x3b: {  	[spmem:s1] =	stream.indirect.scatter.add.f32 [tilespmem:s17], [sflag:$0x3], $0x80, s19, s20, $0xb8;
	[tilespmem:$0x1E800] =	vst v63  }
0x3c: {  	_ =	swait.ge [sflag:s23], $0x4000  }
0x3d: {  	[sflag:s23] =	ssyncset.done $0x0  }
0x3e: {  	[sflag:s23] =	ssyncadd.s32 $0xFFFFC000  }
0x3f: {  	[spmem:s1] =	stream.indirect.scatter.add.f32 [tilespmem:s21], [sflag:$0x4], $0x80, s24, s20, $0xb8;
	[tilespmem:$0x1E800] =	vst v63  }
0x40: {  	_ =	swait.ge [sflag:s25], $0x4000  }
0x41: {  	[sflag:s25] =	ssyncset.done $0x0  }
0x42: {  	s28 =	simm.s32 $0x100;
	[sflag:s25] =	ssyncadd.s32 $0xFFFFC000  }
0x43: {  	[tilespmem:s17], [sflag:$0x1] =	stream.indirect.gather [hbm4b:s4+s20], $0x80, s28, s20, $0xb8;
	[tilespmem:$0x1E800] =	vst v63  }
0x44: {  	_ =	swait.ge [sflag:s6], $0x4000  }
0x45: {  	[sflag:s6] =	ssyncset.done $0x0  }
0x46: {  	s28 =	simm.s32 $0x180;
	[sflag:s6] =	ssyncadd.s32 $0xFFFFC000  }
0x47: {  	[tilespmem:s21], [sflag:$0x2] =	stream.indirect.gather [hbm4b:s4+s20], $0x80, s28, s20, $0xb8;
	[tilespmem:$0x1E800] =	vst v63  }
0x48: {  	_ =	swait.ge [sflag:s22], $0x4000  }
0x49: {  	p0 =	sne.s32 s7, $0x1;
	[sflag:s22] =	ssyncset.done $0x0  }
.Ltmp0:
0x4a: {  	s28 =	simm.s32 $0x1500;
	[sflag:s22] =	ssyncadd.s32 $0xFFFFC000;
	(pc) =	sbr.rel @!p0 .LBB2_3-.Ltmp0, $4  }
0x4b: {  	[spmem:s1] =	stream.indirect.scatter.add.f32 [tilespmem:s17], [sflag:$0x3], $0x80, s28, s20, $0xb8;
	[tilespmem:$0x1E800] =	vst v63  }
0x4c: {  	_ =	swait.ge [sflag:s23], $0x4000  }
0x4d: {  	s29 =	simm.s32 $0x280;
	s31 =	simm.s32 $0x1580;
	[sflag:s23] =	ssyncset.done $0x0  }
0x4e: {  	s30 =	simm.s32 $0x1600;
	s28 =	sadd.s32 $0xFFFFFFFF, s7;
	[sflag:s23] =	ssyncadd.s32 $0xFFFFC000  }
.LBB2_2:
0x4f: {  	[spmem:s1] =	stream.indirect.scatter.add.f32 [tilespmem:s21], [sflag:$0x4], $0x80, s31, s20, $0xb8;
	[tilespmem:$0x1E800] =	vst v63  }
0x50: {  	p0 =	sne.s32 s28, $0x1;
	s28 =	sadd.s32 $0xFFFFFFFF, s28;
	_ =	swait.ge [sflag:s25], $0x4000  }
0x51: {  	[sflag:s25] =	ssyncset.done $0x0  }
0x52: {  	s31 =	sadd.s32 $0xFFFFFF80, s29;
	[sflag:s25] =	ssyncadd.s32 $0xFFFFC000  }
0x53: {  	[tilespmem:s17], [sflag:$0x1] =	stream.indirect.gather [hbm4b:s4+s20], $0x80, s31, s20, $0xb8;
	[tilespmem:$0x1E800] =	vst v63  }
0x54: {  	_ =	swait.ge [sflag:s6], $0x4000  }
0x55: {  	[sflag:s6] =	ssyncset.done $0x0  }
0x56: {  	[sflag:s6] =	ssyncadd.s32 $0xFFFFC000  }
0x57: {  	[tilespmem:s21], [sflag:$0x2] =	stream.indirect.gather [hbm4b:s4+s20], $0x80, s29, s20, $0xb8;
	[tilespmem:$0x1E800] =	vst v63  }
0x58: {  	_ =	swait.ge [sflag:s22], $0x4000  }
0x59: {  	[sflag:s22] =	ssyncset.done $0x0  }
.Ltmp1:
0x5a: {  	[sflag:s22] =	ssyncadd.s32 $0xFFFFC000;
	(pc) =	sbr.rel @p0 .LBB2_2-.Ltmp1, $4  }
0x5b: {  	[spmem:s1] =	stream.indirect.scatter.add.f32 [tilespmem:s17], [sflag:$0x3], $0x80, s30, s20, $0xb8;
	[tilespmem:$0x1E800] =	vst v63  }
0x5c: {  	_ =	swait.ge [sflag:s23], $0x4000  }
0x5d: {  	s29 =	sadd.s32 $0x100, s29;
	[sflag:s23] =	ssyncset.done $0x0  }
0x5e: {  	s31 =	sadd.s32 $0x80, s30;
	s30 =	sadd.s32 $0x100, s30;
	[sflag:s23] =	ssyncadd.s32 $0xFFFFC000  }
.LBB2_3:
0x5f: {  	[spmem:s1] =	stream.indirect.scatter.add.f32 [tilespmem:s21], [sflag:$0x4], $0x80, s31, s20, $0xb8;
	[tilespmem:$0x1E800] =	vst v63  }
0x60: {  	_ =	swait.ge [sflag:s25], $0x4000  }
0x61: {  	[sflag:s25] =	ssyncset.done $0x0  }
0x62: {  	[sflag:s25] =	ssyncadd.s32 $0xFFFFC000  }
0x63: {  	_ =	swait.ge [sflag:s6], $0x4000  }
0x64: {  	s28 =	sshll.u32 s2, $0x6;
	s26 =	sadd.s32 $0x1, s26;
	[sflag:s6] =	ssyncset.done $0x0  }
0x65: {  	s29 =	sshrl.u32 s9, $0x3;
	p0 =	sne.s32 s26, s16;
	[sflag:s6] =	ssyncadd.s32 $0xFFFFC000  }
.Ltmp2:
0x66: {  	s28 =	sor.u32 $0x1C05, s28;
	[bflag:$0x0] =	sbarrier.arrive $0xFFFF;
	(pc) =	sbr.rel @p0 .LBB2_1-.Ltmp2, $4  }
0x67: {  	[hbm:s15], [sflag:s28] =	dma.local [spmem:s29], $0x2800  }
0x68: {  	_ =	swait.ge [sflag:s18], $0x2800  }
0x69: {  	[sflag:s18] =	ssyncset.done $0x0  }
0x6a: {  	[sflag:s18] =	ssyncadd.s32 $0xFFFFD800  }
0x6b: {  	_ =	sfence.sel $0x180000  }
0x6c: {  	[bflag:$0x0] =	sbarrier.arrive $0xFFFF  }
0x6d: {  	p0 =	sne.s32 s2, $0x0;
	_ =	strace $0x9000004A  }
0x6e: {  	s0 =	sadd.s32 @!p0 $0x100000, s0;
	[bflag:$0x2] =	sbarrier.arrive $0xFFFF  }
0x6f: {  	[sflag:s0] =	ssyncadd.tile.s32 @!p0 $0x1;
	_ =	shalt  }
.Lfunc_end2:
_tile_overlayer_lowered:
.L_overlay_start_2:
0x70: {  	(tag) =	ssettag $0x2  }
0x71: {  	s0 =	rddreg [dreg:$0x0];
	s2 =	stileid.u32  }
0x72: {  	s1 =	rddreg [dreg:$0x1];
	p0 =	sne.s32 s2, $0x0  }
0x73: {  	s3 =	rddreg [dreg:$0x2];
	[bflag:$0x3] =	sbarrier.arrive $0xFFFF;
	s2 =	simm.s32 @!p0 $0x1C05  }
0x74: {  	[timem:s3], [sflag:s2] =	dma.local @!p0 [hbm:s0], s1  }
0x75: {  	s0 =	simm.s32 @!p0 $0x5  }
0x76: {  	_ =	swait.ge @!p0 [sflag:s0], s1  }
0x77: {  	s1 =	ssub.s32 @!p0 $0x0, s1;
	[sflag:s0] =	ssyncset.done @!p0 $0x0  }
0x78: {  	[sflag:s0] =	ssyncadd.s32 @!p0 s1  }
0x79: {  	[bflag:$0x3] =	sbarrier.arrive $0xFFFF  }
0x7a: {  	_ =	shalt  }

// kernel: kernel.18.cloned.1.call-start
scs
__scs_entry_jumppad:
0x0: {  	(pc) =	sbr.rel $0x88, $3  }
0x1: {  	(tag) =	ssettag $0x0;
	lr =	simm.s32 $0x1  }
0x2: {  	[smem:$0x3F96] =	sst lr;
	_ =	strace $0xD0000000  }
0x3: {  	_ = 	snop  }
0x4: {  	_ = 	snop  }
0x5: {  	_ = 	snop  }
0x6: {  	_ = 	snop  }
0x7: {  	_ = 	snop  }
__scs_overlays_trampoline_lowered:
0x8: {  	[smem:$0x3FA5] =	sst s0  }
0x9: {  	[smem:$0x3FA6] =	sst s1  }
0xa: {  	[smem:$0x3FA7] =	sst s2  }
0xb: {  	[smem:$0x3FA8] =	sst s3  }
0xc: {  	[smem:$0x3FA9] =	sst s4  }
0xd: {  	[smem:$0x3FAA] =	sst s5  }
0xe: {  	[smem:$0x3FAB] =	sst s6  }
0xf: {  	[smem:$0x3FAC] =	sst s7  }
0x10: {  	[smem:$0x3FAD] =	sst s8  }
0x11: {  	[smem:$0x3FAE] =	sst s9;
	s0 =	simm.s32 @!p0 $0x0  }
0x12: {  	s1 =	sld [smem:$0x3F94];
	s0 =	simm.s32 @p0 $0x1  }
0x13: {  	[smem:$0x3FAF] =	sst s0;
	s0 =	simm.s32 @!p1 $0x0  }
0x14: {  	s2 =	sld [smem:$0x3F93];
	s0 =	simm.s32 @p1 $0x1  }
0x15: {  	[smem:$0x3FB0] =	sst s0;
	s0 =	simm.s32 @!p2 $0x0  }
0x16: {  	s3 =	sld [smem:$0x3FDB];
	s0 =	simm.s32 @p2 $0x1  }
0x17: {  	s4 =	simm.s32 $0x1BF5;
	[smem:$0x3FB2] =	sst s0  }
0x18: {  	s0 =	sld [smem:$0x3F95];
	_ =	swait.ge [sflag:s4], $0x0  }
0x19: {  	s7 =	sld [smem:$0x3F96]  }
0x1a: {  	s8 =	sadd.s32 $0xFFFFE003, lr  }
0x1b: {  	s9 =	sadd.s32 $0xFFFFFEF7, lr;
	s5 =	simm.s32 $0xFFFFFFFF;
	p2 =	slt.u32 s8, $0xFFFFF086  }
0x1c: {  	p1 =	slt.u32 s9, $0xF7A;
	s5 =	simm.s32 @!p2 $0x0  }
0x1d: {  	s5 =	simm.s32 @p1 $0x1;
	p0 =	seq.s32 s7, s2  }
0x1e: {  	s7 =	smul.u32 @!p0 $0xF7A, s2;
	p2 =	seq.s32 @!p0 s5, $0x0  }
0x1f: {  	s9 =	smul.u32 $0xF7A, s1;
	s8 =	simm.s32 @!p0 $0x1BF5;
	p2 =	por !p2, p0  }
0x20: {  	[sflag:s8] =	ssyncset.s32 @!p0 $0xFFFFF086;
	s6 =	sadd.s32 @!p0 s3, s7;
	s7 =	simm.s32 @!p0 $0x108  }
0x21: {  	s3 =	sadd.s32 s3, s9;
	s6 =	sadd.s32 @!p0 $0x88, s6;
	s7 =	simm.s32 @p2 $0x1082  }
0x22: {  	[simem:s7], [sflag:s8] =	dma.local @!p0 [hbm:s6], $0xF7A  }
0x23: {  	s9 =	sor.u32 $0xD0000000, s2;
	s6 =	simm.s32 $0x108;
	_ =	swait.ge @!p0 [sflag:s8], $0x0  }
0x24: {  	s3 =	sadd.s32 $0x88, s3;
	s6 =	simm.s32 @!p1 $0x1082;
	[sflag:s4] =	ssyncset.s32 $0xFFFFF086  }
0x25: {  	[simem:s6], [sflag:s4] =	dma.local [hbm:s3], $0xF7A  }
0x26: {  	[smem:$0x3F96] =	sst s1;
	(tag) =	ssettag s2;
	_ =	strace s9  }
0x27: {  	s1 =	sld [smem:$0x3FA6]  }
0x28: {  	s2 =	sld [smem:$0x3FA7]  }
0x29: {  	s4 =	sld [smem:$0x3FA9]  }
0x2a: {  	p0 =	seq.s32 s5, $0x0;
	s5 =	sld [smem:$0x3FAA]  }
0x2b: {  	s6 =	sld [smem:$0x3FAB]  }
0x2c: {  	s7 =	sld [smem:$0x3FAC]  }
0x2d: {  	s3 =	simm.s32 $0x108;
	s8 =	sld [smem:$0x3FAD]  }
0x2e: {  	s3 =	simm.s32 @!p0 $0x1082;
	s9 =	sld [smem:$0x3FAE]  }
0x2f: {  	lr =	sadd.s32 s0, s3;
	s0 =	sld [smem:$0x3FA5]  }
0x30: {  	s3 =	sld [smem:$0x3FA8]  }
0x31: {  	[smem:$0x3FB1] =	sst s10  }
0x32: {  	s10 =	sld [smem:$0x3FAF];
	_ =	sdelay $0x3  }
0x33: {  	p0 =	seq.s32 s10, $0x1;
	s10 =	sld [smem:$0x3FB1];
	_ =	sdelay $0x3  }
0x34: {  	[smem:$0x3FB1] =	sst s10  }
0x35: {  	s10 =	sld [smem:$0x3FB0];
	_ =	sdelay $0x3  }
0x36: {  	p1 =	seq.s32 s10, $0x1;
	s10 =	sld [smem:$0x3FB1];
	_ =	sdelay $0x3  }
0x37: {  	[smem:$0x3FB1] =	sst s10  }
0x38: {  	s10 =	sld [smem:$0x3FB2]  }
0x39: {  	_ = 	snop;
	(pc) =	sbr.ind lr, $3  }
0x3a: {  	_ = 	snop  }
0x3b: {  	_ = 	snop  }
0x3c: {  	p2 =	seq.s32 s10, $0x1;
	s10 =	sld [smem:$0x3FB1]  }
0x3d: {  	_ =	shalt  }
0x3e: {  	_ =	shalt  }
0x3f: {  	_ =	shalt  }
0x40: {  	_ =	shalt  }
0x41: {  	_ =	shalt  }
0x42: {  	_ =	shalt  }
0x43: {  	_ =	shalt  }
0x44: {  	_ =	shalt  }
0x45: {  	_ =	shalt  }
0x46: {  	_ =	shalt  }
0x47: {  	_ =	shalt  }
0x48: {  	_ =	shalt  }
0x49: {  	_ =	shalt  }
0x4a: {  	_ =	shalt  }
0x4b: {  	_ =	shalt  }
0x4c: {  	_ =	shalt  }
0x4d: {  	_ =	shalt  }
0x4e: {  	_ =	shalt  }
0x4f: {  	_ =	shalt  }
0x50: {  	_ =	shalt  }
0x51: {  	_ =	shalt  }
0x52: {  	_ =	shalt  }
0x53: {  	_ =	shalt  }
0x54: {  	_ =	shalt  }
0x55: {  	_ =	shalt  }
0x56: {  	_ =	shalt  }
0x57: {  	_ =	shalt  }
0x58: {  	_ =	shalt  }
0x59: {  	_ =	shalt  }
0x5a: {  	_ =	shalt  }
0x5b: {  	_ =	shalt  }
0x5c: {  	_ =	shalt  }
0x5d: {  	_ =	shalt  }
0x5e: {  	_ =	shalt  }
0x5f: {  	_ =	shalt  }
0x60: {  	_ =	shalt  }
0x61: {  	_ =	shalt  }
0x62: {  	_ =	shalt  }
0x63: {  	_ =	shalt  }
0x64: {  	_ =	shalt  }
0x65: {  	_ =	shalt  }
0x66: {  	_ =	shalt  }
0x67: {  	_ =	shalt  }
0x68: {  	_ =	shalt  }
0x69: {  	_ =	shalt  }
0x6a: {  	_ =	shalt  }
0x6b: {  	_ =	shalt  }
0x6c: {  	_ =	shalt  }
0x6d: {  	_ =	shalt  }
0x6e: {  	_ =	shalt  }
0x6f: {  	_ =	shalt  }
0x70: {  	_ =	shalt  }
0x71: {  	_ =	shalt  }
0x72: {  	_ =	shalt  }
0x73: {  	_ =	shalt  }
0x74: {  	_ =	shalt  }
0x75: {  	_ =	shalt  }
0x76: {  	_ =	shalt  }
0x77: {  	_ =	shalt  }
0x78: {  	_ =	shalt  }
0x79: {  	_ =	shalt  }
0x7a: {  	_ =	shalt  }
0x7b: {  	_ =	shalt  }
0x7c: {  	_ =	shalt  }
0x7d: {  	_ =	shalt  }
0x7e: {  	_ =	shalt  }
0x7f: {  	_ =	shalt  }
0x80: {  	_ =	shalt  }
0x81: {  	_ =	shalt  }
0x82: {  	_ =	shalt  }
0x83: {  	_ =	shalt  }
0x84: {  	_ =	shalt  }
0x85: {  	_ =	shalt  }
0x86: {  	_ =	shalt  }
0x87: {  	_ =	shalt  }
.Lfunc_end0:
.L_simem_size_0:
called_computation.2_lowered:
.L_overlay_start_0:
0x88: {  	s2 =	sld [smem:$0x3FD9]  }
0x89: {  	s3 =	sld [smem:$0x3FFE];
	_ =	sdelay $0x1  }
0x8a: {  	s1 =	srdreg.scid  }
0x8b: {  	s0 =	sand.u32 $0x1, s1  }
0x8c: {  	s17 =	sshll.u32 s0, $0xA;
	s2 =	sadd.s32 s3, s2  }
0x8d: {  	s2 =	sadd.s32 s2, s17  }
0x8e: {  	[smem:$0x3FBD] =	sst s2  }
0x8f: {  	_ = 	snop  }
0x90: {  	s2 =	sld [smem:$0x3FD0];
	(tm) =	ssettm $0x1  }
0x91: {  	s18 =	sld [smem:$0x3FFB];
	_ =	sdelay $0x3  }
0x92: {  	_ =	strace s18  }
0x93: {  	s3 =	sld [smem:$0x3FFC];
	_ =	sdelay $0x3  }
0x94: {  	_ =	strace s3  }
0x95: {  	s3 =	sld [smem:$0x3FFD];
	_ =	sdelay $0x3  }
0x96: {  	_ =	strace s3  }
0x97: {  	_ =	strace $0x8FFFFFFF  }
0x98: {  	s19 =	sld [smem:$0x3FDB];
	_ =	sdelay $0x1  }
0x99: {  	s4 =	simm.s32 $_scs_section_size  }
0x9a: {  	s5 =	simm.s32 $_size__tile_overlayer_lowered;
	s6 =	simm.s32 $_tile_overlayer_lowered  }
0x9b: {  	s22 =	simm.s32 $0x1BFF;
	s21 =	sshll.u32 s6, $0x1;
	s3 =	sadd.s32 s4, s19  }
0x9c: {  	s7 =	simm.s32 $0x0;
	s20 =	sshll.u32 s5, $0x1;
	s5 =	sadd.s32 s21, s3  }
0x9d: {  	[timem:s7], [sflag:s22] =	dma.local [hbm:s5], s20  }
0x9e: {  	_ =	swait.ge [sflag:s22], s20  }
0x9f: {  	s4 =	ssub.s32 $0x0, s20;
	[sflag:s22] =	ssyncset.done $0x0  }
0xa0: {  	[sflag:s22] =	ssyncadd.s32 s4;
	_ =	sdelay $0x1  }
0xa1: {  	s23 =	simm.s32 $0x1B8B  }
0xa2: {  	_ =	swait.ge [sflag:s23], $0x1  }
0xa3: {  	[sflag:s23] =	ssyncset.done $0x0  }
0xa4: {  	s25 =	simm.s32 $0x1B8E;
	s24 =	sld [smem:$0x3FFE];
	[sflag:s23] =	ssyncadd.s32 $0xFFFFFFFF  }
0xa5: {  	s26 =	simm.s32 $execute0_lowered;
	[smem:$0x3FD2] =	sst s25  }
0xa6: {  	s5 =	sshll.u32 s26, $0x1;
	_ =	strace $0x8000004C;
	[dreg:$0x1] =	wrdreg $0xFFFFFFFF  }
0xa7: {  	s28 =	simm.s32 $_size_execute0_lowered;
	s3 =	sadd.s32 s3, s5;
	[dreg:$0x0] =	wrdreg $0x0  }
0xa8: {  	s5 =	sshll.u32 s28, $0x1;
	[dreg:$0x2] =	wrdreg s3  }
0xa9: {  	[dreg:$0x3] =	wrdreg s5  }
0xaa: {  	[dreg:$0x4] =	wrdreg $0xC0  }
0xab: {  	_ =	task [dreg:s7], $0x5FFFF  }
0xac: {  	[dreg:$0x1] =	wrdreg $0xFFFFFFFF  }
0xad: {  	[dreg:$0x0] =	wrdreg $0x60  }
0xae: {  	[dreg:$0x2] =	wrdreg s24  }
0xaf: {  	[dreg:$0x3] =	wrdreg s2  }
0xb0: {  	[dreg:$0x4] =	wrdreg $0xA8000  }
0xb1: {  	[dreg:$0x5] =	wrdreg $0x9  }
0xb2: {  	_ =	task.clear_ibuf [dreg:s7], $0x6FFFF;
	_ =	strace $0x9000004C  }
0xb3: {  	s29 =	simm.s32 $0x9;
	_ =	strace $0x8000004E  }
0xb4: {  	_ =	swait.ge [sflag:s29], $0x1  }
0xb5: {  	[sflag:s29] =	ssyncadd.s32 $0xFFFFFFFF  }
0xb6: {  	_ =	strace $0x9000004E  }
0xb7: {  	_ =	sfence  }
0xb8: {  	s30 =	sld [smem:$0x0];
	_ =	sdelay $0x2  }
0xb9: {  	s31 =	sshll.u32 s1, $0xD;
	s1 =	sshrl.u32 s1, $0x2  }
0xba: {  	s3 =	sand.u32 $0x4000, s31;
	s1 =	sadd.s32 s1, s30  }
0xbb: {  	s0 =	sor.u32 s3, s0;
	s1 =	sshll.u32 s1, $0x11  }
0xbc: {  	s0 =	sor.u32 s1, s0  }
0xbd: {  	s0 =	sadd.s32 $0x8F2B, s0  }
0xbe: {  	[sflag:s0] =	ssyncadd.remote.s32 $0x1  }
0xbf: {  	_ =	sfence.sel $0xFFFF  }
0xc0: {  	[dreg:$0x0] =	wrdreg $0xFFFFFFFF;
	(pc) =	sbr.abs _section_cstart, $3  }
0xc1: {  	[dreg:$0x1] =	wrdreg $0xFFFFFFFF  }
0xc2: {  	_ =	task.clear_ibuf [dreg:s7], $0x2FFFF;
	_ =	strace $0x9FFFFFFF  }
0xc3: {  	(tm) =	ssettm $0x7FFFFFFF  }
tec
execute0_lowered:
.L_overlay_start_1:
0x0: {  	(tag) =	ssettag $0x1  }
0x1: {  	s6 =	rddreg [dreg:$0x0]  }
0x2: {  	s8 =	rddreg [dreg:$0x1]  }
0x3: {  	s1 =	rddreg [dreg:$0x2]  }
0x4: {  	s0 =	rddreg [dreg:$0x3]  }
0x5: {  	s3 =	simm.s32 $0x0;
	s2 =	srdreg.scid;
	s17 =	simm.s32 $0x2800  }
0x6: {  	s18 =	simm.s32 $0x5;
	s19 =	simm.s32 $0x1400;
	s20 =	simm.s32 $0x80  }
0x7: {  	s21 =	simm.s32 $0x6800;
	s22 =	simm.s32 $0x1;
	s23 =	simm.s32 $0x2  }
0x8: {  	s24 =	simm.s32 $0x1480;
	s25 =	simm.s32 $0x3;
	s26 =	simm.s32 $0x0  }
0x9: {  	[smem:$0x7FF] =	sst s3;
	s7 =	sand.u32 $0x1, s2;
	s2 =	stileid.u32  }
0xa: {  	s4 =	sadd.s32 $0x3E00, s6;
	s5 =	sadd.s32 $0x2B400, s6;
	s9 =	smul.u32 $0x140000, s7  }
0xb: {  	_ =	strace $0x8000004D;
	s10 =	smul.u32 $0x14000, s2;
	s11 =	sshll.u32 s2, $0x1  }
0xc: {  	s13 =	smul.u32 $0x50000, s2;
	s11 =	sor.u32 s7, s11;
	s7 =	ssub.s32 $0x2, s7  }
0xd: {  	s9 =	sadd.s32 s10, s9;
	s29 =	smul.u32 $0x1400, s11;
	s12 =	sshrl.u32 s7, $0x1  }
0xe: {  	p0 =	seq.s32 s11, $0x1F;
	s31 =	sshrl.u32 s13, $0x2;
	s9 =	sshrl.u32 s9, $0x3  }
0xf: {  	s16 =	ssub.s32 s7, s12;
	s7 =	simm.s32 $0x4;
	s15 =	sadd.s32 s9, s6  }
0x10: {  	s6 =	simm.s32 $0x4;
	s30 =	sshrl.u32 s29, $0x3;
	s9 =	sadd.s32 s31, s1  }
0x11: {  	s7 =	simm.s32 @!p0 $0x13;
	s16 =	smax.u32 s16, $0x1;
	s8 =	sadd.s32 s8, s30  }
0x12: {  	s11 =	sadd.s32 $0x4000, s9;
	s12 =	sadd.s32 $0x8000, s9;
	s13 =	sadd.s32 $0xC000, s9  }
0x13: {  	s14 =	sadd.s32 $0x10000, s9;
	s15 =	sadd.s32 $0x2BC00, s15;
	s10 =	sadd.s32 $0x5000, s8  }
.LBB2_1:
0x14: {  	[tilespmem:s17], [sflag:$0x5] =	stream.linear.gather [hbm4b:s5+s3], $0x4000, $0x38;
	[tilespmem:$0x1E800] =	vst v63  }
0x15: {  	_ =	swait.ge [sflag:s18], $0x4000  }
0x16: {  	[sflag:s18] =	ssyncset.done $0x0  }
0x17: {  	[sflag:s18] =	ssyncadd.s32 $0xFFFFC000  }
0x18: {  	[tilespmem:s3], [sflag:$0x5] =	stream.linear.gather [hbm4b:s8+s3], $0x1400, $0x38;
	[tilespmem:$0x1E800] =	vst v63  }
0x19: {  	_ =	swait.ge [sflag:s18], $0x1400  }
0x1a: {  	[sflag:s18] =	ssyncset.done $0x0  }
0x1b: {  	[sflag:s18] =	ssyncadd.s32 $0xFFFFEC00  }
0x1c: {  	[tilespmem:s19], [sflag:$0x5] =	stream.linear.gather [hbm4b:s10+s3], $0x1400, $0x38;
	[tilespmem:$0x1E800] =	vst v63  }
0x1d: {  	_ =	swait.ge [sflag:s18], $0x1400  }
0x1e: {  	[sflag:s18] =	ssyncset.done $0x0  }
0x1f: {  	[sflag:s18] =	ssyncadd.s32 $0xFFFFEC00  }
0x20: {  	[spmem:s9] =	stream.linear.scatter [tilespmem:s17], [sflag:$0x5], $0x4000, $0x38;
	[tilespmem:$0x1E800] =	vst v63  }
0x21: {  	_ =	swait.ge [sflag:s18], $0x4000  }
0x22: {  	[sflag:s18] =	ssyncset.done $0x0  }
0x23: {  	[sflag:s18] =	ssyncadd.s32 $0xFFFFC000  }
0x24: {  	[spmem:s11] =	stream.linear.scatter [tilespmem:s17], [sflag:$0x5], $0x4000, $0x38;
	[tilespmem:$0x1E800] =	vst v63  }
0x25: {  	_ =	swait.ge [sflag:s18], $0x4000  }
0x26: {  	[sflag:s18] =	ssyncset.done $0x0  }
0x27: {  	[sflag:s18] =	ssyncadd.s32 $0xFFFFC000  }
0x28: {  	[spmem:s12] =	stream.linear.scatter [tilespmem:s17], [sflag:$0x5], $0x4000, $0x38;
	[tilespmem:$0x1E800] =	vst v63  }
0x29: {  	_ =	swait.ge [sflag:s18], $0x4000  }
0x2a: {  	[sflag:s18] =	ssyncset.done $0x0  }
0x2b: {  	[sflag:s18] =	ssyncadd.s32 $0xFFFFC000  }
0x2c: {  	[spmem:s13] =	stream.linear.scatter [tilespmem:s17], [sflag:$0x5], $0x4000, $0x38;
	[tilespmem:$0x1E800] =	vst v63  }
0x2d: {  	_ =	swait.ge [sflag:s18], $0x4000  }
0x2e: {  	[sflag:s18] =	ssyncset.done $0x0  }
0x2f: {  	[sflag:s18] =	ssyncadd.s32 $0xFFFFC000  }
0x30: {  	[spmem:s14] =	stream.linear.scatter [tilespmem:s17], [sflag:$0x5], $0x4000, $0x38;
	[tilespmem:$0x1E800] =	vst v63  }
0x31: {  	_ =	swait.ge [sflag:s18], $0x4000  }
0x32: {  	[sflag:s18] =	ssyncset.done $0x0  }
0x33: {  	[sflag:s18] =	ssyncadd.s32 $0xFFFFC000  }
0x34: {  	[bflag:$0x0] =	sbarrier.arrive $0xFFFF  }
0x35: {  	[tilespmem:s17], [sflag:$0x1] =	stream.indirect.gather [hbm4b:s4+s20], $0x80, s3, s20, $0xb8;
	[tilespmem:$0x1E800] =	vst v63  }
0x36: {  	_ = 	snop  }
0x37: {  	[tilespmem:s21], [sflag:$0x2] =	stream.indirect.gather [hbm4b:s4+s20], $0x80, s20, s20, $0xb8;
	[tilespmem:$0x1E800] =	vst v63  }
0x38: {  	_ =	swait.ge [sflag:s22], $0x4000  }
0x39: {  	[sflag:s22] =	ssyncset.done $0x0  }
0x3a: {  	[sflag:s22] =	ssyncadd.s32 $0xFFFFC000  }
0x3b: {  	[spmem:s1] =	stream.indirect.scatter.add.f32 [tilespmem:s17], [sflag:$0x3], $0x80, s19, s20, $0xb8;
	[tilespmem:$0x1E800] =	vst v63  }
0x3c: {  	_ =	swait.ge [sflag:s23], $0x4000  }
0x3d: {  	[sflag:s23] =	ssyncset.done $0x0  }
0x3e: {  	[sflag:s23] =	ssyncadd.s32 $0xFFFFC000  }
0x3f: {  	[spmem:s1] =	stream.indirect.scatter.add.f32 [tilespmem:s21], [sflag:$0x4], $0x80, s24, s20, $0xb8;
	[tilespmem:$0x1E800] =	vst v63  }
0x40: {  	_ =	swait.ge [sflag:s25], $0x4000  }
0x41: {  	[sflag:s25] =	ssyncset.done $0x0  }
0x42: {  	s28 =	simm.s32 $0x100;
	[sflag:s25] =	ssyncadd.s32 $0xFFFFC000  }
0x43: {  	[tilespmem:s17], [sflag:$0x1] =	stream.indirect.gather [hbm4b:s4+s20], $0x80, s28, s20, $0xb8;
	[tilespmem:$0x1E800] =	vst v63  }
0x44: {  	_ =	swait.ge [sflag:s6], $0x4000  }
0x45: {  	[sflag:s6] =	ssyncset.done $0x0  }
0x46: {  	s28 =	simm.s32 $0x180;
	[sflag:s6] =	ssyncadd.s32 $0xFFFFC000  }
0x47: {  	[tilespmem:s21], [sflag:$0x2] =	stream.indirect.gather [hbm4b:s4+s20], $0x80, s28, s20, $0xb8;
	[tilespmem:$0x1E800] =	vst v63  }
0x48: {  	_ =	swait.ge [sflag:s22], $0x4000  }
0x49: {  	p0 =	sne.s32 s7, $0x1;
	[sflag:s22] =	ssyncset.done $0x0  }
.Ltmp0:
0x4a: {  	s28 =	simm.s32 $0x1500;
	[sflag:s22] =	ssyncadd.s32 $0xFFFFC000;
	(pc) =	sbr.rel @!p0 .LBB2_3-.Ltmp0, $4  }
0x4b: {  	[spmem:s1] =	stream.indirect.scatter.add.f32 [tilespmem:s17], [sflag:$0x3], $0x80, s28, s20, $0xb8;
	[tilespmem:$0x1E800] =	vst v63  }
0x4c: {  	_ =	swait.ge [sflag:s23], $0x4000  }
0x4d: {  	s29 =	simm.s32 $0x280;
	s31 =	simm.s32 $0x1580;
	[sflag:s23] =	ssyncset.done $0x0  }
0x4e: {  	s30 =	simm.s32 $0x1600;
	s28 =	sadd.s32 $0xFFFFFFFF, s7;
	[sflag:s23] =	ssyncadd.s32 $0xFFFFC000  }
.LBB2_2:
0x4f: {  	[spmem:s1] =	stream.indirect.scatter.add.f32 [tilespmem:s21], [sflag:$0x4], $0x80, s31, s20, $0xb8;
	[tilespmem:$0x1E800] =	vst v63  }
0x50: {  	p0 =	sne.s32 s28, $0x1;
	s28 =	sadd.s32 $0xFFFFFFFF, s28;
	_ =	swait.ge [sflag:s25], $0x4000  }
0x51: {  	[sflag:s25] =	ssyncset.done $0x0  }
0x52: {  	s31 =	sadd.s32 $0xFFFFFF80, s29;
	[sflag:s25] =	ssyncadd.s32 $0xFFFFC000  }
0x53: {  	[tilespmem:s17], [sflag:$0x1] =	stream.indirect.gather [hbm4b:s4+s20], $0x80, s31, s20, $0xb8;
	[tilespmem:$0x1E800] =	vst v63  }
0x54: {  	_ =	swait.ge [sflag:s6], $0x4000  }
0x55: {  	[sflag:s6] =	ssyncset.done $0x0  }
0x56: {  	[sflag:s6] =	ssyncadd.s32 $0xFFFFC000  }
0x57: {  	[tilespmem:s21], [sflag:$0x2] =	stream.indirect.gather [hbm4b:s4+s20], $0x80, s29, s20, $0xb8;
	[tilespmem:$0x1E800] =	vst v63  }
0x58: {  	_ =	swait.ge [sflag:s22], $0x4000  }
0x59: {  	[sflag:s22] =	ssyncset.done $0x0  }
.Ltmp1:
0x5a: {  	[sflag:s22] =	ssyncadd.s32 $0xFFFFC000;
	(pc) =	sbr.rel @p0 .LBB2_2-.Ltmp1, $4  }
0x5b: {  	[spmem:s1] =	stream.indirect.scatter.add.f32 [tilespmem:s17], [sflag:$0x3], $0x80, s30, s20, $0xb8;
	[tilespmem:$0x1E800] =	vst v63  }
0x5c: {  	_ =	swait.ge [sflag:s23], $0x4000  }
0x5d: {  	s29 =	sadd.s32 $0x100, s29;
	[sflag:s23] =	ssyncset.done $0x0  }
0x5e: {  	s31 =	sadd.s32 $0x80, s30;
	s30 =	sadd.s32 $0x100, s30;
	[sflag:s23] =	ssyncadd.s32 $0xFFFFC000  }
.LBB2_3:
0x5f: {  	[spmem:s1] =	stream.indirect.scatter.add.f32 [tilespmem:s21], [sflag:$0x4], $0x80, s31, s20, $0xb8;
	[tilespmem:$0x1E800] =	vst v63  }
0x60: {  	_ =	swait.ge [sflag:s25], $0x4000  }
0x61: {  	[sflag:s25] =	ssyncset.done $0x0  }
0x62: {  	[sflag:s25] =	ssyncadd.s32 $0xFFFFC000  }
0x63: {  	_ =	swait.ge [sflag:s6], $0x4000  }
0x64: {  	s28 =	sshll.u32 s2, $0x6;
	s26 =	sadd.s32 $0x1, s26;
	[sflag:s6] =	ssyncset.done $0x0  }
0x65: {  	s29 =	sshrl.u32 s9, $0x3;
	p0 =	sne.s32 s26, s16;
	[sflag:s6] =	ssyncadd.s32 $0xFFFFC000  }
.Ltmp2:
0x66: {  	s28 =	sor.u32 $0x1C05, s28;
	[bflag:$0x0] =	sbarrier.arrive $0xFFFF;
	(pc) =	sbr.rel @p0 .LBB2_1-.Ltmp2, $4  }
0x67: {  	[hbm:s15], [sflag:s28] =	dma.local [spmem:s29], $0x2800  }
0x68: {  	_ =	swait.ge [sflag:s18], $0x2800  }
0x69: {  	[sflag:s18] =	ssyncset.done $0x0  }
0x6a: {  	[sflag:s18] =	ssyncadd.s32 $0xFFFFD800  }
0x6b: {  	_ =	sfence.sel $0x180000  }
0x6c: {  	[bflag:$0x0] =	sbarrier.arrive $0xFFFF  }
0x6d: {  	p0 =	sne.s32 s2, $0x0;
	_ =	strace $0x9000004D  }
0x6e: {  	s0 =	sadd.s32 @!p0 $0x100000, s0;
	[bflag:$0x2] =	sbarrier.arrive $0xFFFF  }
0x6f: {  	[sflag:s0] =	ssyncadd.tile.s32 @!p0 $0x1;
	_ =	shalt  }
.Lfunc_end2:
_tile_overlayer_lowered:
.L_overlay_start_2:
0x70: {  	(tag) =	ssettag $0x2  }
0x71: {  	s0 =	rddreg [dreg:$0x0];
	s2 =	stileid.u32  }
0x72: {  	s1 =	rddreg [dreg:$0x1];
	p0 =	sne.s32 s2, $0x0  }
0x73: {  	s3 =	rddreg [dreg:$0x2];
	[bflag:$0x3] =	sbarrier.arrive $0xFFFF;
	s2 =	simm.s32 @!p0 $0x1C05  }
0x74: {  	[timem:s3], [sflag:s2] =	dma.local @!p0 [hbm:s0], s1  }
0x75: {  	s0 =	simm.s32 @!p0 $0x5  }
0x76: {  	_ =	swait.ge @!p0 [sflag:s0], s1  }
0x77: {  	s1 =	ssub.s32 @!p0 $0x0, s1;
	[sflag:s0] =	ssyncset.done @!p0 $0x0  }
0x78: {  	[sflag:s0] =	ssyncadd.s32 @!p0 s1  }
0x79: {  	[bflag:$0x3] =	sbarrier.arrive $0xFFFF  }
0x7a: {  	_ =	shalt  }

</sc_bundles>
